<compile_context>
chip_gen: v7x
topology: tpu7x:2x2x1
jax: 0.10.2.dev20260603
libtpu: 0.0.44.dev20260713+nightly
codegen_flags: <defaults>
</compile_context>

<pallas_src>
import functools

import jax
import jax.numpy as jnp
from jax import lax
from jax.experimental import pallas as pl
from jax.experimental.pallas import tpu as pltpu


from jax.experimental.pallas import tpu_sc as plsc


@functools.cache
def _make_sc_gather_softmax(n_neurons: int, n_sf: int, b: int):
    info = plsc.get_sparse_core_info()
    nc, ns, nl = info.num_cores, info.num_subcores, info.num_lanes
    nw = nc * ns
    b_per_w = b // nw
    nv = n_sf // nl
    mesh = plsc.VectorSubcoreMesh(core_axis_name="c", subcore_axis_name="s")

    @functools.partial(
        pl.kernel,
        mesh=mesh,
        out_type=jax.ShapeDtypeStruct((b, n_sf), jnp.float32),
        scratch_types=[
            pltpu.VMEM((b_per_w,), jnp.int32),
            pltpu.VMEM((b_per_w, n_sf), jnp.float32),
            pltpu.SemaphoreType.DMA,
        ],
    )
    def sc_kernel(table_hbm, idx_hbm, out_hbm, idx_v, rows_v, sem):
        wid = lax.axis_index("s") * nc + lax.axis_index("c")
        base = wid * b_per_w
        pltpu.sync_copy(idx_hbm.at[pl.ds(base, b_per_w)], idx_v)
        pltpu.async_copy(table_hbm.at[idx_v], rows_v, sem).wait()

        lane = lax.iota(jnp.int32, nl)
        gather_dn = lax.GatherDimensionNumbers(
            offset_dims=(), collapsed_slice_dims=(0,), start_index_map=(0,))

        def shuffle(v, sh):
            return lax.gather(v, (lane ^ sh)[:, None], gather_dn,
                              slice_sizes=(1,),
                              mode=lax.GatherScatterMode.PROMISE_IN_BOUNDS)

        def butterfly(v, op):
            sh = nl // 2
            while sh:
                v = op(v, shuffle(v, sh))
                sh //= 2
            return v

        def row_body(r, carry):
            vs = [rows_v[r, pl.ds(j * nl, nl)] for j in range(nv)]
            m = vs[0]
            for j in range(1, nv):
                m = jnp.maximum(m, vs[j])
            row_max = butterfly(m, jnp.maximum)
            es = [jnp.exp(v - row_max) for v in vs]
            acc = es[0]
            for j in range(1, nv):
                acc = acc + es[j]
            inv = 1.0 / butterfly(acc, jnp.add)
            for j in range(nv):
                rows_v[r, pl.ds(j * nl, nl)] = es[j] * inv
            return carry

        lax.fori_loop(0, b_per_w, row_body, 0)
        pltpu.sync_copy(rows_v, out_hbm.at[pl.ds(base, b_per_w)])

    return sc_kernel


def _tc_fused(xt, idx, alphas_pad):
    bsz, c_dim, s_dim, n_sf = xt.shape
    cs = c_dim * s_dim
    npad = alphas_pad.shape[0]
    bb = 8
    nbuf = 8
    nchunks = bsz // bb

    def body(x_hbm, idx_ref, a_ref, o_ref, buf, sems, att_ref):
        def start(c, slot):
            pltpu.make_async_copy(
                x_hbm.at[pl.ds(c * bb, bb)], buf.at[slot], sems.at[slot]
            ).start()

        def wait(slot):
            pltpu.make_async_copy(
                x_hbm.at[pl.ds(0, bb)], buf.at[slot], sems.at[slot]
            ).wait()

        for s in range(nbuf):
            start(s, s)

        ids_flat = idx_ref[...]
        iota_v = lax.broadcasted_iota(jnp.int32, (bsz, npad), 1)
        onehot = jnp.where(iota_v == ids_flat, 1.0, 0.0)
        gathered = jnp.dot(onehot, a_ref[...],
                           preferred_element_type=jnp.float32)
        row_max = jnp.max(gathered, axis=1, keepdims=True)
        e = jnp.exp(gathered - row_max)
        att = e / jnp.sum(e, axis=1, keepdims=True)
        att_ref[...] = att

        def outer(g, carry):
            base = g * nbuf
            for s in range(nbuf):
                c = base + s
                wait(s)
                for b in range(bb):
                    row = c * bb + b
                    xb = buf[s, b].reshape(cs, n_sf)
                    w_row = att_ref[pl.ds(row, 1), :]
                    o_ref[pl.ds(row, 1), :] = lax.dot_general(
                        w_row, xb, (((1,), (1,)), ((), ())),
                        preferred_element_type=jnp.float32)
                nxt = c + nbuf

                @pl.when(nxt < nchunks)
                def _():
                    start(nxt, s)
            return carry

        lax.fori_loop(0, nchunks // nbuf, outer, 0)

    return pl.pallas_call(
        body,
        in_specs=[
            pl.BlockSpec(memory_space=pl.ANY),
            pl.BlockSpec(memory_space=pltpu.VMEM),
            pl.BlockSpec(memory_space=pltpu.VMEM),
        ],
        out_specs=pl.BlockSpec(memory_space=pltpu.VMEM),
        out_shape=jax.ShapeDtypeStruct((bsz, cs), jnp.float32),
        scratch_shapes=[
            pltpu.VMEM((nbuf, bb, c_dim, s_dim, n_sf), jnp.float32),
            pltpu.SemaphoreType.DMA((nbuf,)),
            pltpu.VMEM((bsz, n_sf), jnp.float32),
        ],
    )(xt, idx, alphas_pad)


def kernel(x, neuron_list, alphas):
    b = x.shape[0]
    n_neurons, n_sf = alphas.shape
    npad = 64
    alphas_pad = jnp.zeros((npad, n_sf), jnp.float32).at[:n_neurons].set(alphas)
    xt = x.transpose(0, 2, 3, 1)
    idx2 = neuron_list.reshape(b, 1)
    out = _tc_fused(xt, idx2, alphas_pad)
    alphas_att = _make_sc_gather_softmax(n_neurons, n_sf, b)(alphas, neuron_list)
    return out, alphas_att

# --- scband reference (transcript-rebuilt; emitter-appended) ---
"""Pipeline reference for scband-exp-attention-16415365005320 (READ-ONLY COPY).

The authoritative reference and input builder live on the scoring server;
editing this copy changes nothing except your own understanding.
"""

import jax, jax.numpy as jnp
import numpy as np

N_NEURONS = 53
N_SF = 128
B = 1024
C = 32
S = 16


def setup_inputs(seed: int = 0) -> dict:
    key = jax.random.key(seed)
    k1, k2, k3 = jax.random.split(key, 3)
    x = jax.random.normal(k1, (B, N_SF, C, S), dtype=jnp.float32)
    # neuron_list in the torch module is a list of neuron-name strings of length B;
    # here we precompute the integer indices produced by the neuron dictionary lookup.
    neuron_list = jax.random.randint(k2, (B,), 0, N_NEURONS, dtype=jnp.int32)
    # alphas parameter: kaiming_uniform_(a=sqrt(5)) -> U(-1/sqrt(fan_in), 1/sqrt(fan_in))
    bound = 1.0 / np.sqrt(N_SF)
    alphas = jax.random.uniform(k3, (N_NEURONS, N_SF), dtype=jnp.float32, minval=-bound, maxval=bound)
    return {"x": x, "neuron_list": neuron_list, "alphas": alphas}


def reference(x, neuron_list, alphas):
    b, n, c, s = x.shape
    xr = x.reshape(b, n, c * s)                       # 'b n c s -> b n (c s)'
    gathered = jnp.take(alphas, neuron_list, axis=0)  # embedding-style row gather [B, N_SF]
    alphas_att = jax.nn.softmax(gathered, axis=1)
    attn_output = xr * alphas_att[:, :, None]          # [B, N_SF, C*S]
    return attn_output.sum(axis=1), alphas_att

if __name__ == "__main__":
    import jax
    _d = setup_inputs()
    print(jax.jit(kernel)(*tuple(_d.values())))

</pallas_src>

<mosaic_0001>
#map = affine_map<(d0, d1) -> (0, 0)>
#map1 = affine_map<(d0, d1) -> (0)>
module attributes {stable_mosaic.version = 14 : i64} {
  func.func @sc_kernel(%arg0: i32, %arg1: i32, %arg2: memref<53x128xf32, #tpu.memory_space<hbm>>, %arg3: memref<1024xi32, #tpu.memory_space<hbm>>, %arg4: memref<1024x128xf32, #tpu.memory_space<hbm>>, %arg5: memref<32xi32, #tpu.memory_space<vmem>>, %arg6: memref<32x128xf32, #tpu.memory_space<vmem>>, %arg7: memref<!tpu.dma_semaphore, #tpu.memory_space<semaphore_mem>>) attributes {dimension_semantics = [#tpu.dimension_semantics<core_parallel>, #tpu.dimension_semantics<subcore_parallel>], iteration_bounds = array<i64: 2, 16>, scalar_prefetch = 0 : i64, scratch_operands = 3 : i64, tpu.core_type = #tpu.core_type<sc_vector_subcore>, window_params = [{transform_indices = #map}, {transform_indices = #map1}, {transform_indices = #map}]} {
    %mul3A = arith.constant 2 : i32
    %mul3A_0 = arith.muli %arg1, %mul3A : i32
    %add3A = arith.addi %mul3A_0, %arg0 : i32
    %mul3A_1 = arith.constant 32 : i32
    %mul3A_2 = arith.muli %add3A, %mul3A_1 : i32
    "tpu.region"() ({
      %run_scoped3A = tpu.sem_alloc : memref<!tpu.dma_semaphore, #tpu.memory_space<semaphore_mem>>
      %dma_start3A_12 = tpu.memref_slice %arg3[%mul3A_2] : memref<1024xi32, #tpu.memory_space<hbm>> -> memref<32xi32, #tpu.memory_space<hbm>>
      %dma_start3A_13 = tpu.memref_slice %arg3[%mul3A_2] : memref<1024xi32, #tpu.memory_space<hbm>> -> memref<32xi32, #tpu.memory_space<hbm>>
      tpu.enqueue_dma source(%dma_start3A_13 : memref<32xi32, #tpu.memory_space<hbm>>) target(%arg5 : memref<32xi32, #tpu.memory_space<vmem>>) target_semaphore(%run_scoped3A : memref<!tpu.dma_semaphore, #tpu.memory_space<semaphore_mem>>)
      %dma_wait3A_14 = tpu.memref_slice %arg3[%mul3A_2] : memref<1024xi32, #tpu.memory_space<hbm>> -> memref<32xi32, #tpu.memory_space<hbm>>
      %dma_wait3A_15 = tpu.memref_slice %arg3[%mul3A_2] : memref<1024xi32, #tpu.memory_space<hbm>> -> memref<32xi32, #tpu.memory_space<hbm>>
      tpu.wait_dma2 semaphore(%run_scoped3A : memref<!tpu.dma_semaphore, #tpu.memory_space<semaphore_mem>>) src(%dma_wait3A_15 : memref<32xi32, #tpu.memory_space<hbm>>) dst(%arg5 : memref<32xi32, #tpu.memory_space<vmem>>)
      tpu.yield
    }) : () -> ()
    %dma_start3A = arith.constant 0 : i32
    %dma_start3A_3 = arith.constant 0 : i32
    %dma_start3A_4 = tpu.memref_slice %arg2[%dma_start3A, %dma_start3A_3] : memref<53x128xf32, #tpu.memory_space<hbm>> -> memref<53x128xf32, #tpu.memory_space<hbm>>
    tpu.enqueue_indirect_dma source(%dma_start3A_4 : memref<53x128xf32, #tpu.memory_space<hbm>>) target(%arg6 : memref<32x128xf32, #tpu.memory_space<vmem>>) offsets(%arg5 : memref<32xi32, #tpu.memory_space<vmem>>) semaphore(%arg7 : memref<!tpu.dma_semaphore, #tpu.memory_space<semaphore_mem>>)
    %dma_wait3A = arith.constant 0 : i32
    %dma_wait3A_5 = arith.constant 0 : i32
    %dma_wait3A_6 = tpu.memref_slice %arg2[%dma_wait3A, %dma_wait3A_5] : memref<53x128xf32, #tpu.memory_space<hbm>> -> memref<53x128xf32, #tpu.memory_space<hbm>>
    tpu.wait_indirect_dma semaphore(%arg7 : memref<!tpu.dma_semaphore, #tpu.memory_space<semaphore_mem>>) src(%dma_wait3A_6 : memref<53x128xf32, #tpu.memory_space<hbm>>) dst(%arg6 : memref<32x128xf32, #tpu.memory_space<vmem>>)
    %iota3A = tpu.iota {dimensions = array<i32: 0>} : vector<16xi32>
    %scan3A = arith.constant 0 : i32
    %scan3A_7 = arith.constant 0 : i32
    %scan3A_8 = arith.constant 32 : i32
    %scan3A_9 = arith.addi %scan3A_7, %scan3A_8 : i32
    %scan3A_10 = arith.constant 1 : i32
    scf.for %scan3A_12 = %scan3A_7 to %scan3A_9 step %scan3A_10  : i32 {
      %get3A = arith.index_cast %scan3A_12 : i32 to index
      %get3A_13 = arith.constant 0 : index
      %get3A_14 = tpu.vector_load %arg6[%get3A, %get3A_13] {strides = array<i32>} : memref<32x128xf32, #tpu.memory_space<vmem>>, vector<1x16xf32>,
      %get3A_15 = vector.shape_cast %get3A_14 : vector<1x16xf32> to vector<16xf32>
      %get3A_16 = arith.index_cast %scan3A_12 : i32 to index
      %get3A_17 = arith.constant 16 : index
      %get3A_18 = tpu.vector_load %arg6[%get3A_16, %get3A_17] {strides = array<i32>} : memref<32x128xf32, #tpu.memory_space<vmem>>, vector<1x16xf32>,
      %get3A_19 = vector.shape_cast %get3A_18 : vector<1x16xf32> to vector<16xf32>
      %get3A_20 = arith.index_cast %scan3A_12 : i32 to index
      %get3A_21 = arith.constant 32 : index
      %get3A_22 = tpu.vector_load %arg6[%get3A_20, %get3A_21] {strides = array<i32>} : memref<32x128xf32, #tpu.memory_space<vmem>>, vector<1x16xf32>,
      %get3A_23 = vector.shape_cast %get3A_22 : vector<1x16xf32> to vector<16xf32>
      %get3A_24 = arith.index_cast %scan3A_12 : i32 to index
      %get3A_25 = arith.constant 48 : index
      %get3A_26 = tpu.vector_load %arg6[%get3A_24, %get3A_25] {strides = array<i32>} : memref<32x128xf32, #tpu.memory_space<vmem>>, vector<1x16xf32>,
      %get3A_27 = vector.shape_cast %get3A_26 : vector<1x16xf32> to vector<16xf32>
      %get3A_28 = arith.index_cast %scan3A_12 : i32 to index
      %get3A_29 = arith.constant 64 : index
      %get3A_30 = tpu.vector_load %arg6[%get3A_28, %get3A_29] {strides = array<i32>} : memref<32x128xf32, #tpu.memory_space<vmem>>, vector<1x16xf32>,
      %get3A_31 = vector.shape_cast %get3A_30 : vector<1x16xf32> to vector<16xf32>
      %get3A_32 = arith.index_cast %scan3A_12 : i32 to index
      %get3A_33 = arith.constant 80 : index
      %get3A_34 = tpu.vector_load %arg6[%get3A_32, %get3A_33] {strides = array<i32>} : memref<32x128xf32, #tpu.memory_space<vmem>>, vector<1x16xf32>,
      %get3A_35 = vector.shape_cast %get3A_34 : vector<1x16xf32> to vector<16xf32>
      %get3A_36 = arith.index_cast %scan3A_12 : i32 to index
      %get3A_37 = arith.constant 96 : index
      %get3A_38 = tpu.vector_load %arg6[%get3A_36, %get3A_37] {strides = array<i32>} : memref<32x128xf32, #tpu.memory_space<vmem>>, vector<1x16xf32>,
      %get3A_39 = vector.shape_cast %get3A_38 : vector<1x16xf32> to vector<16xf32>
      %get3A_40 = arith.index_cast %scan3A_12 : i32 to index
      %get3A_41 = arith.constant 112 : index
      %get3A_42 = tpu.vector_load %arg6[%get3A_40, %get3A_41] {strides = array<i32>} : memref<32x128xf32, #tpu.memory_space<vmem>>, vector<1x16xf32>,
      %get3A_43 = vector.shape_cast %get3A_42 : vector<1x16xf32> to vector<16xf32>
      %max3A = arith.maximumf %get3A_15, %get3A_19 : vector<16xf32>
      %max3A_44 = arith.maximumf %max3A, %get3A_23 : vector<16xf32>
      %max3A_45 = arith.maximumf %max3A_44, %get3A_27 : vector<16xf32>
      %max3A_46 = arith.maximumf %max3A_45, %get3A_31 : vector<16xf32>
      %max3A_47 = arith.maximumf %max3A_46, %get3A_35 : vector<16xf32>
      %max3A_48 = arith.maximumf %max3A_47, %get3A_39 : vector<16xf32>
      %max3A_49 = arith.maximumf %max3A_48, %get3A_43 : vector<16xf32>
      %xor3A = arith.constant 8 : i32
      %xor3A_50 = vector.broadcast %xor3A : i32 to vector<16xi32>
      %xor3A_51 = arith.xori %iota3A, %xor3A_50 : vector<16xi32>
      %broadcast_in_dim3A = vector.shape_cast %xor3A_51 : vector<16xi32> to vector<16x1xi32>
      %gather3A = vector.shape_cast %broadcast_in_dim3A : vector<16x1xi32> to vector<16xi32>
      %gather3A_52 = tpu.dynamic_gather %max3A_49[%gather3A] in [0] : vector<16xf32>, vector<16xi32> -> vector<16xf32>
      %max3A_53 = arith.maximumf %max3A_49, %gather3A_52 : vector<16xf32>
      %xor3A_54 = arith.constant 4 : i32
      %xor3A_55 = vector.broadcast %xor3A_54 : i32 to vector<16xi32>
      %xor3A_56 = arith.xori %iota3A, %xor3A_55 : vector<16xi32>
      %broadcast_in_dim3A_57 = vector.shape_cast %xor3A_56 : vector<16xi32> to vector<16x1xi32>
      %gather3A_58 = vector.shape_cast %broadcast_in_dim3A_57 : vector<16x1xi32> to vector<16xi32>
      %gather3A_59 = tpu.dynamic_gather %max3A_53[%gather3A_58] in [0] : vector<16xf32>, vector<16xi32> -> vector<16xf32>
      %max3A_60 = arith.maximumf %max3A_53, %gather3A_59 : vector<16xf32>
      %xor3A_61 = arith.constant 2 : i32
      %xor3A_62 = vector.broadcast %xor3A_61 : i32 to vector<16xi32>
      %xor3A_63 = arith.xori %iota3A, %xor3A_62 : vector<16xi32>
      %broadcast_in_dim3A_64 = vector.shape_cast %xor3A_63 : vector<16xi32> to vector<16x1xi32>
      %gather3A_65 = vector.shape_cast %broadcast_in_dim3A_64 : vector<16x1xi32> to vector<16xi32>
      %gather3A_66 = tpu.dynamic_gather %max3A_60[%gather3A_65] in [0] : vector<16xf32>, vector<16xi32> -> vector<16xf32>
      %max3A_67 = arith.maximumf %max3A_60, %gather3A_66 : vector<16xf32>
      %xor3A_68 = arith.constant 1 : i32
      %xor3A_69 = vector.broadcast %xor3A_68 : i32 to vector<16xi32>
      %xor3A_70 = arith.xori %iota3A, %xor3A_69 : vector<16xi32>
      %broadcast_in_dim3A_71 = vector.shape_cast %xor3A_70 : vector<16xi32> to vector<16x1xi32>
      %gather3A_72 = vector.shape_cast %broadcast_in_dim3A_71 : vector<16x1xi32> to vector<16xi32>
      %gather3A_73 = tpu.dynamic_gather %max3A_67[%gather3A_72] in [0] : vector<16xf32>, vector<16xi32> -> vector<16xf32>
      %max3A_74 = arith.maximumf %max3A_67, %gather3A_73 : vector<16xf32>
      %sub3A = arith.subf %get3A_15, %max3A_74 : vector<16xf32>
      %exp3A = math.exp %sub3A : vector<16xf32>
      %sub3A_75 = arith.subf %get3A_19, %max3A_74 : vector<16xf32>
      %exp3A_76 = math.exp %sub3A_75 : vector<16xf32>
      %sub3A_77 = arith.subf %get3A_23, %max3A_74 : vector<16xf32>
      %exp3A_78 = math.exp %sub3A_77 : vector<16xf32>
      %sub3A_79 = arith.subf %get3A_27, %max3A_74 : vector<16xf32>
      %exp3A_80 = math.exp %sub3A_79 : vector<16xf32>
      %sub3A_81 = arith.subf %get3A_31, %max3A_74 : vector<16xf32>
      %exp3A_82 = math.exp %sub3A_81 : vector<16xf32>
      %sub3A_83 = arith.subf %get3A_35, %max3A_74 : vector<16xf32>
      %exp3A_84 = math.exp %sub3A_83 : vector<16xf32>
      %sub3A_85 = arith.subf %get3A_39, %max3A_74 : vector<16xf32>
      %exp3A_86 = math.exp %sub3A_85 : vector<16xf32>
      %sub3A_87 = arith.subf %get3A_43, %max3A_74 : vector<16xf32>
      %exp3A_88 = math.exp %sub3A_87 : vector<16xf32>
      %add3A_89 = arith.addf %exp3A, %exp3A_76 : vector<16xf32>
      %add3A_90 = arith.addf %add3A_89, %exp3A_78 : vector<16xf32>
      %add3A_91 = arith.addf %add3A_90, %exp3A_80 : vector<16xf32>
      %add3A_92 = arith.addf %add3A_91, %exp3A_82 : vector<16xf32>
      %add3A_93 = arith.addf %add3A_92, %exp3A_84 : vector<16xf32>
      %add3A_94 = arith.addf %add3A_93, %exp3A_86 : vector<16xf32>
      %add3A_95 = arith.addf %add3A_94, %exp3A_88 : vector<16xf32>
      %xor3A_96 = arith.constant 8 : i32
      %xor3A_97 = vector.broadcast %xor3A_96 : i32 to vector<16xi32>
      %xor3A_98 = arith.xori %iota3A, %xor3A_97 : vector<16xi32>
      %broadcast_in_dim3A_99 = vector.shape_cast %xor3A_98 : vector<16xi32> to vector<16x1xi32>
      %gather3A_100 = vector.shape_cast %broadcast_in_dim3A_99 : vector<16x1xi32> to vector<16xi32>
      %gather3A_101 = tpu.dynamic_gather %add3A_95[%gather3A_100] in [0] : vector<16xf32>, vector<16xi32> -> vector<16xf32>
      %add3A_102 = arith.addf %add3A_95, %gather3A_101 : vector<16xf32>
      %xor3A_103 = arith.constant 4 : i32
      %xor3A_104 = vector.broadcast %xor3A_103 : i32 to vector<16xi32>
      %xor3A_105 = arith.xori %iota3A, %xor3A_104 : vector<16xi32>
      %broadcast_in_dim3A_106 = vector.shape_cast %xor3A_105 : vector<16xi32> to vector<16x1xi32>
      %gather3A_107 = vector.shape_cast %broadcast_in_dim3A_106 : vector<16x1xi32> to vector<16xi32>
      %gather3A_108 = tpu.dynamic_gather %add3A_102[%gather3A_107] in [0] : vector<16xf32>, vector<16xi32> -> vector<16xf32>
      %add3A_109 = arith.addf %add3A_102, %gather3A_108 : vector<16xf32>
      %xor3A_110 = arith.constant 2 : i32
      %xor3A_111 = vector.broadcast %xor3A_110 : i32 to vector<16xi32>
      %xor3A_112 = arith.xori %iota3A, %xor3A_111 : vector<16xi32>
      %broadcast_in_dim3A_113 = vector.shape_cast %xor3A_112 : vector<16xi32> to vector<16x1xi32>
      %gather3A_114 = vector.shape_cast %broadcast_in_dim3A_113 : vector<16x1xi32> to vector<16xi32>
      %gather3A_115 = tpu.dynamic_gather %add3A_109[%gather3A_114] in [0] : vector<16xf32>, vector<16xi32> -> vector<16xf32>
      %add3A_116 = arith.addf %add3A_109, %gather3A_115 : vector<16xf32>
      %xor3A_117 = arith.constant 1 : i32
      %xor3A_118 = vector.broadcast %xor3A_117 : i32 to vector<16xi32>
      %xor3A_119 = arith.xori %iota3A, %xor3A_118 : vector<16xi32>
      %broadcast_in_dim3A_120 = vector.shape_cast %xor3A_119 : vector<16xi32> to vector<16x1xi32>
      %gather3A_121 = vector.shape_cast %broadcast_in_dim3A_120 : vector<16x1xi32> to vector<16xi32>
      %gather3A_122 = tpu.dynamic_gather %add3A_116[%gather3A_121] in [0] : vector<16xf32>, vector<16xi32> -> vector<16xf32>
      %add3A_123 = arith.addf %add3A_116, %gather3A_122 : vector<16xf32>
      %div3A = arith.constant 1.000000e+00 : f32
      %div3A_124 = vector.broadcast %div3A : f32 to vector<16xf32>
      %div3A_125 = arith.divf %div3A_124, %add3A_123 : vector<16xf32>
      %mul3A_126 = arith.mulf %exp3A, %div3A_125 : vector<16xf32>
      %swap3A = arith.index_cast %scan3A_12 : i32 to index
      %swap3A_127 = arith.constant 0 : index
      %swap3A_128 = tpu.vector_load %arg6[%swap3A, %swap3A_127] {strides = array<i32>} : memref<32x128xf32, #tpu.memory_space<vmem>>, vector<1x16xf32>,
      %swap3A_129 = vector.shape_cast %swap3A_128 : vector<1x16xf32> to vector<16xf32>
      %swap3A_130 = vector.shape_cast %mul3A_126 : vector<16xf32> to vector<1x16xf32>
      tpu.vector_store %arg6[%swap3A, %swap3A_127], %swap3A_130 {strides = array<i32>} : memref<32x128xf32, #tpu.memory_space<vmem>>, vector<1x16xf32>,
      %mul3A_131 = arith.mulf %exp3A_76, %div3A_125 : vector<16xf32>
      %swap3A_132 = arith.index_cast %scan3A_12 : i32 to index
      %swap3A_133 = arith.constant 16 : index
      %swap3A_134 = tpu.vector_load %arg6[%swap3A_132, %swap3A_133] {strides = array<i32>} : memref<32x128xf32, #tpu.memory_space<vmem>>, vector<1x16xf32>,
      %swap3A_135 = vector.shape_cast %swap3A_134 : vector<1x16xf32> to vector<16xf32>
      %swap3A_136 = vector.shape_cast %mul3A_131 : vector<16xf32> to vector<1x16xf32>
      tpu.vector_store %arg6[%swap3A_132, %swap3A_133], %swap3A_136 {strides = array<i32>} : memref<32x128xf32, #tpu.memory_space<vmem>>, vector<1x16xf32>,
      %mul3A_137 = arith.mulf %exp3A_78, %div3A_125 : vector<16xf32>
      %swap3A_138 = arith.index_cast %scan3A_12 : i32 to index
      %swap3A_139 = arith.constant 32 : index
      %swap3A_140 = tpu.vector_load %arg6[%swap3A_138, %swap3A_139] {strides = array<i32>} : memref<32x128xf32, #tpu.memory_space<vmem>>, vector<1x16xf32>,
      %swap3A_141 = vector.shape_cast %swap3A_140 : vector<1x16xf32> to vector<16xf32>
      %swap3A_142 = vector.shape_cast %mul3A_137 : vector<16xf32> to vector<1x16xf32>
      tpu.vector_store %arg6[%swap3A_138, %swap3A_139], %swap3A_142 {strides = array<i32>} : memref<32x128xf32, #tpu.memory_space<vmem>>, vector<1x16xf32>,
      %mul3A_143 = arith.mulf %exp3A_80, %div3A_125 : vector<16xf32>
      %swap3A_144 = arith.index_cast %scan3A_12 : i32 to index
      %swap3A_145 = arith.constant 48 : index
      %swap3A_146 = tpu.vector_load %arg6[%swap3A_144, %swap3A_145] {strides = array<i32>} : memref<32x128xf32, #tpu.memory_space<vmem>>, vector<1x16xf32>,
      %swap3A_147 = vector.shape_cast %swap3A_146 : vector<1x16xf32> to vector<16xf32>
      %swap3A_148 = vector.shape_cast %mul3A_143 : vector<16xf32> to vector<1x16xf32>
      tpu.vector_store %arg6[%swap3A_144, %swap3A_145], %swap3A_148 {strides = array<i32>} : memref<32x128xf32, #tpu.memory_space<vmem>>, vector<1x16xf32>,
      %mul3A_149 = arith.mulf %exp3A_82, %div3A_125 : vector<16xf32>
      %swap3A_150 = arith.index_cast %scan3A_12 : i32 to index
      %swap3A_151 = arith.constant 64 : index
      %swap3A_152 = tpu.vector_load %arg6[%swap3A_150, %swap3A_151] {strides = array<i32>} : memref<32x128xf32, #tpu.memory_space<vmem>>, vector<1x16xf32>,
      %swap3A_153 = vector.shape_cast %swap3A_152 : vector<1x16xf32> to vector<16xf32>
      %swap3A_154 = vector.shape_cast %mul3A_149 : vector<16xf32> to vector<1x16xf32>
      tpu.vector_store %arg6[%swap3A_150, %swap3A_151], %swap3A_154 {strides = array<i32>} : memref<32x128xf32, #tpu.memory_space<vmem>>, vector<1x16xf32>,
      %mul3A_155 = arith.mulf %exp3A_84, %div3A_125 : vector<16xf32>
      %swap3A_156 = arith.index_cast %scan3A_12 : i32 to index
      %swap3A_157 = arith.constant 80 : index
      %swap3A_158 = tpu.vector_load %arg6[%swap3A_156, %swap3A_157] {strides = array<i32>} : memref<32x128xf32, #tpu.memory_space<vmem>>, vector<1x16xf32>,
      %swap3A_159 = vector.shape_cast %swap3A_158 : vector<1x16xf32> to vector<16xf32>
      %swap3A_160 = vector.shape_cast %mul3A_155 : vector<16xf32> to vector<1x16xf32>
      tpu.vector_store %arg6[%swap3A_156, %swap3A_157], %swap3A_160 {strides = array<i32>} : memref<32x128xf32, #tpu.memory_space<vmem>>, vector<1x16xf32>,
      %mul3A_161 = arith.mulf %exp3A_86, %div3A_125 : vector<16xf32>
      %swap3A_162 = arith.index_cast %scan3A_12 : i32 to index
      %swap3A_163 = arith.constant 96 : index
      %swap3A_164 = tpu.vector_load %arg6[%swap3A_162, %swap3A_163] {strides = array<i32>} : memref<32x128xf32, #tpu.memory_space<vmem>>, vector<1x16xf32>,
      %swap3A_165 = vector.shape_cast %swap3A_164 : vector<1x16xf32> to vector<16xf32>
      %swap3A_166 = vector.shape_cast %mul3A_161 : vector<16xf32> to vector<1x16xf32>
      tpu.vector_store %arg6[%swap3A_162, %swap3A_163], %swap3A_166 {strides = array<i32>} : memref<32x128xf32, #tpu.memory_space<vmem>>, vector<1x16xf32>,
      %mul3A_167 = arith.mulf %exp3A_88, %div3A_125 : vector<16xf32>
      %swap3A_168 = arith.index_cast %scan3A_12 : i32 to index
      %swap3A_169 = arith.constant 112 : index
      %swap3A_170 = tpu.vector_load %arg6[%swap3A_168, %swap3A_169] {strides = array<i32>} : memref<32x128xf32, #tpu.memory_space<vmem>>, vector<1x16xf32>,
      %swap3A_171 = vector.shape_cast %swap3A_170 : vector<1x16xf32> to vector<16xf32>
      %swap3A_172 = vector.shape_cast %mul3A_167 : vector<16xf32> to vector<1x16xf32>
      tpu.vector_store %arg6[%swap3A_168, %swap3A_169], %swap3A_172 {strides = array<i32>} : memref<32x128xf32, #tpu.memory_space<vmem>>, vector<1x16xf32>,
    }
    %scan3A_11 = arith.constant 32 : i32
    "tpu.region"() ({
      %run_scoped3A = tpu.sem_alloc : memref<!tpu.dma_semaphore, #tpu.memory_space<semaphore_mem>>
      %dma_start3A_12 = arith.constant 0 : i32
      %dma_start3A_13 = tpu.memref_slice %arg4[%mul3A_2, %dma_start3A_12] : memref<1024x128xf32, #tpu.memory_space<hbm>> -> memref<32x128xf32, #tpu.memory_space<hbm>>
      %dma_start3A_14 = arith.constant 0 : i32
      %dma_start3A_15 = tpu.memref_slice %arg4[%mul3A_2, %dma_start3A_14] : memref<1024x128xf32, #tpu.memory_space<hbm>> -> memref<32x128xf32, #tpu.memory_space<hbm>>
      tpu.enqueue_dma source(%arg6 : memref<32x128xf32, #tpu.memory_space<vmem>>) target(%dma_start3A_15 : memref<32x128xf32, #tpu.memory_space<hbm>>) target_semaphore(%run_scoped3A : memref<!tpu.dma_semaphore, #tpu.memory_space<semaphore_mem>>)
      %dma_wait3A_16 = arith.constant 0 : i32
      %dma_wait3A_17 = tpu.memref_slice %arg4[%mul3A_2, %dma_wait3A_16] : memref<1024x128xf32, #tpu.memory_space<hbm>> -> memref<32x128xf32, #tpu.memory_space<hbm>>
      %dma_wait3A_18 = arith.constant 0 : i32
      %dma_wait3A_19 = tpu.memref_slice %arg4[%mul3A_2, %dma_wait3A_18] : memref<1024x128xf32, #tpu.memory_space<hbm>> -> memref<32x128xf32, #tpu.memory_space<hbm>>
      tpu.wait_dma2 semaphore(%run_scoped3A : memref<!tpu.dma_semaphore, #tpu.memory_space<semaphore_mem>>) src(%arg6 : memref<32x128xf32, #tpu.memory_space<vmem>>) dst(%dma_wait3A_19 : memref<32x128xf32, #tpu.memory_space<hbm>>)
      tpu.yield
    }) : () -> ()
    return
  }
}

module attributes {stable_mosaic.version = 14 : i64} {
  func.func @body(%arg0: memref<1024x32x16x128xf32, #tpu.memory_space<any>>, %arg1: memref<1024x1xi32, #tpu.memory_space<vmem>>, %arg2: memref<64x128xf32, #tpu.memory_space<vmem>>, %arg3: memref<1024x512xf32, #tpu.memory_space<vmem>>, %arg4: memref<8x8x32x16x128xf32, #tpu.memory_space<vmem>>, %arg5: memref<8x!tpu.dma_semaphore, #tpu.memory_space<semaphore_mem>>, %arg6: memref<1024x128xf32, #tpu.memory_space<vmem>>) attributes {dimension_semantics = [], scalar_prefetch = 0 : i64, scratch_operands = 3 : i64, tpu.core_type = #tpu.core_type<tc>} {
    %dma_start3A = arith.constant 0 : i32
    %dma_start3A_0 = arith.constant 0 : i32
    %dma_start3A_1 = tpu.memref_slice %arg5[%dma_start3A_0] : memref<8x!tpu.dma_semaphore, #tpu.memory_space<semaphore_mem>> -> memref<1x!tpu.dma_semaphore, #tpu.memory_space<semaphore_mem>>
    %dma_start3A_2 = tpu.memref_squeeze %dma_start3A_1 : memref<1x!tpu.dma_semaphore, #tpu.memory_space<semaphore_mem>> -> memref<!tpu.dma_semaphore, #tpu.memory_space<semaphore_mem>>
    %dma_start3A_3 = arith.constant 0 : i32
    %dma_start3A_4 = arith.constant 0 : i32
    %dma_start3A_5 = arith.constant 0 : i32
    %dma_start3A_6 = arith.constant 0 : i32
    %dma_start3A_7 = tpu.memref_slice %arg4[%dma_start3A, %dma_start3A_3, %dma_start3A_4, %dma_start3A_5, %dma_start3A_6] : memref<8x8x32x16x128xf32, #tpu.memory_space<vmem>> -> memref<1x8x32x16x128xf32, #tpu.memory_space<vmem>>
    %dma_start3A_8 = tpu.memref_squeeze %dma_start3A_7 : memref<1x8x32x16x128xf32, #tpu.memory_space<vmem>> -> memref<8x32x16x128xf32, #tpu.memory_space<vmem>>
    %dma_start3A_9 = arith.constant 0 : i32
    %dma_start3A_10 = arith.constant 0 : i32
    %dma_start3A_11 = arith.constant 0 : i32
    %dma_start3A_12 = arith.constant 0 : i32
    %dma_start3A_13 = tpu.memref_slice %arg0[%dma_start3A_9, %dma_start3A_10, %dma_start3A_11, %dma_start3A_12] : memref<1024x32x16x128xf32, #tpu.memory_space<any>> -> memref<8x32x16x128xf32, #tpu.memory_space<any>>
    tpu.enqueue_dma source(%dma_start3A_13 : memref<8x32x16x128xf32, #tpu.memory_space<any>>) target(%dma_start3A_8 : memref<8x32x16x128xf32, #tpu.memory_space<vmem>>) target_semaphore(%dma_start3A_2 : memref<!tpu.dma_semaphore, #tpu.memory_space<semaphore_mem>>)
    %dma_start3A_14 = arith.constant 1 : i32
    %dma_start3A_15 = arith.constant 1 : i32
    %dma_start3A_16 = tpu.memref_slice %arg5[%dma_start3A_15] : memref<8x!tpu.dma_semaphore, #tpu.memory_space<semaphore_mem>> -> memref<1x!tpu.dma_semaphore, #tpu.memory_space<semaphore_mem>>
    %dma_start3A_17 = tpu.memref_squeeze %dma_start3A_16 : memref<1x!tpu.dma_semaphore, #tpu.memory_space<semaphore_mem>> -> memref<!tpu.dma_semaphore, #tpu.memory_space<semaphore_mem>>
    %dma_start3A_18 = arith.constant 0 : i32
    %dma_start3A_19 = arith.constant 0 : i32
    %dma_start3A_20 = arith.constant 0 : i32
    %dma_start3A_21 = arith.constant 0 : i32
    %dma_start3A_22 = tpu.memref_slice %arg4[%dma_start3A_14, %dma_start3A_18, %dma_start3A_19, %dma_start3A_20, %dma_start3A_21] : memref<8x8x32x16x128xf32, #tpu.memory_space<vmem>> -> memref<1x8x32x16x128xf32, #tpu.memory_space<vmem>>
    %dma_start3A_23 = tpu.memref_squeeze %dma_start3A_22 : memref<1x8x32x16x128xf32, #tpu.memory_space<vmem>> -> memref<8x32x16x128xf32, #tpu.memory_space<vmem>>
    %dma_start3A_24 = arith.constant 8 : i32
    %dma_start3A_25 = arith.constant 0 : i32
    %dma_start3A_26 = arith.constant 0 : i32
    %dma_start3A_27 = arith.constant 0 : i32
    %dma_start3A_28 = tpu.memref_slice %arg0[%dma_start3A_24, %dma_start3A_25, %dma_start3A_26, %dma_start3A_27] : memref<1024x32x16x128xf32, #tpu.memory_space<any>> -> memref<8x32x16x128xf32, #tpu.memory_space<any>>
    tpu.enqueue_dma source(%dma_start3A_28 : memref<8x32x16x128xf32, #tpu.memory_space<any>>) target(%dma_start3A_23 : memref<8x32x16x128xf32, #tpu.memory_space<vmem>>) target_semaphore(%dma_start3A_17 : memref<!tpu.dma_semaphore, #tpu.memory_space<semaphore_mem>>)
    %dma_start3A_29 = arith.constant 2 : i32
    %dma_start3A_30 = arith.constant 2 : i32
    %dma_start3A_31 = tpu.memref_slice %arg5[%dma_start3A_30] : memref<8x!tpu.dma_semaphore, #tpu.memory_space<semaphore_mem>> -> memref<1x!tpu.dma_semaphore, #tpu.memory_space<semaphore_mem>>
    %dma_start3A_32 = tpu.memref_squeeze %dma_start3A_31 : memref<1x!tpu.dma_semaphore, #tpu.memory_space<semaphore_mem>> -> memref<!tpu.dma_semaphore, #tpu.memory_space<semaphore_mem>>
    %dma_start3A_33 = arith.constant 0 : i32
    %dma_start3A_34 = arith.constant 0 : i32
    %dma_start3A_35 = arith.constant 0 : i32
    %dma_start3A_36 = arith.constant 0 : i32
    %dma_start3A_37 = tpu.memref_slice %arg4[%dma_start3A_29, %dma_start3A_33, %dma_start3A_34, %dma_start3A_35, %dma_start3A_36] : memref<8x8x32x16x128xf32, #tpu.memory_space<vmem>> -> memref<1x8x32x16x128xf32, #tpu.memory_space<vmem>>
    %dma_start3A_38 = tpu.memref_squeeze %dma_start3A_37 : memref<1x8x32x16x128xf32, #tpu.memory_space<vmem>> -> memref<8x32x16x128xf32, #tpu.memory_space<vmem>>
    %dma_start3A_39 = arith.constant 16 : i32
    %dma_start3A_40 = arith.constant 0 : i32
    %dma_start3A_41 = arith.constant 0 : i32
    %dma_start3A_42 = arith.constant 0 : i32
    %dma_start3A_43 = tpu.memref_slice %arg0[%dma_start3A_39, %dma_start3A_40, %dma_start3A_41, %dma_start3A_42] : memref<1024x32x16x128xf32, #tpu.memory_space<any>> -> memref<8x32x16x128xf32, #tpu.memory_space<any>>
    tpu.enqueue_dma source(%dma_start3A_43 : memref<8x32x16x128xf32, #tpu.memory_space<any>>) target(%dma_start3A_38 : memref<8x32x16x128xf32, #tpu.memory_space<vmem>>) target_semaphore(%dma_start3A_32 : memref<!tpu.dma_semaphore, #tpu.memory_space<semaphore_mem>>)
    %dma_start3A_44 = arith.constant 3 : i32
    %dma_start3A_45 = arith.constant 3 : i32
    %dma_start3A_46 = tpu.memref_slice %arg5[%dma_start3A_45] : memref<8x!tpu.dma_semaphore, #tpu.memory_space<semaphore_mem>> -> memref<1x!tpu.dma_semaphore, #tpu.memory_space<semaphore_mem>>
    %dma_start3A_47 = tpu.memref_squeeze %dma_start3A_46 : memref<1x!tpu.dma_semaphore, #tpu.memory_space<semaphore_mem>> -> memref<!tpu.dma_semaphore, #tpu.memory_space<semaphore_mem>>
    %dma_start3A_48 = arith.constant 0 : i32
    %dma_start3A_49 = arith.constant 0 : i32
    %dma_start3A_50 = arith.constant 0 : i32
    %dma_start3A_51 = arith.constant 0 : i32
    %dma_start3A_52 = tpu.memref_slice %arg4[%dma_start3A_44, %dma_start3A_48, %dma_start3A_49, %dma_start3A_50, %dma_start3A_51] : memref<8x8x32x16x128xf32, #tpu.memory_space<vmem>> -> memref<1x8x32x16x128xf32, #tpu.memory_space<vmem>>
    %dma_start3A_53 = tpu.memref_squeeze %dma_start3A_52 : memref<1x8x32x16x128xf32, #tpu.memory_space<vmem>> -> memref<8x32x16x128xf32, #tpu.memory_space<vmem>>
    %dma_start3A_54 = arith.constant 24 : i32
    %dma_start3A_55 = arith.constant 0 : i32
    %dma_start3A_56 = arith.constant 0 : i32
    %dma_start3A_57 = arith.constant 0 : i32
    %dma_start3A_58 = tpu.memref_slice %arg0[%dma_start3A_54, %dma_start3A_55, %dma_start3A_56, %dma_start3A_57] : memref<1024x32x16x128xf32, #tpu.memory_space<any>> -> memref<8x32x16x128xf32, #tpu.memory_space<any>>
    tpu.enqueue_dma source(%dma_start3A_58 : memref<8x32x16x128xf32, #tpu.memory_space<any>>) target(%dma_start3A_53 : memref<8x32x16x128xf32, #tpu.memory_space<vmem>>) target_semaphore(%dma_start3A_47 : memref<!tpu.dma_semaphore, #tpu.memory_space<semaphore_mem>>)
    %dma_start3A_59 = arith.constant 4 : i32
    %dma_start3A_60 = arith.constant 4 : i32
    %dma_start3A_61 = tpu.memref_slice %arg5[%dma_start3A_60] : memref<8x!tpu.dma_semaphore, #tpu.memory_space<semaphore_mem>> -> memref<1x!tpu.dma_semaphore, #tpu.memory_space<semaphore_mem>>
    %dma_start3A_62 = tpu.memref_squeeze %dma_start3A_61 : memref<1x!tpu.dma_semaphore, #tpu.memory_space<semaphore_mem>> -> memref<!tpu.dma_semaphore, #tpu.memory_space<semaphore_mem>>
    %dma_start3A_63 = arith.constant 0 : i32
    %dma_start3A_64 = arith.constant 0 : i32
    %dma_start3A_65 = arith.constant 0 : i32
    %dma_start3A_66 = arith.constant 0 : i32
    %dma_start3A_67 = tpu.memref_slice %arg4[%dma_start3A_59, %dma_start3A_63, %dma_start3A_64, %dma_start3A_65, %dma_start3A_66] : memref<8x8x32x16x128xf32, #tpu.memory_space<vmem>> -> memref<1x8x32x16x128xf32, #tpu.memory_space<vmem>>
    %dma_start3A_68 = tpu.memref_squeeze %dma_start3A_67 : memref<1x8x32x16x128xf32, #tpu.memory_space<vmem>> -> memref<8x32x16x128xf32, #tpu.memory_space<vmem>>
    %dma_start3A_69 = arith.constant 32 : i32
    %dma_start3A_70 = arith.constant 0 : i32
    %dma_start3A_71 = arith.constant 0 : i32
    %dma_start3A_72 = arith.constant 0 : i32
    %dma_start3A_73 = tpu.memref_slice %arg0[%dma_start3A_69, %dma_start3A_70, %dma_start3A_71, %dma_start3A_72] : memref<1024x32x16x128xf32, #tpu.memory_space<any>> -> memref<8x32x16x128xf32, #tpu.memory_space<any>>
    tpu.enqueue_dma source(%dma_start3A_73 : memref<8x32x16x128xf32, #tpu.memory_space<any>>) target(%dma_start3A_68 : memref<8x32x16x128xf32, #tpu.memory_space<vmem>>) target_semaphore(%dma_start3A_62 : memref<!tpu.dma_semaphore, #tpu.memory_space<semaphore_mem>>)
    %dma_start3A_74 = arith.constant 5 : i32
    %dma_start3A_75 = arith.constant 5 : i32
    %dma_start3A_76 = tpu.memref_slice %arg5[%dma_start3A_75] : memref<8x!tpu.dma_semaphore, #tpu.memory_space<semaphore_mem>> -> memref<1x!tpu.dma_semaphore, #tpu.memory_space<semaphore_mem>>
    %dma_start3A_77 = tpu.memref_squeeze %dma_start3A_76 : memref<1x!tpu.dma_semaphore, #tpu.memory_space<semaphore_mem>> -> memref<!tpu.dma_semaphore, #tpu.memory_space<semaphore_mem>>
    %dma_start3A_78 = arith.constant 0 : i32
    %dma_start3A_79 = arith.constant 0 : i32
    %dma_start3A_80 = arith.constant 0 : i32
    %dma_start3A_81 = arith.constant 0 : i32
    %dma_start3A_82 = tpu.memref_slice %arg4[%dma_start3A_74, %dma_start3A_78, %dma_start3A_79, %dma_start3A_80, %dma_start3A_81] : memref<8x8x32x16x128xf32, #tpu.memory_space<vmem>> -> memref<1x8x32x16x128xf32, #tpu.memory_space<vmem>>
    %dma_start3A_83 = tpu.memref_squeeze %dma_start3A_82 : memref<1x8x32x16x128xf32, #tpu.memory_space<vmem>> -> memref<8x32x16x128xf32, #tpu.memory_space<vmem>>
    %dma_start3A_84 = arith.constant 40 : i32
    %dma_start3A_85 = arith.constant 0 : i32
    %dma_start3A_86 = arith.constant 0 : i32
    %dma_start3A_87 = arith.constant 0 : i32
    %dma_start3A_88 = tpu.memref_slice %arg0[%dma_start3A_84, %dma_start3A_85, %dma_start3A_86, %dma_start3A_87] : memref<1024x32x16x128xf32, #tpu.memory_space<any>> -> memref<8x32x16x128xf32, #tpu.memory_space<any>>
    tpu.enqueue_dma source(%dma_start3A_88 : memref<8x32x16x128xf32, #tpu.memory_space<any>>) target(%dma_start3A_83 : memref<8x32x16x128xf32, #tpu.memory_space<vmem>>) target_semaphore(%dma_start3A_77 : memref<!tpu.dma_semaphore, #tpu.memory_space<semaphore_mem>>)
    %dma_start3A_89 = arith.constant 6 : i32
    %dma_start3A_90 = arith.constant 6 : i32
    %dma_start3A_91 = tpu.memref_slice %arg5[%dma_start3A_90] : memref<8x!tpu.dma_semaphore, #tpu.memory_space<semaphore_mem>> -> memref<1x!tpu.dma_semaphore, #tpu.memory_space<semaphore_mem>>
    %dma_start3A_92 = tpu.memref_squeeze %dma_start3A_91 : memref<1x!tpu.dma_semaphore, #tpu.memory_space<semaphore_mem>> -> memref<!tpu.dma_semaphore, #tpu.memory_space<semaphore_mem>>
    %dma_start3A_93 = arith.constant 0 : i32
    %dma_start3A_94 = arith.constant 0 : i32
    %dma_start3A_95 = arith.constant 0 : i32
    %dma_start3A_96 = arith.constant 0 : i32
    %dma_start3A_97 = tpu.memref_slice %arg4[%dma_start3A_89, %dma_start3A_93, %dma_start3A_94, %dma_start3A_95, %dma_start3A_96] : memref<8x8x32x16x128xf32, #tpu.memory_space<vmem>> -> memref<1x8x32x16x128xf32, #tpu.memory_space<vmem>>
    %dma_start3A_98 = tpu.memref_squeeze %dma_start3A_97 : memref<1x8x32x16x128xf32, #tpu.memory_space<vmem>> -> memref<8x32x16x128xf32, #tpu.memory_space<vmem>>
    %dma_start3A_99 = arith.constant 48 : i32
    %dma_start3A_100 = arith.constant 0 : i32
    %dma_start3A_101 = arith.constant 0 : i32
    %dma_start3A_102 = arith.constant 0 : i32
    %dma_start3A_103 = tpu.memref_slice %arg0[%dma_start3A_99, %dma_start3A_100, %dma_start3A_101, %dma_start3A_102] : memref<1024x32x16x128xf32, #tpu.memory_space<any>> -> memref<8x32x16x128xf32, #tpu.memory_space<any>>
    tpu.enqueue_dma source(%dma_start3A_103 : memref<8x32x16x128xf32, #tpu.memory_space<any>>) target(%dma_start3A_98 : memref<8x32x16x128xf32, #tpu.memory_space<vmem>>) target_semaphore(%dma_start3A_92 : memref<!tpu.dma_semaphore, #tpu.memory_space<semaphore_mem>>)
    %dma_start3A_104 = arith.constant 7 : i32
    %dma_start3A_105 = arith.constant 7 : i32
    %dma_start3A_106 = tpu.memref_slice %arg5[%dma_start3A_105] : memref<8x!tpu.dma_semaphore, #tpu.memory_space<semaphore_mem>> -> memref<1x!tpu.dma_semaphore, #tpu.memory_space<semaphore_mem>>
    %dma_start3A_107 = tpu.memref_squeeze %dma_start3A_106 : memref<1x!tpu.dma_semaphore, #tpu.memory_space<semaphore_mem>> -> memref<!tpu.dma_semaphore, #tpu.memory_space<semaphore_mem>>
    %dma_start3A_108 = arith.constant 0 : i32
    %dma_start3A_109 = arith.constant 0 : i32
    %dma_start3A_110 = arith.constant 0 : i32
    %dma_start3A_111 = arith.constant 0 : i32
    %dma_start3A_112 = tpu.memref_slice %arg4[%dma_start3A_104, %dma_start3A_108, %dma_start3A_109, %dma_start3A_110, %dma_start3A_111] : memref<8x8x32x16x128xf32, #tpu.memory_space<vmem>> -> memref<1x8x32x16x128xf32, #tpu.memory_space<vmem>>
    %dma_start3A_113 = tpu.memref_squeeze %dma_start3A_112 : memref<1x8x32x16x128xf32, #tpu.memory_space<vmem>> -> memref<8x32x16x128xf32, #tpu.memory_space<vmem>>
    %dma_start3A_114 = arith.constant 56 : i32
    %dma_start3A_115 = arith.constant 0 : i32
    %dma_start3A_116 = arith.constant 0 : i32
    %dma_start3A_117 = arith.constant 0 : i32
    %dma_start3A_118 = tpu.memref_slice %arg0[%dma_start3A_114, %dma_start3A_115, %dma_start3A_116, %dma_start3A_117] : memref<1024x32x16x128xf32, #tpu.memory_space<any>> -> memref<8x32x16x128xf32, #tpu.memory_space<any>>
    tpu.enqueue_dma source(%dma_start3A_118 : memref<8x32x16x128xf32, #tpu.memory_space<any>>) target(%dma_start3A_113 : memref<8x32x16x128xf32, #tpu.memory_space<vmem>>) target_semaphore(%dma_start3A_107 : memref<!tpu.dma_semaphore, #tpu.memory_space<semaphore_mem>>)
    %get3A = arith.constant 0 : index
    %get3A_119 = arith.constant 0 : index
    %get3A_120 = vector.load %arg1[%get3A, %get3A_119] : memref<1024x1xi32, #tpu.memory_space<vmem>>, vector<1024x1xi32>
    %iota3A = tpu.iota {dimensions = array<i32: 1>} : vector<1024x64xi32>
    %eq3A = vector.broadcast %get3A_120 : vector<1024x1xi32> to vector<1024x64xi32>
    %eq3A_121 = arith.cmpi eq, %iota3A, %eq3A : vector<1024x64xi32>
    %jit3A = arith.constant 1.000000e+00 : f32
    %jit3A_122 = arith.constant 0.000000e+00 : f32
    %broadcast_in_dim3A = vector.broadcast %jit3A : f32 to vector<1024x64xf32>
    %broadcast_in_dim3A_123 = vector.broadcast %jit3A_122 : f32 to vector<1024x64xf32>
    %select_n3A = arith.select %eq3A_121, %broadcast_in_dim3A, %broadcast_in_dim3A_123 : vector<1024x64xi1>, vector<1024x64xf32>
    %get3A_124 = arith.constant 0 : index
    %get3A_125 = arith.constant 0 : index
    %get3A_126 = vector.load %arg2[%get3A_124, %get3A_125] : memref<64x128xf32, #tpu.memory_space<vmem>>, vector<64x128xf32>
    %dot_general3A = arith.constant dense<0.000000e+00> : vector<1024x128xf32>
    %dot_general3A_127 = tpu.matmul %select_n3A, %get3A_126, %dot_general3A {dimension_numbers = #tpu.dot_dimension_numbers<[1], [0], [0], [1], [0, 0, 1, 1], [], []>, transpose_lhs_hint = false} : vector<1024x64xf32>, vector<64x128xf32>, vector<1024x128xf32> -> vector<1024x128xf32>
    %reduce_max3A = arith.constant dense<0xFF800000> : vector<1024xf32>
    %reduce_max3A_128 = vector.multi_reduction <maximumf>, %dot_general3A_127, %reduce_max3A [1] : vector<1024x128xf32> to vector<1024xf32>
    %broadcast_in_dim3A_129 = vector.shape_cast %reduce_max3A_128 : vector<1024xf32> to vector<1024x1xf32>
    %sub3A = vector.broadcast %broadcast_in_dim3A_129 : vector<1024x1xf32> to vector<1024x128xf32>
    %sub3A_130 = arith.subf %dot_general3A_127, %sub3A : vector<1024x128xf32>
    %exp3A = math.exp %sub3A_130 : vector<1024x128xf32>
    %reduce_sum3A = arith.constant dense<0.000000e+00> : vector<1024xf32>
    %reduce_sum3A_131 = vector.multi_reduction <add>, %exp3A, %reduce_sum3A [1] : vector<1024x128xf32> to vector<1024xf32>
    %broadcast_in_dim3A_132 = vector.shape_cast %reduce_sum3A_131 : vector<1024xf32> to vector<1024x1xf32>
    %div3A = vector.broadcast %broadcast_in_dim3A_132 : vector<1024x1xf32> to vector<1024x128xf32>
    %div3A_133 = arith.divf %exp3A, %div3A : vector<1024x128xf32>
    %swap3A = arith.constant 0 : index
    %swap3A_134 = arith.constant 0 : index
    %swap3A_135 = vector.load %arg6[%swap3A, %swap3A_134] : memref<1024x128xf32, #tpu.memory_space<vmem>>, vector<1024x128xf32>
    tpu.vector_store %arg6[%swap3A, %swap3A_134], %div3A_133 {strides = array<i32>} : memref<1024x128xf32, #tpu.memory_space<vmem>>, vector<1024x128xf32>,
    %scan3A = arith.constant 0 : i32
    %scan3A_136 = arith.constant 16 : i32
    %scan3A_137 = arith.addi %scan3A, %scan3A_136 : i32
    %scan3A_138 = arith.constant 1 : i32
    scf.for %scan3A_140 = %scan3A to %scan3A_137 step %scan3A_138  : i32 {
      %mul3A = arith.constant 8 : i32
      %mul3A_141 = arith.muli %scan3A_140, %mul3A : i32
      %add3A = arith.constant 0 : i32
      %add3A_142 = arith.addi %mul3A_141, %add3A : i32
      %dma_wait3A = arith.constant 0 : i32
      %dma_wait3A_143 = arith.constant 0 : i32
      %dma_wait3A_144 = tpu.memref_slice %arg5[%dma_wait3A_143] : memref<8x!tpu.dma_semaphore, #tpu.memory_space<semaphore_mem>> -> memref<1x!tpu.dma_semaphore, #tpu.memory_space<semaphore_mem>>
      %dma_wait3A_145 = tpu.memref_squeeze %dma_wait3A_144 : memref<1x!tpu.dma_semaphore, #tpu.memory_space<semaphore_mem>> -> memref<!tpu.dma_semaphore, #tpu.memory_space<semaphore_mem>>
      %dma_wait3A_146 = arith.constant 0 : i32
      %dma_wait3A_147 = arith.constant 0 : i32
      %dma_wait3A_148 = arith.constant 0 : i32
      %dma_wait3A_149 = arith.constant 0 : i32
      %dma_wait3A_150 = tpu.memref_slice %arg4[%dma_wait3A, %dma_wait3A_146, %dma_wait3A_147, %dma_wait3A_148, %dma_wait3A_149] : memref<8x8x32x16x128xf32, #tpu.memory_space<vmem>> -> memref<1x8x32x16x128xf32, #tpu.memory_space<vmem>>
      %dma_wait3A_151 = tpu.memref_squeeze %dma_wait3A_150 : memref<1x8x32x16x128xf32, #tpu.memory_space<vmem>> -> memref<8x32x16x128xf32, #tpu.memory_space<vmem>>
      %dma_wait3A_152 = arith.constant 0 : i32
      %dma_wait3A_153 = arith.constant 0 : i32
      %dma_wait3A_154 = arith.constant 0 : i32
      %dma_wait3A_155 = arith.constant 0 : i32
      %dma_wait3A_156 = tpu.memref_slice %arg0[%dma_wait3A_152, %dma_wait3A_153, %dma_wait3A_154, %dma_wait3A_155] : memref<1024x32x16x128xf32, #tpu.memory_space<any>> -> memref<8x32x16x128xf32, #tpu.memory_space<any>>
      tpu.wait_dma2 semaphore(%dma_wait3A_145 : memref<!tpu.dma_semaphore, #tpu.memory_space<semaphore_mem>>) src(%dma_wait3A_156 : memref<8x32x16x128xf32, #tpu.memory_space<any>>) dst(%dma_wait3A_151 : memref<8x32x16x128xf32, #tpu.memory_space<vmem>>)
      %mul3A_157 = arith.constant 8 : i32
      %mul3A_158 = arith.muli %add3A_142, %mul3A_157 : i32
      %add3A_159 = arith.constant 0 : i32
      %add3A_160 = arith.addi %mul3A_158, %add3A_159 : i32
      %get3A_161 = arith.constant 0 : index
      %get3A_162 = arith.constant 0 : index
      %get3A_163 = arith.constant 0 : index
      %get3A_164 = arith.constant 0 : index
      %get3A_165 = arith.constant 0 : index
      %get3A_166 = vector.load %arg4[%get3A_161, %get3A_162, %get3A_163, %get3A_164, %get3A_165] : memref<8x8x32x16x128xf32, #tpu.memory_space<vmem>>, vector<1x1x32x16x128xf32>
      %get3A_167 = vector.shape_cast %get3A_166 : vector<1x1x32x16x128xf32> to vector<32x16x128xf32>
      %reshape3A = vector.shape_cast %get3A_167 : vector<32x16x128xf32> to vector<512x128xf32>
      %get3A_168 = arith.index_cast %add3A_160 : i32 to index
      %get3A_169 = arith.constant 0 : index
      %get3A_170 = vector.load %arg6[%get3A_168, %get3A_169] : memref<1024x128xf32, #tpu.memory_space<vmem>>, vector<1x128xf32>
      %dot_general3A_171 = arith.constant dense<0.000000e+00> : vector<1x512xf32>
      %dot_general3A_172 = tpu.matmul %get3A_170, %reshape3A, %dot_general3A_171 {dimension_numbers = #tpu.dot_dimension_numbers<[1], [1], [0], [0], [0, 0, 1, 0], [], []>, transpose_lhs_hint = false} : vector<1x128xf32>, vector<512x128xf32>, vector<1x512xf32> -> vector<1x512xf32>
      %swap3A_173 = arith.index_cast %add3A_160 : i32 to index
      %swap3A_174 = arith.constant 0 : index
      %swap3A_175 = vector.load %arg3[%swap3A_173, %swap3A_174] : memref<1024x512xf32, #tpu.memory_space<vmem>>, vector<1x512xf32>
      tpu.vector_store %arg3[%swap3A_173, %swap3A_174], %dot_general3A_172 {strides = array<i32>} : memref<1024x512xf32, #tpu.memory_space<vmem>>, vector<1x512xf32>,
      %mul3A_176 = arith.constant 8 : i32
      %mul3A_177 = arith.muli %add3A_142, %mul3A_176 : i32
      %add3A_178 = arith.constant 1 : i32
      %add3A_179 = arith.addi %mul3A_177, %add3A_178 : i32
      %get3A_180 = arith.constant 0 : index
      %get3A_181 = arith.constant 1 : index
      %get3A_182 = arith.constant 0 : index
      %get3A_183 = arith.constant 0 : index
      %get3A_184 = arith.constant 0 : index
      %get3A_185 = vector.load %arg4[%get3A_180, %get3A_181, %get3A_182, %get3A_183, %get3A_184] : memref<8x8x32x16x128xf32, #tpu.memory_space<vmem>>, vector<1x1x32x16x128xf32>
      %get3A_186 = vector.shape_cast %get3A_185 : vector<1x1x32x16x128xf32> to vector<32x16x128xf32>
      %reshape3A_187 = vector.shape_cast %get3A_186 : vector<32x16x128xf32> to vector<512x128xf32>
      %get3A_188 = arith.index_cast %add3A_179 : i32 to index
      %get3A_189 = arith.constant 0 : index
      %get3A_190 = vector.load %arg6[%get3A_188, %get3A_189] : memref<1024x128xf32, #tpu.memory_space<vmem>>, vector<1x128xf32>
      %dot_general3A_191 = arith.constant dense<0.000000e+00> : vector<1x512xf32>
      %dot_general3A_192 = tpu.matmul %get3A_190, %reshape3A_187, %dot_general3A_191 {dimension_numbers = #tpu.dot_dimension_numbers<[1], [1], [0], [0], [0, 0, 1, 0], [], []>, transpose_lhs_hint = false} : vector<1x128xf32>, vector<512x128xf32>, vector<1x512xf32> -> vector<1x512xf32>
      %swap3A_193 = arith.index_cast %add3A_179 : i32 to index
      %swap3A_194 = arith.constant 0 : index
      %swap3A_195 = vector.load %arg3[%swap3A_193, %swap3A_194] : memref<1024x512xf32, #tpu.memory_space<vmem>>, vector<1x512xf32>
      tpu.vector_store %arg3[%swap3A_193, %swap3A_194], %dot_general3A_192 {strides = array<i32>} : memref<1024x512xf32, #tpu.memory_space<vmem>>, vector<1x512xf32>,
      %mul3A_196 = arith.constant 8 : i32
      %mul3A_197 = arith.muli %add3A_142, %mul3A_196 : i32
      %add3A_198 = arith.constant 2 : i32
      %add3A_199 = arith.addi %mul3A_197, %add3A_198 : i32
      %get3A_200 = arith.constant 0 : index
      %get3A_201 = arith.constant 2 : index
      %get3A_202 = arith.constant 0 : index
      %get3A_203 = arith.constant 0 : index
      %get3A_204 = arith.constant 0 : index
      %get3A_205 = vector.load %arg4[%get3A_200, %get3A_201, %get3A_202, %get3A_203, %get3A_204] : memref<8x8x32x16x128xf32, #tpu.memory_space<vmem>>, vector<1x1x32x16x128xf32>
      %get3A_206 = vector.shape_cast %get3A_205 : vector<1x1x32x16x128xf32> to vector<32x16x128xf32>
      %reshape3A_207 = vector.shape_cast %get3A_206 : vector<32x16x128xf32> to vector<512x128xf32>
      %get3A_208 = arith.index_cast %add3A_199 : i32 to index
      %get3A_209 = arith.constant 0 : index
      %get3A_210 = vector.load %arg6[%get3A_208, %get3A_209] : memref<1024x128xf32, #tpu.memory_space<vmem>>, vector<1x128xf32>
      %dot_general3A_211 = arith.constant dense<0.000000e+00> : vector<1x512xf32>
      %dot_general3A_212 = tpu.matmul %get3A_210, %reshape3A_207, %dot_general3A_211 {dimension_numbers = #tpu.dot_dimension_numbers<[1], [1], [0], [0], [0, 0, 1, 0], [], []>, transpose_lhs_hint = false} : vector<1x128xf32>, vector<512x128xf32>, vector<1x512xf32> -> vector<1x512xf32>
      %swap3A_213 = arith.index_cast %add3A_199 : i32 to index
      %swap3A_214 = arith.constant 0 : index
      %swap3A_215 = vector.load %arg3[%swap3A_213, %swap3A_214] : memref<1024x512xf32, #tpu.memory_space<vmem>>, vector<1x512xf32>
      tpu.vector_store %arg3[%swap3A_213, %swap3A_214], %dot_general3A_212 {strides = array<i32>} : memref<1024x512xf32, #tpu.memory_space<vmem>>, vector<1x512xf32>,
      %mul3A_216 = arith.constant 8 : i32
      %mul3A_217 = arith.muli %add3A_142, %mul3A_216 : i32
      %add3A_218 = arith.constant 3 : i32
      %add3A_219 = arith.addi %mul3A_217, %add3A_218 : i32
      %get3A_220 = arith.constant 0 : index
      %get3A_221 = arith.constant 3 : index
      %get3A_222 = arith.constant 0 : index
      %get3A_223 = arith.constant 0 : index
      %get3A_224 = arith.constant 0 : index
      %get3A_225 = vector.load %arg4[%get3A_220, %get3A_221, %get3A_222, %get3A_223, %get3A_224] : memref<8x8x32x16x128xf32, #tpu.memory_space<vmem>>, vector<1x1x32x16x128xf32>
      %get3A_226 = vector.shape_cast %get3A_225 : vector<1x1x32x16x128xf32> to vector<32x16x128xf32>
      %reshape3A_227 = vector.shape_cast %get3A_226 : vector<32x16x128xf32> to vector<512x128xf32>
      %get3A_228 = arith.index_cast %add3A_219 : i32 to index
      %get3A_229 = arith.constant 0 : index
      %get3A_230 = vector.load %arg6[%get3A_228, %get3A_229] : memref<1024x128xf32, #tpu.memory_space<vmem>>, vector<1x128xf32>
      %dot_general3A_231 = arith.constant dense<0.000000e+00> : vector<1x512xf32>
      %dot_general3A_232 = tpu.matmul %get3A_230, %reshape3A_227, %dot_general3A_231 {dimension_numbers = #tpu.dot_dimension_numbers<[1], [1], [0], [0], [0, 0, 1, 0], [], []>, transpose_lhs_hint = false} : vector<1x128xf32>, vector<512x128xf32>, vector<1x512xf32> -> vector<1x512xf32>
      %swap3A_233 = arith.index_cast %add3A_219 : i32 to index
      %swap3A_234 = arith.constant 0 : index
      %swap3A_235 = vector.load %arg3[%swap3A_233, %swap3A_234] : memref<1024x512xf32, #tpu.memory_space<vmem>>, vector<1x512xf32>
      tpu.vector_store %arg3[%swap3A_233, %swap3A_234], %dot_general3A_232 {strides = array<i32>} : memref<1024x512xf32, #tpu.memory_space<vmem>>, vector<1x512xf32>,
      %mul3A_236 = arith.constant 8 : i32
      %mul3A_237 = arith.muli %add3A_142, %mul3A_236 : i32
      %add3A_238 = arith.constant 4 : i32
      %add3A_239 = arith.addi %mul3A_237, %add3A_238 : i32
      %get3A_240 = arith.constant 0 : index
      %get3A_241 = arith.constant 4 : index
      %get3A_242 = arith.constant 0 : index
      %get3A_243 = arith.constant 0 : index
      %get3A_244 = arith.constant 0 : index
      %get3A_245 = vector.load %arg4[%get3A_240, %get3A_241, %get3A_242, %get3A_243, %get3A_244] : memref<8x8x32x16x128xf32, #tpu.memory_space<vmem>>, vector<1x1x32x16x128xf32>
      %get3A_246 = vector.shape_cast %get3A_245 : vector<1x1x32x16x128xf32> to vector<32x16x128xf32>
      %reshape3A_247 = vector.shape_cast %get3A_246 : vector<32x16x128xf32> to vector<512x128xf32>
      %get3A_248 = arith.index_cast %add3A_239 : i32 to index
      %get3A_249 = arith.constant 0 : index
      %get3A_250 = vector.load %arg6[%get3A_248, %get3A_249] : memref<1024x128xf32, #tpu.memory_space<vmem>>, vector<1x128xf32>
      %dot_general3A_251 = arith.constant dense<0.000000e+00> : vector<1x512xf32>
      %dot_general3A_252 = tpu.matmul %get3A_250, %reshape3A_247, %dot_general3A_251 {dimension_numbers = #tpu.dot_dimension_numbers<[1], [1], [0], [0], [0, 0, 1, 0], [], []>, transpose_lhs_hint = false} : vector<1x128xf32>, vector<512x128xf32>, vector<1x512xf32> -> vector<1x512xf32>
      %swap3A_253 = arith.index_cast %add3A_239 : i32 to index
      %swap3A_254 = arith.constant 0 : index
      %swap3A_255 = vector.load %arg3[%swap3A_253, %swap3A_254] : memref<1024x512xf32, #tpu.memory_space<vmem>>, vector<1x512xf32>
      tpu.vector_store %arg3[%swap3A_253, %swap3A_254], %dot_general3A_252 {strides = array<i32>} : memref<1024x512xf32, #tpu.memory_space<vmem>>, vector<1x512xf32>,
      %mul3A_256 = arith.constant 8 : i32
      %mul3A_257 = arith.muli %add3A_142, %mul3A_256 : i32
      %add3A_258 = arith.constant 5 : i32
      %add3A_259 = arith.addi %mul3A_257, %add3A_258 : i32
      %get3A_260 = arith.constant 0 : index
      %get3A_261 = arith.constant 5 : index
      %get3A_262 = arith.constant 0 : index
      %get3A_263 = arith.constant 0 : index
      %get3A_264 = arith.constant 0 : index
      %get3A_265 = vector.load %arg4[%get3A_260, %get3A_261, %get3A_262, %get3A_263, %get3A_264] : memref<8x8x32x16x128xf32, #tpu.memory_space<vmem>>, vector<1x1x32x16x128xf32>
      %get3A_266 = vector.shape_cast %get3A_265 : vector<1x1x32x16x128xf32> to vector<32x16x128xf32>
      %reshape3A_267 = vector.shape_cast %get3A_266 : vector<32x16x128xf32> to vector<512x128xf32>
      %get3A_268 = arith.index_cast %add3A_259 : i32 to index
      %get3A_269 = arith.constant 0 : index
      %get3A_270 = vector.load %arg6[%get3A_268, %get3A_269] : memref<1024x128xf32, #tpu.memory_space<vmem>>, vector<1x128xf32>
      %dot_general3A_271 = arith.constant dense<0.000000e+00> : vector<1x512xf32>
      %dot_general3A_272 = tpu.matmul %get3A_270, %reshape3A_267, %dot_general3A_271 {dimension_numbers = #tpu.dot_dimension_numbers<[1], [1], [0], [0], [0, 0, 1, 0], [], []>, transpose_lhs_hint = false} : vector<1x128xf32>, vector<512x128xf32>, vector<1x512xf32> -> vector<1x512xf32>
      %swap3A_273 = arith.index_cast %add3A_259 : i32 to index
      %swap3A_274 = arith.constant 0 : index
      %swap3A_275 = vector.load %arg3[%swap3A_273, %swap3A_274] : memref<1024x512xf32, #tpu.memory_space<vmem>>, vector<1x512xf32>
      tpu.vector_store %arg3[%swap3A_273, %swap3A_274], %dot_general3A_272 {strides = array<i32>} : memref<1024x512xf32, #tpu.memory_space<vmem>>, vector<1x512xf32>,
      %mul3A_276 = arith.constant 8 : i32
      %mul3A_277 = arith.muli %add3A_142, %mul3A_276 : i32
      %add3A_278 = arith.constant 6 : i32
      %add3A_279 = arith.addi %mul3A_277, %add3A_278 : i32
      %get3A_280 = arith.constant 0 : index
      %get3A_281 = arith.constant 6 : index
      %get3A_282 = arith.constant 0 : index
      %get3A_283 = arith.constant 0 : index
      %get3A_284 = arith.constant 0 : index
      %get3A_285 = vector.load %arg4[%get3A_280, %get3A_281, %get3A_282, %get3A_283, %get3A_284] : memref<8x8x32x16x128xf32, #tpu.memory_space<vmem>>, vector<1x1x32x16x128xf32>
      %get3A_286 = vector.shape_cast %get3A_285 : vector<1x1x32x16x128xf32> to vector<32x16x128xf32>
      %reshape3A_287 = vector.shape_cast %get3A_286 : vector<32x16x128xf32> to vector<512x128xf32>
      %get3A_288 = arith.index_cast %add3A_279 : i32 to index
      %get3A_289 = arith.constant 0 : index
      %get3A_290 = vector.load %arg6[%get3A_288, %get3A_289] : memref<1024x128xf32, #tpu.memory_space<vmem>>, vector<1x128xf32>
      %dot_general3A_291 = arith.constant dense<0.000000e+00> : vector<1x512xf32>
      %dot_general3A_292 = tpu.matmul %get3A_290, %reshape3A_287, %dot_general3A_291 {dimension_numbers = #tpu.dot_dimension_numbers<[1], [1], [0], [0], [0, 0, 1, 0], [], []>, transpose_lhs_hint = false} : vector<1x128xf32>, vector<512x128xf32>, vector<1x512xf32> -> vector<1x512xf32>
      %swap3A_293 = arith.index_cast %add3A_279 : i32 to index
      %swap3A_294 = arith.constant 0 : index
      %swap3A_295 = vector.load %arg3[%swap3A_293, %swap3A_294] : memref<1024x512xf32, #tpu.memory_space<vmem>>, vector<1x512xf32>
      tpu.vector_store %arg3[%swap3A_293, %swap3A_294], %dot_general3A_292 {strides = array<i32>} : memref<1024x512xf32, #tpu.memory_space<vmem>>, vector<1x512xf32>,
      %mul3A_296 = arith.constant 8 : i32
      %mul3A_297 = arith.muli %add3A_142, %mul3A_296 : i32
      %add3A_298 = arith.constant 7 : i32
      %add3A_299 = arith.addi %mul3A_297, %add3A_298 : i32
      %get3A_300 = arith.constant 0 : index
      %get3A_301 = arith.constant 7 : index
      %get3A_302 = arith.constant 0 : index
      %get3A_303 = arith.constant 0 : index
      %get3A_304 = arith.constant 0 : index
      %get3A_305 = vector.load %arg4[%get3A_300, %get3A_301, %get3A_302, %get3A_303, %get3A_304] : memref<8x8x32x16x128xf32, #tpu.memory_space<vmem>>, vector<1x1x32x16x128xf32>
      %get3A_306 = vector.shape_cast %get3A_305 : vector<1x1x32x16x128xf32> to vector<32x16x128xf32>
      %reshape3A_307 = vector.shape_cast %get3A_306 : vector<32x16x128xf32> to vector<512x128xf32>
      %get3A_308 = arith.index_cast %add3A_299 : i32 to index
      %get3A_309 = arith.constant 0 : index
      %get3A_310 = vector.load %arg6[%get3A_308, %get3A_309] : memref<1024x128xf32, #tpu.memory_space<vmem>>, vector<1x128xf32>
      %dot_general3A_311 = arith.constant dense<0.000000e+00> : vector<1x512xf32>
      %dot_general3A_312 = tpu.matmul %get3A_310, %reshape3A_307, %dot_general3A_311 {dimension_numbers = #tpu.dot_dimension_numbers<[1], [1], [0], [0], [0, 0, 1, 0], [], []>, transpose_lhs_hint = false} : vector<1x128xf32>, vector<512x128xf32>, vector<1x512xf32> -> vector<1x512xf32>
      %swap3A_313 = arith.index_cast %add3A_299 : i32 to index
      %swap3A_314 = arith.constant 0 : index
      %swap3A_315 = vector.load %arg3[%swap3A_313, %swap3A_314] : memref<1024x512xf32, #tpu.memory_space<vmem>>, vector<1x512xf32>
      tpu.vector_store %arg3[%swap3A_313, %swap3A_314], %dot_general3A_312 {strides = array<i32>} : memref<1024x512xf32, #tpu.memory_space<vmem>>, vector<1x512xf32>,
      %add3A_316 = arith.constant 8 : i32
      %add3A_317 = arith.addi %add3A_142, %add3A_316 : i32
      %lt3A = arith.constant 128 : i32
      %lt3A_318 = arith.cmpi slt, %add3A_317, %lt3A : i32
      %convert_element_type3A = arith.extui %lt3A_318 : i1 to i32
      %cond3A = arith.constant 0 : i32
      %cond3A_319 = arith.cmpi ne, %convert_element_type3A, %cond3A : i32
      scf.if %cond3A_319 {
        %mul3A_1608 = arith.constant 8 : i32
        %mul3A_1609 = arith.muli %add3A_317, %mul3A_1608 : i32
        %dma_start3A_1610 = arith.constant 0 : i32
        %dma_start3A_1611 = arith.constant 0 : i32
        %dma_start3A_1612 = tpu.memref_slice %arg5[%dma_start3A_1611] : memref<8x!tpu.dma_semaphore, #tpu.memory_space<semaphore_mem>> -> memref<1x!tpu.dma_semaphore, #tpu.memory_space<semaphore_mem>>
        %dma_start3A_1613 = tpu.memref_squeeze %dma_start3A_1612 : memref<1x!tpu.dma_semaphore, #tpu.memory_space<semaphore_mem>> -> memref<!tpu.dma_semaphore, #tpu.memory_space<semaphore_mem>>
        %dma_start3A_1614 = arith.constant 0 : i32
        %dma_start3A_1615 = arith.constant 0 : i32
        %dma_start3A_1616 = arith.constant 0 : i32
        %dma_start3A_1617 = arith.constant 0 : i32
        %dma_start3A_1618 = tpu.memref_slice %arg4[%dma_start3A_1610, %dma_start3A_1614, %dma_start3A_1615, %dma_start3A_1616, %dma_start3A_1617] : memref<8x8x32x16x128xf32, #tpu.memory_space<vmem>> -> memref<1x8x32x16x128xf32, #tpu.memory_space<vmem>>
        %dma_start3A_1619 = tpu.memref_squeeze %dma_start3A_1618 : memref<1x8x32x16x128xf32, #tpu.memory_space<vmem>> -> memref<8x32x16x128xf32, #tpu.memory_space<vmem>>
        %dma_start3A_1620 = arith.constant 0 : i32
        %dma_start3A_1621 = arith.constant 0 : i32
        %dma_start3A_1622 = arith.constant 0 : i32
        %dma_start3A_1623 = tpu.memref_slice %arg0[%mul3A_1609, %dma_start3A_1620, %dma_start3A_1621, %dma_start3A_1622] : memref<1024x32x16x128xf32, #tpu.memory_space<any>> -> memref<8x32x16x128xf32, #tpu.memory_space<any>>
        tpu.enqueue_dma source(%dma_start3A_1623 : memref<8x32x16x128xf32, #tpu.memory_space<any>>) target(%dma_start3A_1619 : memref<8x32x16x128xf32, #tpu.memory_space<vmem>>) target_semaphore(%dma_start3A_1613 : memref<!tpu.dma_semaphore, #tpu.memory_space<semaphore_mem>>)
      } else {
      }
      %add3A_320 = arith.constant 1 : i32
      %add3A_321 = arith.addi %mul3A_141, %add3A_320 : i32
      %dma_wait3A_322 = arith.constant 1 : i32
      %dma_wait3A_323 = arith.constant 1 : i32
      %dma_wait3A_324 = tpu.memref_slice %arg5[%dma_wait3A_323] : memref<8x!tpu.dma_semaphore, #tpu.memory_space<semaphore_mem>> -> memref<1x!tpu.dma_semaphore, #tpu.memory_space<semaphore_mem>>
      %dma_wait3A_325 = tpu.memref_squeeze %dma_wait3A_324 : memref<1x!tpu.dma_semaphore, #tpu.memory_space<semaphore_mem>> -> memref<!tpu.dma_semaphore, #tpu.memory_space<semaphore_mem>>
      %dma_wait3A_326 = arith.constant 0 : i32
      %dma_wait3A_327 = arith.constant 0 : i32
      %dma_wait3A_328 = arith.constant 0 : i32
      %dma_wait3A_329 = arith.constant 0 : i32
      %dma_wait3A_330 = tpu.memref_slice %arg4[%dma_wait3A_322, %dma_wait3A_326, %dma_wait3A_327, %dma_wait3A_328, %dma_wait3A_329] : memref<8x8x32x16x128xf32, #tpu.memory_space<vmem>> -> memref<1x8x32x16x128xf32, #tpu.memory_space<vmem>>
      %dma_wait3A_331 = tpu.memref_squeeze %dma_wait3A_330 : memref<1x8x32x16x128xf32, #tpu.memory_space<vmem>> -> memref<8x32x16x128xf32, #tpu.memory_space<vmem>>
      %dma_wait3A_332 = arith.constant 0 : i32
      %dma_wait3A_333 = arith.constant 0 : i32
      %dma_wait3A_334 = arith.constant 0 : i32
      %dma_wait3A_335 = arith.constant 0 : i32
      %dma_wait3A_336 = tpu.memref_slice %arg0[%dma_wait3A_332, %dma_wait3A_333, %dma_wait3A_334, %dma_wait3A_335] : memref<1024x32x16x128xf32, #tpu.memory_space<any>> -> memref<8x32x16x128xf32, #tpu.memory_space<any>>
      tpu.wait_dma2 semaphore(%dma_wait3A_325 : memref<!tpu.dma_semaphore, #tpu.memory_space<semaphore_mem>>) src(%dma_wait3A_336 : memref<8x32x16x128xf32, #tpu.memory_space<any>>) dst(%dma_wait3A_331 : memref<8x32x16x128xf32, #tpu.memory_space<vmem>>)
      %mul3A_337 = arith.constant 8 : i32
      %mul3A_338 = arith.muli %add3A_321, %mul3A_337 : i32
      %add3A_339 = arith.constant 0 : i32
      %add3A_340 = arith.addi %mul3A_338, %add3A_339 : i32
      %get3A_341 = arith.constant 1 : index
      %get3A_342 = arith.constant 0 : index
      %get3A_343 = arith.constant 0 : index
      %get3A_344 = arith.constant 0 : index
      %get3A_345 = arith.constant 0 : index
      %get3A_346 = vector.load %arg4[%get3A_341, %get3A_342, %get3A_343, %get3A_344, %get3A_345] : memref<8x8x32x16x128xf32, #tpu.memory_space<vmem>>, vector<1x1x32x16x128xf32>
      %get3A_347 = vector.shape_cast %get3A_346 : vector<1x1x32x16x128xf32> to vector<32x16x128xf32>
      %reshape3A_348 = vector.shape_cast %get3A_347 : vector<32x16x128xf32> to vector<512x128xf32>
      %get3A_349 = arith.index_cast %add3A_340 : i32 to index
      %get3A_350 = arith.constant 0 : index
      %get3A_351 = vector.load %arg6[%get3A_349, %get3A_350] : memref<1024x128xf32, #tpu.memory_space<vmem>>, vector<1x128xf32>
      %dot_general3A_352 = arith.constant dense<0.000000e+00> : vector<1x512xf32>
      %dot_general3A_353 = tpu.matmul %get3A_351, %reshape3A_348, %dot_general3A_352 {dimension_numbers = #tpu.dot_dimension_numbers<[1], [1], [0], [0], [0, 0, 1, 0], [], []>, transpose_lhs_hint = false} : vector<1x128xf32>, vector<512x128xf32>, vector<1x512xf32> -> vector<1x512xf32>
      %swap3A_354 = arith.index_cast %add3A_340 : i32 to index
      %swap3A_355 = arith.constant 0 : index
      %swap3A_356 = vector.load %arg3[%swap3A_354, %swap3A_355] : memref<1024x512xf32, #tpu.memory_space<vmem>>, vector<1x512xf32>
      tpu.vector_store %arg3[%swap3A_354, %swap3A_355], %dot_general3A_353 {strides = array<i32>} : memref<1024x512xf32, #tpu.memory_space<vmem>>, vector<1x512xf32>,
      %mul3A_357 = arith.constant 8 : i32
      %mul3A_358 = arith.muli %add3A_321, %mul3A_357 : i32
      %add3A_359 = arith.constant 1 : i32
      %add3A_360 = arith.addi %mul3A_358, %add3A_359 : i32
      %get3A_361 = arith.constant 1 : index
      %get3A_362 = arith.constant 1 : index
      %get3A_363 = arith.constant 0 : index
      %get3A_364 = arith.constant 0 : index
      %get3A_365 = arith.constant 0 : index
      %get3A_366 = vector.load %arg4[%get3A_361, %get3A_362, %get3A_363, %get3A_364, %get3A_365] : memref<8x8x32x16x128xf32, #tpu.memory_space<vmem>>, vector<1x1x32x16x128xf32>
      %get3A_367 = vector.shape_cast %get3A_366 : vector<1x1x32x16x128xf32> to vector<32x16x128xf32>
      %reshape3A_368 = vector.shape_cast %get3A_367 : vector<32x16x128xf32> to vector<512x128xf32>
      %get3A_369 = arith.index_cast %add3A_360 : i32 to index
      %get3A_370 = arith.constant 0 : index
      %get3A_371 = vector.load %arg6[%get3A_369, %get3A_370] : memref<1024x128xf32, #tpu.memory_space<vmem>>, vector<1x128xf32>
      %dot_general3A_372 = arith.constant dense<0.000000e+00> : vector<1x512xf32>
      %dot_general3A_373 = tpu.matmul %get3A_371, %reshape3A_368, %dot_general3A_372 {dimension_numbers = #tpu.dot_dimension_numbers<[1], [1], [0], [0], [0, 0, 1, 0], [], []>, transpose_lhs_hint = false} : vector<1x128xf32>, vector<512x128xf32>, vector<1x512xf32> -> vector<1x512xf32>
      %swap3A_374 = arith.index_cast %add3A_360 : i32 to index
      %swap3A_375 = arith.constant 0 : index
      %swap3A_376 = vector.load %arg3[%swap3A_374, %swap3A_375] : memref<1024x512xf32, #tpu.memory_space<vmem>>, vector<1x512xf32>
      tpu.vector_store %arg3[%swap3A_374, %swap3A_375], %dot_general3A_373 {strides = array<i32>} : memref<1024x512xf32, #tpu.memory_space<vmem>>, vector<1x512xf32>,
      %mul3A_377 = arith.constant 8 : i32
      %mul3A_378 = arith.muli %add3A_321, %mul3A_377 : i32
      %add3A_379 = arith.constant 2 : i32
      %add3A_380 = arith.addi %mul3A_378, %add3A_379 : i32
      %get3A_381 = arith.constant 1 : index
      %get3A_382 = arith.constant 2 : index
      %get3A_383 = arith.constant 0 : index
      %get3A_384 = arith.constant 0 : index
      %get3A_385 = arith.constant 0 : index
      %get3A_386 = vector.load %arg4[%get3A_381, %get3A_382, %get3A_383, %get3A_384, %get3A_385] : memref<8x8x32x16x128xf32, #tpu.memory_space<vmem>>, vector<1x1x32x16x128xf32>
      %get3A_387 = vector.shape_cast %get3A_386 : vector<1x1x32x16x128xf32> to vector<32x16x128xf32>
      %reshape3A_388 = vector.shape_cast %get3A_387 : vector<32x16x128xf32> to vector<512x128xf32>
      %get3A_389 = arith.index_cast %add3A_380 : i32 to index
      %get3A_390 = arith.constant 0 : index
      %get3A_391 = vector.load %arg6[%get3A_389, %get3A_390] : memref<1024x128xf32, #tpu.memory_space<vmem>>, vector<1x128xf32>
      %dot_general3A_392 = arith.constant dense<0.000000e+00> : vector<1x512xf32>
      %dot_general3A_393 = tpu.matmul %get3A_391, %reshape3A_388, %dot_general3A_392 {dimension_numbers = #tpu.dot_dimension_numbers<[1], [1], [0], [0], [0, 0, 1, 0], [], []>, transpose_lhs_hint = false} : vector<1x128xf32>, vector<512x128xf32>, vector<1x512xf32> -> vector<1x512xf32>
      %swap3A_394 = arith.index_cast %add3A_380 : i32 to index
      %swap3A_395 = arith.constant 0 : index
      %swap3A_396 = vector.load %arg3[%swap3A_394, %swap3A_395] : memref<1024x512xf32, #tpu.memory_space<vmem>>, vector<1x512xf32>
      tpu.vector_store %arg3[%swap3A_394, %swap3A_395], %dot_general3A_393 {strides = array<i32>} : memref<1024x512xf32, #tpu.memory_space<vmem>>, vector<1x512xf32>,
      %mul3A_397 = arith.constant 8 : i32
      %mul3A_398 = arith.muli %add3A_321, %mul3A_397 : i32
      %add3A_399 = arith.constant 3 : i32
      %add3A_400 = arith.addi %mul3A_398, %add3A_399 : i32
      %get3A_401 = arith.constant 1 : index
      %get3A_402 = arith.constant 3 : index
      %get3A_403 = arith.constant 0 : index
      %get3A_404 = arith.constant 0 : index
      %get3A_405 = arith.constant 0 : index
      %get3A_406 = vector.load %arg4[%get3A_401, %get3A_402, %get3A_403, %get3A_404, %get3A_405] : memref<8x8x32x16x128xf32, #tpu.memory_space<vmem>>, vector<1x1x32x16x128xf32>
      %get3A_407 = vector.shape_cast %get3A_406 : vector<1x1x32x16x128xf32> to vector<32x16x128xf32>
      %reshape3A_408 = vector.shape_cast %get3A_407 : vector<32x16x128xf32> to vector<512x128xf32>
      %get3A_409 = arith.index_cast %add3A_400 : i32 to index
      %get3A_410 = arith.constant 0 : index
      %get3A_411 = vector.load %arg6[%get3A_409, %get3A_410] : memref<1024x128xf32, #tpu.memory_space<vmem>>, vector<1x128xf32>
      %dot_general3A_412 = arith.constant dense<0.000000e+00> : vector<1x512xf32>
      %dot_general3A_413 = tpu.matmul %get3A_411, %reshape3A_408, %dot_general3A_412 {dimension_numbers = #tpu.dot_dimension_numbers<[1], [1], [0], [0], [0, 0, 1, 0], [], []>, transpose_lhs_hint = false} : vector<1x128xf32>, vector<512x128xf32>, vector<1x512xf32> -> vector<1x512xf32>
      %swap3A_414 = arith.index_cast %add3A_400 : i32 to index
      %swap3A_415 = arith.constant 0 : index
      %swap3A_416 = vector.load %arg3[%swap3A_414, %swap3A_415] : memref<1024x512xf32, #tpu.memory_space<vmem>>, vector<1x512xf32>
      tpu.vector_store %arg3[%swap3A_414, %swap3A_415], %dot_general3A_413 {strides = array<i32>} : memref<1024x512xf32, #tpu.memory_space<vmem>>, vector<1x512xf32>,
      %mul3A_417 = arith.constant 8 : i32
      %mul3A_418 = arith.muli %add3A_321, %mul3A_417 : i32
      %add3A_419 = arith.constant 4 : i32
      %add3A_420 = arith.addi %mul3A_418, %add3A_419 : i32
      %get3A_421 = arith.constant 1 : index
      %get3A_422 = arith.constant 4 : index
      %get3A_423 = arith.constant 0 : index
      %get3A_424 = arith.constant 0 : index
      %get3A_425 = arith.constant 0 : index
      %get3A_426 = vector.load %arg4[%get3A_421, %get3A_422, %get3A_423, %get3A_424, %get3A_425] : memref<8x8x32x16x128xf32, #tpu.memory_space<vmem>>, vector<1x1x32x16x128xf32>
      %get3A_427 = vector.shape_cast %get3A_426 : vector<1x1x32x16x128xf32> to vector<32x16x128xf32>
      %reshape3A_428 = vector.shape_cast %get3A_427 : vector<32x16x128xf32> to vector<512x128xf32>
      %get3A_429 = arith.index_cast %add3A_420 : i32 to index
      %get3A_430 = arith.constant 0 : index
      %get3A_431 = vector.load %arg6[%get3A_429, %get3A_430] : memref<1024x128xf32, #tpu.memory_space<vmem>>, vector<1x128xf32>
      %dot_general3A_432 = arith.constant dense<0.000000e+00> : vector<1x512xf32>
      %dot_general3A_433 = tpu.matmul %get3A_431, %reshape3A_428, %dot_general3A_432 {dimension_numbers = #tpu.dot_dimension_numbers<[1], [1], [0], [0], [0, 0, 1, 0], [], []>, transpose_lhs_hint = false} : vector<1x128xf32>, vector<512x128xf32>, vector<1x512xf32> -> vector<1x512xf32>
      %swap3A_434 = arith.index_cast %add3A_420 : i32 to index
      %swap3A_435 = arith.constant 0 : index
      %swap3A_436 = vector.load %arg3[%swap3A_434, %swap3A_435] : memref<1024x512xf32, #tpu.memory_space<vmem>>, vector<1x512xf32>
      tpu.vector_store %arg3[%swap3A_434, %swap3A_435], %dot_general3A_433 {strides = array<i32>} : memref<1024x512xf32, #tpu.memory_space<vmem>>, vector<1x512xf32>,
      %mul3A_437 = arith.constant 8 : i32
      %mul3A_438 = arith.muli %add3A_321, %mul3A_437 : i32
      %add3A_439 = arith.constant 5 : i32
      %add3A_440 = arith.addi %mul3A_438, %add3A_439 : i32
      %get3A_441 = arith.constant 1 : index
      %get3A_442 = arith.constant 5 : index
      %get3A_443 = arith.constant 0 : index
      %get3A_444 = arith.constant 0 : index
      %get3A_445 = arith.constant 0 : index
      %get3A_446 = vector.load %arg4[%get3A_441, %get3A_442, %get3A_443, %get3A_444, %get3A_445] : memref<8x8x32x16x128xf32, #tpu.memory_space<vmem>>, vector<1x1x32x16x128xf32>
      %get3A_447 = vector.shape_cast %get3A_446 : vector<1x1x32x16x128xf32> to vector<32x16x128xf32>
      %reshape3A_448 = vector.shape_cast %get3A_447 : vector<32x16x128xf32> to vector<512x128xf32>
      %get3A_449 = arith.index_cast %add3A_440 : i32 to index
      %get3A_450 = arith.constant 0 : index
      %get3A_451 = vector.load %arg6[%get3A_449, %get3A_450] : memref<1024x128xf32, #tpu.memory_space<vmem>>, vector<1x128xf32>
      %dot_general3A_452 = arith.constant dense<0.000000e+00> : vector<1x512xf32>
      %dot_general3A_453 = tpu.matmul %get3A_451, %reshape3A_448, %dot_general3A_452 {dimension_numbers = #tpu.dot_dimension_numbers<[1], [1], [0], [0], [0, 0, 1, 0], [], []>, transpose_lhs_hint = false} : vector<1x128xf32>, vector<512x128xf32>, vector<1x512xf32> -> vector<1x512xf32>
      %swap3A_454 = arith.index_cast %add3A_440 : i32 to index
      %swap3A_455 = arith.constant 0 : index
      %swap3A_456 = vector.load %arg3[%swap3A_454, %swap3A_455] : memref<1024x512xf32, #tpu.memory_space<vmem>>, vector<1x512xf32>
      tpu.vector_store %arg3[%swap3A_454, %swap3A_455], %dot_general3A_453 {strides = array<i32>} : memref<1024x512xf32, #tpu.memory_space<vmem>>, vector<1x512xf32>,
      %mul3A_457 = arith.constant 8 : i32
      %mul3A_458 = arith.muli %add3A_321, %mul3A_457 : i32
      %add3A_459 = arith.constant 6 : i32
      %add3A_460 = arith.addi %mul3A_458, %add3A_459 : i32
      %get3A_461 = arith.constant 1 : index
      %get3A_462 = arith.constant 6 : index
      %get3A_463 = arith.constant 0 : index
      %get3A_464 = arith.constant 0 : index
      %get3A_465 = arith.constant 0 : index
      %get3A_466 = vector.load %arg4[%get3A_461, %get3A_462, %get3A_463, %get3A_464, %get3A_465] : memref<8x8x32x16x128xf32, #tpu.memory_space<vmem>>, vector<1x1x32x16x128xf32>
      %get3A_467 = vector.shape_cast %get3A_466 : vector<1x1x32x16x128xf32> to vector<32x16x128xf32>
      %reshape3A_468 = vector.shape_cast %get3A_467 : vector<32x16x128xf32> to vector<512x128xf32>
      %get3A_469 = arith.index_cast %add3A_460 : i32 to index
      %get3A_470 = arith.constant 0 : index
      %get3A_471 = vector.load %arg6[%get3A_469, %get3A_470] : memref<1024x128xf32, #tpu.memory_space<vmem>>, vector<1x128xf32>
      %dot_general3A_472 = arith.constant dense<0.000000e+00> : vector<1x512xf32>
      %dot_general3A_473 = tpu.matmul %get3A_471, %reshape3A_468, %dot_general3A_472 {dimension_numbers = #tpu.dot_dimension_numbers<[1], [1], [0], [0], [0, 0, 1, 0], [], []>, transpose_lhs_hint = false} : vector<1x128xf32>, vector<512x128xf32>, vector<1x512xf32> -> vector<1x512xf32>
      %swap3A_474 = arith.index_cast %add3A_460 : i32 to index
      %swap3A_475 = arith.constant 0 : index
      %swap3A_476 = vector.load %arg3[%swap3A_474, %swap3A_475] : memref<1024x512xf32, #tpu.memory_space<vmem>>, vector<1x512xf32>
      tpu.vector_store %arg3[%swap3A_474, %swap3A_475], %dot_general3A_473 {strides = array<i32>} : memref<1024x512xf32, #tpu.memory_space<vmem>>, vector<1x512xf32>,
      %mul3A_477 = arith.constant 8 : i32
      %mul3A_478 = arith.muli %add3A_321, %mul3A_477 : i32
      %add3A_479 = arith.constant 7 : i32
      %add3A_480 = arith.addi %mul3A_478, %add3A_479 : i32
      %get3A_481 = arith.constant 1 : index
      %get3A_482 = arith.constant 7 : index
      %get3A_483 = arith.constant 0 : index
      %get3A_484 = arith.constant 0 : index
      %get3A_485 = arith.constant 0 : index
      %get3A_486 = vector.load %arg4[%get3A_481, %get3A_482, %get3A_483, %get3A_484, %get3A_485] : memref<8x8x32x16x128xf32, #tpu.memory_space<vmem>>, vector<1x1x32x16x128xf32>
      %get3A_487 = vector.shape_cast %get3A_486 : vector<1x1x32x16x128xf32> to vector<32x16x128xf32>
      %reshape3A_488 = vector.shape_cast %get3A_487 : vector<32x16x128xf32> to vector<512x128xf32>
      %get3A_489 = arith.index_cast %add3A_480 : i32 to index
      %get3A_490 = arith.constant 0 : index
      %get3A_491 = vector.load %arg6[%get3A_489, %get3A_490] : memref<1024x128xf32, #tpu.memory_space<vmem>>, vector<1x128xf32>
      %dot_general3A_492 = arith.constant dense<0.000000e+00> : vector<1x512xf32>
      %dot_general3A_493 = tpu.matmul %get3A_491, %reshape3A_488, %dot_general3A_492 {dimension_numbers = #tpu.dot_dimension_numbers<[1], [1], [0], [0], [0, 0, 1, 0], [], []>, transpose_lhs_hint = false} : vector<1x128xf32>, vector<512x128xf32>, vector<1x512xf32> -> vector<1x512xf32>
      %swap3A_494 = arith.index_cast %add3A_480 : i32 to index
      %swap3A_495 = arith.constant 0 : index
      %swap3A_496 = vector.load %arg3[%swap3A_494, %swap3A_495] : memref<1024x512xf32, #tpu.memory_space<vmem>>, vector<1x512xf32>
      tpu.vector_store %arg3[%swap3A_494, %swap3A_495], %dot_general3A_493 {strides = array<i32>} : memref<1024x512xf32, #tpu.memory_space<vmem>>, vector<1x512xf32>,
      %add3A_497 = arith.constant 8 : i32
      %add3A_498 = arith.addi %add3A_321, %add3A_497 : i32
      %lt3A_499 = arith.constant 128 : i32
      %lt3A_500 = arith.cmpi slt, %add3A_498, %lt3A_499 : i32
      %convert_element_type3A_501 = arith.extui %lt3A_500 : i1 to i32
      %cond3A_502 = arith.constant 0 : i32
      %cond3A_503 = arith.cmpi ne, %convert_element_type3A_501, %cond3A_502 : i32
      scf.if %cond3A_503 {
        %mul3A_1608 = arith.constant 8 : i32
        %mul3A_1609 = arith.muli %add3A_498, %mul3A_1608 : i32
        %dma_start3A_1610 = arith.constant 1 : i32
        %dma_start3A_1611 = arith.constant 1 : i32
        %dma_start3A_1612 = tpu.memref_slice %arg5[%dma_start3A_1611] : memref<8x!tpu.dma_semaphore, #tpu.memory_space<semaphore_mem>> -> memref<1x!tpu.dma_semaphore, #tpu.memory_space<semaphore_mem>>
        %dma_start3A_1613 = tpu.memref_squeeze %dma_start3A_1612 : memref<1x!tpu.dma_semaphore, #tpu.memory_space<semaphore_mem>> -> memref<!tpu.dma_semaphore, #tpu.memory_space<semaphore_mem>>
        %dma_start3A_1614 = arith.constant 0 : i32
        %dma_start3A_1615 = arith.constant 0 : i32
        %dma_start3A_1616 = arith.constant 0 : i32
        %dma_start3A_1617 = arith.constant 0 : i32
        %dma_start3A_1618 = tpu.memref_slice %arg4[%dma_start3A_1610, %dma_start3A_1614, %dma_start3A_1615, %dma_start3A_1616, %dma_start3A_1617] : memref<8x8x32x16x128xf32, #tpu.memory_space<vmem>> -> memref<1x8x32x16x128xf32, #tpu.memory_space<vmem>>
        %dma_start3A_1619 = tpu.memref_squeeze %dma_start3A_1618 : memref<1x8x32x16x128xf32, #tpu.memory_space<vmem>> -> memref<8x32x16x128xf32, #tpu.memory_space<vmem>>
        %dma_start3A_1620 = arith.constant 0 : i32
        %dma_start3A_1621 = arith.constant 0 : i32
        %dma_start3A_1622 = arith.constant 0 : i32
        %dma_start3A_1623 = tpu.memref_slice %arg0[%mul3A_1609, %dma_start3A_1620, %dma_start3A_1621, %dma_start3A_1622] : memref<1024x32x16x128xf32, #tpu.memory_space<any>> -> memref<8x32x16x128xf32, #tpu.memory_space<any>>
        tpu.enqueue_dma source(%dma_start3A_1623 : memref<8x32x16x128xf32, #tpu.memory_space<any>>) target(%dma_start3A_1619 : memref<8x32x16x128xf32, #tpu.memory_space<vmem>>) target_semaphore(%dma_start3A_1613 : memref<!tpu.dma_semaphore, #tpu.memory_space<semaphore_mem>>)
      } else {
      }
      %add3A_504 = arith.constant 2 : i32
      %add3A_505 = arith.addi %mul3A_141, %add3A_504 : i32
      %dma_wait3A_506 = arith.constant 2 : i32
      %dma_wait3A_507 = arith.constant 2 : i32
      %dma_wait3A_508 = tpu.memref_slice %arg5[%dma_wait3A_507] : memref<8x!tpu.dma_semaphore, #tpu.memory_space<semaphore_mem>> -> memref<1x!tpu.dma_semaphore, #tpu.memory_space<semaphore_mem>>
      %dma_wait3A_509 = tpu.memref_squeeze %dma_wait3A_508 : memref<1x!tpu.dma_semaphore, #tpu.memory_space<semaphore_mem>> -> memref<!tpu.dma_semaphore, #tpu.memory_space<semaphore_mem>>
      %dma_wait3A_510 = arith.constant 0 : i32
      %dma_wait3A_511 = arith.constant 0 : i32
      %dma_wait3A_512 = arith.constant 0 : i32
      %dma_wait3A_513 = arith.constant 0 : i32
      %dma_wait3A_514 = tpu.memref_slice %arg4[%dma_wait3A_506, %dma_wait3A_510, %dma_wait3A_511, %dma_wait3A_512, %dma_wait3A_513] : memref<8x8x32x16x128xf32, #tpu.memory_space<vmem>> -> memref<1x8x32x16x128xf32, #tpu.memory_space<vmem>>
      %dma_wait3A_515 = tpu.memref_squeeze %dma_wait3A_514 : memref<1x8x32x16x128xf32, #tpu.memory_space<vmem>> -> memref<8x32x16x128xf32, #tpu.memory_space<vmem>>
      %dma_wait3A_516 = arith.constant 0 : i32
      %dma_wait3A_517 = arith.constant 0 : i32
      %dma_wait3A_518 = arith.constant 0 : i32
      %dma_wait3A_519 = arith.constant 0 : i32
      %dma_wait3A_520 = tpu.memref_slice %arg0[%dma_wait3A_516, %dma_wait3A_517, %dma_wait3A_518, %dma_wait3A_519] : memref<1024x32x16x128xf32, #tpu.memory_space<any>> -> memref<8x32x16x128xf32, #tpu.memory_space<any>>
      tpu.wait_dma2 semaphore(%dma_wait3A_509 : memref<!tpu.dma_semaphore, #tpu.memory_space<semaphore_mem>>) src(%dma_wait3A_520 : memref<8x32x16x128xf32, #tpu.memory_space<any>>) dst(%dma_wait3A_515 : memref<8x32x16x128xf32, #tpu.memory_space<vmem>>)
      %mul3A_521 = arith.constant 8 : i32
      %mul3A_522 = arith.muli %add3A_505, %mul3A_521 : i32
      %add3A_523 = arith.constant 0 : i32
      %add3A_524 = arith.addi %mul3A_522, %add3A_523 : i32
      %get3A_525 = arith.constant 2 : index
      %get3A_526 = arith.constant 0 : index
      %get3A_527 = arith.constant 0 : index
      %get3A_528 = arith.constant 0 : index
      %get3A_529 = arith.constant 0 : index
      %get3A_530 = vector.load %arg4[%get3A_525, %get3A_526, %get3A_527, %get3A_528, %get3A_529] : memref<8x8x32x16x128xf32, #tpu.memory_space<vmem>>, vector<1x1x32x16x128xf32>
      %get3A_531 = vector.shape_cast %get3A_530 : vector<1x1x32x16x128xf32> to vector<32x16x128xf32>
      %reshape3A_532 = vector.shape_cast %get3A_531 : vector<32x16x128xf32> to vector<512x128xf32>
      %get3A_533 = arith.index_cast %add3A_524 : i32 to index
      %get3A_534 = arith.constant 0 : index
      %get3A_535 = vector.load %arg6[%get3A_533, %get3A_534] : memref<1024x128xf32, #tpu.memory_space<vmem>>, vector<1x128xf32>
      %dot_general3A_536 = arith.constant dense<0.000000e+00> : vector<1x512xf32>
      %dot_general3A_537 = tpu.matmul %get3A_535, %reshape3A_532, %dot_general3A_536 {dimension_numbers = #tpu.dot_dimension_numbers<[1], [1], [0], [0], [0, 0, 1, 0], [], []>, transpose_lhs_hint = false} : vector<1x128xf32>, vector<512x128xf32>, vector<1x512xf32> -> vector<1x512xf32>
      %swap3A_538 = arith.index_cast %add3A_524 : i32 to index
      %swap3A_539 = arith.constant 0 : index
      %swap3A_540 = vector.load %arg3[%swap3A_538, %swap3A_539] : memref<1024x512xf32, #tpu.memory_space<vmem>>, vector<1x512xf32>
      tpu.vector_store %arg3[%swap3A_538, %swap3A_539], %dot_general3A_537 {strides = array<i32>} : memref<1024x512xf32, #tpu.memory_space<vmem>>, vector<1x512xf32>,
      %mul3A_541 = arith.constant 8 : i32
      %mul3A_542 = arith.muli %add3A_505, %mul3A_541 : i32
      %add3A_543 = arith.constant 1 : i32
      %add3A_544 = arith.addi %mul3A_542, %add3A_543 : i32
      %get3A_545 = arith.constant 2 : index
      %get3A_546 = arith.constant 1 : index
      %get3A_547 = arith.constant 0 : index
      %get3A_548 = arith.constant 0 : index
      %get3A_549 = arith.constant 0 : index
      %get3A_550 = vector.load %arg4[%get3A_545, %get3A_546, %get3A_547, %get3A_548, %get3A_549] : memref<8x8x32x16x128xf32, #tpu.memory_space<vmem>>, vector<1x1x32x16x128xf32>
      %get3A_551 = vector.shape_cast %get3A_550 : vector<1x1x32x16x128xf32> to vector<32x16x128xf32>
      %reshape3A_552 = vector.shape_cast %get3A_551 : vector<32x16x128xf32> to vector<512x128xf32>
      %get3A_553 = arith.index_cast %add3A_544 : i32 to index
      %get3A_554 = arith.constant 0 : index
      %get3A_555 = vector.load %arg6[%get3A_553, %get3A_554] : memref<1024x128xf32, #tpu.memory_space<vmem>>, vector<1x128xf32>
      %dot_general3A_556 = arith.constant dense<0.000000e+00> : vector<1x512xf32>
      %dot_general3A_557 = tpu.matmul %get3A_555, %reshape3A_552, %dot_general3A_556 {dimension_numbers = #tpu.dot_dimension_numbers<[1], [1], [0], [0], [0, 0, 1, 0], [], []>, transpose_lhs_hint = false} : vector<1x128xf32>, vector<512x128xf32>, vector<1x512xf32> -> vector<1x512xf32>
      %swap3A_558 = arith.index_cast %add3A_544 : i32 to index
      %swap3A_559 = arith.constant 0 : index
      %swap3A_560 = vector.load %arg3[%swap3A_558, %swap3A_559] : memref<1024x512xf32, #tpu.memory_space<vmem>>, vector<1x512xf32>
      tpu.vector_store %arg3[%swap3A_558, %swap3A_559], %dot_general3A_557 {strides = array<i32>} : memref<1024x512xf32, #tpu.memory_space<vmem>>, vector<1x512xf32>,
      %mul3A_561 = arith.constant 8 : i32
      %mul3A_562 = arith.muli %add3A_505, %mul3A_561 : i32
      %add3A_563 = arith.constant 2 : i32
      %add3A_564 = arith.addi %mul3A_562, %add3A_563 : i32
      %get3A_565 = arith.constant 2 : index
      %get3A_566 = arith.constant 2 : index
      %get3A_567 = arith.constant 0 : index
      %get3A_568 = arith.constant 0 : index
      %get3A_569 = arith.constant 0 : index
      %get3A_570 = vector.load %arg4[%get3A_565, %get3A_566, %get3A_567, %get3A_568, %get3A_569] : memref<8x8x32x16x128xf32, #tpu.memory_space<vmem>>, vector<1x1x32x16x128xf32>
      %get3A_571 = vector.shape_cast %get3A_570 : vector<1x1x32x16x128xf32> to vector<32x16x128xf32>
      %reshape3A_572 = vector.shape_cast %get3A_571 : vector<32x16x128xf32> to vector<512x128xf32>
      %get3A_573 = arith.index_cast %add3A_564 : i32 to index
      %get3A_574 = arith.constant 0 : index
      %get3A_575 = vector.load %arg6[%get3A_573, %get3A_574] : memref<1024x128xf32, #tpu.memory_space<vmem>>, vector<1x128xf32>
      %dot_general3A_576 = arith.constant dense<0.000000e+00> : vector<1x512xf32>
      %dot_general3A_577 = tpu.matmul %get3A_575, %reshape3A_572, %dot_general3A_576 {dimension_numbers = #tpu.dot_dimension_numbers<[1], [1], [0], [0], [0, 0, 1, 0], [], []>, transpose_lhs_hint = false} : vector<1x128xf32>, vector<512x128xf32>, vector<1x512xf32> -> vector<1x512xf32>
      %swap3A_578 = arith.index_cast %add3A_564 : i32 to index
      %swap3A_579 = arith.constant 0 : index
      %swap3A_580 = vector.load %arg3[%swap3A_578, %swap3A_579] : memref<1024x512xf32, #tpu.memory_space<vmem>>, vector<1x512xf32>
      tpu.vector_store %arg3[%swap3A_578, %swap3A_579], %dot_general3A_577 {strides = array<i32>} : memref<1024x512xf32, #tpu.memory_space<vmem>>, vector<1x512xf32>,
      %mul3A_581 = arith.constant 8 : i32
      %mul3A_582 = arith.muli %add3A_505, %mul3A_581 : i32
      %add3A_583 = arith.constant 3 : i32
      %add3A_584 = arith.addi %mul3A_582, %add3A_583 : i32
      %get3A_585 = arith.constant 2 : index
      %get3A_586 = arith.constant 3 : index
      %get3A_587 = arith.constant 0 : index
      %get3A_588 = arith.constant 0 : index
      %get3A_589 = arith.constant 0 : index
      %get3A_590 = vector.load %arg4[%get3A_585, %get3A_586, %get3A_587, %get3A_588, %get3A_589] : memref<8x8x32x16x128xf32, #tpu.memory_space<vmem>>, vector<1x1x32x16x128xf32>
      %get3A_591 = vector.shape_cast %get3A_590 : vector<1x1x32x16x128xf32> to vector<32x16x128xf32>
      %reshape3A_592 = vector.shape_cast %get3A_591 : vector<32x16x128xf32> to vector<512x128xf32>
      %get3A_593 = arith.index_cast %add3A_584 : i32 to index
      %get3A_594 = arith.constant 0 : index
      %get3A_595 = vector.load %arg6[%get3A_593, %get3A_594] : memref<1024x128xf32, #tpu.memory_space<vmem>>, vector<1x128xf32>
      %dot_general3A_596 = arith.constant dense<0.000000e+00> : vector<1x512xf32>
      %dot_general3A_597 = tpu.matmul %get3A_595, %reshape3A_592, %dot_general3A_596 {dimension_numbers = #tpu.dot_dimension_numbers<[1], [1], [0], [0], [0, 0, 1, 0], [], []>, transpose_lhs_hint = false} : vector<1x128xf32>, vector<512x128xf32>, vector<1x512xf32> -> vector<1x512xf32>
      %swap3A_598 = arith.index_cast %add3A_584 : i32 to index
      %swap3A_599 = arith.constant 0 : index
      %swap3A_600 = vector.load %arg3[%swap3A_598, %swap3A_599] : memref<1024x512xf32, #tpu.memory_space<vmem>>, vector<1x512xf32>
      tpu.vector_store %arg3[%swap3A_598, %swap3A_599], %dot_general3A_597 {strides = array<i32>} : memref<1024x512xf32, #tpu.memory_space<vmem>>, vector<1x512xf32>,
      %mul3A_601 = arith.constant 8 : i32
      %mul3A_602 = arith.muli %add3A_505, %mul3A_601 : i32
      %add3A_603 = arith.constant 4 : i32
      %add3A_604 = arith.addi %mul3A_602, %add3A_603 : i32
      %get3A_605 = arith.constant 2 : index
      %get3A_606 = arith.constant 4 : index
      %get3A_607 = arith.constant 0 : index
      %get3A_608 = arith.constant 0 : index
      %get3A_609 = arith.constant 0 : index
      %get3A_610 = vector.load %arg4[%get3A_605, %get3A_606, %get3A_607, %get3A_608, %get3A_609] : memref<8x8x32x16x128xf32, #tpu.memory_space<vmem>>, vector<1x1x32x16x128xf32>
      %get3A_611 = vector.shape_cast %get3A_610 : vector<1x1x32x16x128xf32> to vector<32x16x128xf32>
      %reshape3A_612 = vector.shape_cast %get3A_611 : vector<32x16x128xf32> to vector<512x128xf32>
      %get3A_613 = arith.index_cast %add3A_604 : i32 to index
      %get3A_614 = arith.constant 0 : index
      %get3A_615 = vector.load %arg6[%get3A_613, %get3A_614] : memref<1024x128xf32, #tpu.memory_space<vmem>>, vector<1x128xf32>
      %dot_general3A_616 = arith.constant dense<0.000000e+00> : vector<1x512xf32>
      %dot_general3A_617 = tpu.matmul %get3A_615, %reshape3A_612, %dot_general3A_616 {dimension_numbers = #tpu.dot_dimension_numbers<[1], [1], [0], [0], [0, 0, 1, 0], [], []>, transpose_lhs_hint = false} : vector<1x128xf32>, vector<512x128xf32>, vector<1x512xf32> -> vector<1x512xf32>
      %swap3A_618 = arith.index_cast %add3A_604 : i32 to index
      %swap3A_619 = arith.constant 0 : index
      %swap3A_620 = vector.load %arg3[%swap3A_618, %swap3A_619] : memref<1024x512xf32, #tpu.memory_space<vmem>>, vector<1x512xf32>
      tpu.vector_store %arg3[%swap3A_618, %swap3A_619], %dot_general3A_617 {strides = array<i32>} : memref<1024x512xf32, #tpu.memory_space<vmem>>, vector<1x512xf32>,
      %mul3A_621 = arith.constant 8 : i32
      %mul3A_622 = arith.muli %add3A_505, %mul3A_621 : i32
      %add3A_623 = arith.constant 5 : i32
      %add3A_624 = arith.addi %mul3A_622, %add3A_623 : i32
      %get3A_625 = arith.constant 2 : index
      %get3A_626 = arith.constant 5 : index
      %get3A_627 = arith.constant 0 : index
      %get3A_628 = arith.constant 0 : index
      %get3A_629 = arith.constant 0 : index
      %get3A_630 = vector.load %arg4[%get3A_625, %get3A_626, %get3A_627, %get3A_628, %get3A_629] : memref<8x8x32x16x128xf32, #tpu.memory_space<vmem>>, vector<1x1x32x16x128xf32>
      %get3A_631 = vector.shape_cast %get3A_630 : vector<1x1x32x16x128xf32> to vector<32x16x128xf32>
      %reshape3A_632 = vector.shape_cast %get3A_631 : vector<32x16x128xf32> to vector<512x128xf32>
      %get3A_633 = arith.index_cast %add3A_624 : i32 to index
      %get3A_634 = arith.constant 0 : index
      %get3A_635 = vector.load %arg6[%get3A_633, %get3A_634] : memref<1024x128xf32, #tpu.memory_space<vmem>>, vector<1x128xf32>
      %dot_general3A_636 = arith.constant dense<0.000000e+00> : vector<1x512xf32>
      %dot_general3A_637 = tpu.matmul %get3A_635, %reshape3A_632, %dot_general3A_636 {dimension_numbers = #tpu.dot_dimension_numbers<[1], [1], [0], [0], [0, 0, 1, 0], [], []>, transpose_lhs_hint = false} : vector<1x128xf32>, vector<512x128xf32>, vector<1x512xf32> -> vector<1x512xf32>
      %swap3A_638 = arith.index_cast %add3A_624 : i32 to index
      %swap3A_639 = arith.constant 0 : index
      %swap3A_640 = vector.load %arg3[%swap3A_638, %swap3A_639] : memref<1024x512xf32, #tpu.memory_space<vmem>>, vector<1x512xf32>
      tpu.vector_store %arg3[%swap3A_638, %swap3A_639], %dot_general3A_637 {strides = array<i32>} : memref<1024x512xf32, #tpu.memory_space<vmem>>, vector<1x512xf32>,
      %mul3A_641 = arith.constant 8 : i32
      %mul3A_642 = arith.muli %add3A_505, %mul3A_641 : i32
      %add3A_643 = arith.constant 6 : i32
      %add3A_644 = arith.addi %mul3A_642, %add3A_643 : i32
      %get3A_645 = arith.constant 2 : index
      %get3A_646 = arith.constant 6 : index
      %get3A_647 = arith.constant 0 : index
      %get3A_648 = arith.constant 0 : index
      %get3A_649 = arith.constant 0 : index
      %get3A_650 = vector.load %arg4[%get3A_645, %get3A_646, %get3A_647, %get3A_648, %get3A_649] : memref<8x8x32x16x128xf32, #tpu.memory_space<vmem>>, vector<1x1x32x16x128xf32>
      %get3A_651 = vector.shape_cast %get3A_650 : vector<1x1x32x16x128xf32> to vector<32x16x128xf32>
      %reshape3A_652 = vector.shape_cast %get3A_651 : vector<32x16x128xf32> to vector<512x128xf32>
      %get3A_653 = arith.index_cast %add3A_644 : i32 to index
      %get3A_654 = arith.constant 0 : index
      %get3A_655 = vector.load %arg6[%get3A_653, %get3A_654] : memref<1024x128xf32, #tpu.memory_space<vmem>>, vector<1x128xf32>
      %dot_general3A_656 = arith.constant dense<0.000000e+00> : vector<1x512xf32>
      %dot_general3A_657 = tpu.matmul %get3A_655, %reshape3A_652, %dot_general3A_656 {dimension_numbers = #tpu.dot_dimension_numbers<[1], [1], [0], [0], [0, 0, 1, 0], [], []>, transpose_lhs_hint = false} : vector<1x128xf32>, vector<512x128xf32>, vector<1x512xf32> -> vector<1x512xf32>
      %swap3A_658 = arith.index_cast %add3A_644 : i32 to index
      %swap3A_659 = arith.constant 0 : index
      %swap3A_660 = vector.load %arg3[%swap3A_658, %swap3A_659] : memref<1024x512xf32, #tpu.memory_space<vmem>>, vector<1x512xf32>
      tpu.vector_store %arg3[%swap3A_658, %swap3A_659], %dot_general3A_657 {strides = array<i32>} : memref<1024x512xf32, #tpu.memory_space<vmem>>, vector<1x512xf32>,
      %mul3A_661 = arith.constant 8 : i32
      %mul3A_662 = arith.muli %add3A_505, %mul3A_661 : i32
      %add3A_663 = arith.constant 7 : i32
      %add3A_664 = arith.addi %mul3A_662, %add3A_663 : i32
      %get3A_665 = arith.constant 2 : index
      %get3A_666 = arith.constant 7 : index
      %get3A_667 = arith.constant 0 : index
      %get3A_668 = arith.constant 0 : index
      %get3A_669 = arith.constant 0 : index
      %get3A_670 = vector.load %arg4[%get3A_665, %get3A_666, %get3A_667, %get3A_668, %get3A_669] : memref<8x8x32x16x128xf32, #tpu.memory_space<vmem>>, vector<1x1x32x16x128xf32>
      %get3A_671 = vector.shape_cast %get3A_670 : vector<1x1x32x16x128xf32> to vector<32x16x128xf32>
      %reshape3A_672 = vector.shape_cast %get3A_671 : vector<32x16x128xf32> to vector<512x128xf32>
      %get3A_673 = arith.index_cast %add3A_664 : i32 to index
      %get3A_674 = arith.constant 0 : index
      %get3A_675 = vector.load %arg6[%get3A_673, %get3A_674] : memref<1024x128xf32, #tpu.memory_space<vmem>>, vector<1x128xf32>
      %dot_general3A_676 = arith.constant dense<0.000000e+00> : vector<1x512xf32>
      %dot_general3A_677 = tpu.matmul %get3A_675, %reshape3A_672, %dot_general3A_676 {dimension_numbers = #tpu.dot_dimension_numbers<[1], [1], [0], [0], [0, 0, 1, 0], [], []>, transpose_lhs_hint = false} : vector<1x128xf32>, vector<512x128xf32>, vector<1x512xf32> -> vector<1x512xf32>
      %swap3A_678 = arith.index_cast %add3A_664 : i32 to index
      %swap3A_679 = arith.constant 0 : index
      %swap3A_680 = vector.load %arg3[%swap3A_678, %swap3A_679] : memref<1024x512xf32, #tpu.memory_space<vmem>>, vector<1x512xf32>
      tpu.vector_store %arg3[%swap3A_678, %swap3A_679], %dot_general3A_677 {strides = array<i32>} : memref<1024x512xf32, #tpu.memory_space<vmem>>, vector<1x512xf32>,
      %add3A_681 = arith.constant 8 : i32
      %add3A_682 = arith.addi %add3A_505, %add3A_681 : i32
      %lt3A_683 = arith.constant 128 : i32
      %lt3A_684 = arith.cmpi slt, %add3A_682, %lt3A_683 : i32
      %convert_element_type3A_685 = arith.extui %lt3A_684 : i1 to i32
      %cond3A_686 = arith.constant 0 : i32
      %cond3A_687 = arith.cmpi ne, %convert_element_type3A_685, %cond3A_686 : i32
      scf.if %cond3A_687 {
        %mul3A_1608 = arith.constant 8 : i32
        %mul3A_1609 = arith.muli %add3A_682, %mul3A_1608 : i32
        %dma_start3A_1610 = arith.constant 2 : i32
        %dma_start3A_1611 = arith.constant 2 : i32
        %dma_start3A_1612 = tpu.memref_slice %arg5[%dma_start3A_1611] : memref<8x!tpu.dma_semaphore, #tpu.memory_space<semaphore_mem>> -> memref<1x!tpu.dma_semaphore, #tpu.memory_space<semaphore_mem>>
        %dma_start3A_1613 = tpu.memref_squeeze %dma_start3A_1612 : memref<1x!tpu.dma_semaphore, #tpu.memory_space<semaphore_mem>> -> memref<!tpu.dma_semaphore, #tpu.memory_space<semaphore_mem>>
        %dma_start3A_1614 = arith.constant 0 : i32
        %dma_start3A_1615 = arith.constant 0 : i32
        %dma_start3A_1616 = arith.constant 0 : i32
        %dma_start3A_1617 = arith.constant 0 : i32
        %dma_start3A_1618 = tpu.memref_slice %arg4[%dma_start3A_1610, %dma_start3A_1614, %dma_start3A_1615, %dma_start3A_1616, %dma_start3A_1617] : memref<8x8x32x16x128xf32, #tpu.memory_space<vmem>> -> memref<1x8x32x16x128xf32, #tpu.memory_space<vmem>>
        %dma_start3A_1619 = tpu.memref_squeeze %dma_start3A_1618 : memref<1x8x32x16x128xf32, #tpu.memory_space<vmem>> -> memref<8x32x16x128xf32, #tpu.memory_space<vmem>>
        %dma_start3A_1620 = arith.constant 0 : i32
        %dma_start3A_1621 = arith.constant 0 : i32
        %dma_start3A_1622 = arith.constant 0 : i32
        %dma_start3A_1623 = tpu.memref_slice %arg0[%mul3A_1609, %dma_start3A_1620, %dma_start3A_1621, %dma_start3A_1622] : memref<1024x32x16x128xf32, #tpu.memory_space<any>> -> memref<8x32x16x128xf32, #tpu.memory_space<any>>
        tpu.enqueue_dma source(%dma_start3A_1623 : memref<8x32x16x128xf32, #tpu.memory_space<any>>) target(%dma_start3A_1619 : memref<8x32x16x128xf32, #tpu.memory_space<vmem>>) target_semaphore(%dma_start3A_1613 : memref<!tpu.dma_semaphore, #tpu.memory_space<semaphore_mem>>)
      } else {
      }
      %add3A_688 = arith.constant 3 : i32
      %add3A_689 = arith.addi %mul3A_141, %add3A_688 : i32
      %dma_wait3A_690 = arith.constant 3 : i32
      %dma_wait3A_691 = arith.constant 3 : i32
      %dma_wait3A_692 = tpu.memref_slice %arg5[%dma_wait3A_691] : memref<8x!tpu.dma_semaphore, #tpu.memory_space<semaphore_mem>> -> memref<1x!tpu.dma_semaphore, #tpu.memory_space<semaphore_mem>>
      %dma_wait3A_693 = tpu.memref_squeeze %dma_wait3A_692 : memref<1x!tpu.dma_semaphore, #tpu.memory_space<semaphore_mem>> -> memref<!tpu.dma_semaphore, #tpu.memory_space<semaphore_mem>>
      %dma_wait3A_694 = arith.constant 0 : i32
      %dma_wait3A_695 = arith.constant 0 : i32
      %dma_wait3A_696 = arith.constant 0 : i32
      %dma_wait3A_697 = arith.constant 0 : i32
      %dma_wait3A_698 = tpu.memref_slice %arg4[%dma_wait3A_690, %dma_wait3A_694, %dma_wait3A_695, %dma_wait3A_696, %dma_wait3A_697] : memref<8x8x32x16x128xf32, #tpu.memory_space<vmem>> -> memref<1x8x32x16x128xf32, #tpu.memory_space<vmem>>
      %dma_wait3A_699 = tpu.memref_squeeze %dma_wait3A_698 : memref<1x8x32x16x128xf32, #tpu.memory_space<vmem>> -> memref<8x32x16x128xf32, #tpu.memory_space<vmem>>
      %dma_wait3A_700 = arith.constant 0 : i32
      %dma_wait3A_701 = arith.constant 0 : i32
      %dma_wait3A_702 = arith.constant 0 : i32
      %dma_wait3A_703 = arith.constant 0 : i32
      %dma_wait3A_704 = tpu.memref_slice %arg0[%dma_wait3A_700, %dma_wait3A_701, %dma_wait3A_702, %dma_wait3A_703] : memref<1024x32x16x128xf32, #tpu.memory_space<any>> -> memref<8x32x16x128xf32, #tpu.memory_space<any>>
      tpu.wait_dma2 semaphore(%dma_wait3A_693 : memref<!tpu.dma_semaphore, #tpu.memory_space<semaphore_mem>>) src(%dma_wait3A_704 : memref<8x32x16x128xf32, #tpu.memory_space<any>>) dst(%dma_wait3A_699 : memref<8x32x16x128xf32, #tpu.memory_space<vmem>>)
      %mul3A_705 = arith.constant 8 : i32
      %mul3A_706 = arith.muli %add3A_689, %mul3A_705 : i32
      %add3A_707 = arith.constant 0 : i32
      %add3A_708 = arith.addi %mul3A_706, %add3A_707 : i32
      %get3A_709 = arith.constant 3 : index
      %get3A_710 = arith.constant 0 : index
      %get3A_711 = arith.constant 0 : index
      %get3A_712 = arith.constant 0 : index
      %get3A_713 = arith.constant 0 : index
      %get3A_714 = vector.load %arg4[%get3A_709, %get3A_710, %get3A_711, %get3A_712, %get3A_713] : memref<8x8x32x16x128xf32, #tpu.memory_space<vmem>>, vector<1x1x32x16x128xf32>
      %get3A_715 = vector.shape_cast %get3A_714 : vector<1x1x32x16x128xf32> to vector<32x16x128xf32>
      %reshape3A_716 = vector.shape_cast %get3A_715 : vector<32x16x128xf32> to vector<512x128xf32>
      %get3A_717 = arith.index_cast %add3A_708 : i32 to index
      %get3A_718 = arith.constant 0 : index
      %get3A_719 = vector.load %arg6[%get3A_717, %get3A_718] : memref<1024x128xf32, #tpu.memory_space<vmem>>, vector<1x128xf32>
      %dot_general3A_720 = arith.constant dense<0.000000e+00> : vector<1x512xf32>
      %dot_general3A_721 = tpu.matmul %get3A_719, %reshape3A_716, %dot_general3A_720 {dimension_numbers = #tpu.dot_dimension_numbers<[1], [1], [0], [0], [0, 0, 1, 0], [], []>, transpose_lhs_hint = false} : vector<1x128xf32>, vector<512x128xf32>, vector<1x512xf32> -> vector<1x512xf32>
      %swap3A_722 = arith.index_cast %add3A_708 : i32 to index
      %swap3A_723 = arith.constant 0 : index
      %swap3A_724 = vector.load %arg3[%swap3A_722, %swap3A_723] : memref<1024x512xf32, #tpu.memory_space<vmem>>, vector<1x512xf32>
      tpu.vector_store %arg3[%swap3A_722, %swap3A_723], %dot_general3A_721 {strides = array<i32>} : memref<1024x512xf32, #tpu.memory_space<vmem>>, vector<1x512xf32>,
      %mul3A_725 = arith.constant 8 : i32
      %mul3A_726 = arith.muli %add3A_689, %mul3A_725 : i32
      %add3A_727 = arith.constant 1 : i32
      %add3A_728 = arith.addi %mul3A_726, %add3A_727 : i32
      %get3A_729 = arith.constant 3 : index
      %get3A_730 = arith.constant 1 : index
      %get3A_731 = arith.constant 0 : index
      %get3A_732 = arith.constant 0 : index
      %get3A_733 = arith.constant 0 : index
      %get3A_734 = vector.load %arg4[%get3A_729, %get3A_730, %get3A_731, %get3A_732, %get3A_733] : memref<8x8x32x16x128xf32, #tpu.memory_space<vmem>>, vector<1x1x32x16x128xf32>
      %get3A_735 = vector.shape_cast %get3A_734 : vector<1x1x32x16x128xf32> to vector<32x16x128xf32>
      %reshape3A_736 = vector.shape_cast %get3A_735 : vector<32x16x128xf32> to vector<512x128xf32>
      %get3A_737 = arith.index_cast %add3A_728 : i32 to index
      %get3A_738 = arith.constant 0 : index
      %get3A_739 = vector.load %arg6[%get3A_737, %get3A_738] : memref<1024x128xf32, #tpu.memory_space<vmem>>, vector<1x128xf32>
      %dot_general3A_740 = arith.constant dense<0.000000e+00> : vector<1x512xf32>
      %dot_general3A_741 = tpu.matmul %get3A_739, %reshape3A_736, %dot_general3A_740 {dimension_numbers = #tpu.dot_dimension_numbers<[1], [1], [0], [0], [0, 0, 1, 0], [], []>, transpose_lhs_hint = false} : vector<1x128xf32>, vector<512x128xf32>, vector<1x512xf32> -> vector<1x512xf32>
      %swap3A_742 = arith.index_cast %add3A_728 : i32 to index
      %swap3A_743 = arith.constant 0 : index
      %swap3A_744 = vector.load %arg3[%swap3A_742, %swap3A_743] : memref<1024x512xf32, #tpu.memory_space<vmem>>, vector<1x512xf32>
      tpu.vector_store %arg3[%swap3A_742, %swap3A_743], %dot_general3A_741 {strides = array<i32>} : memref<1024x512xf32, #tpu.memory_space<vmem>>, vector<1x512xf32>,
      %mul3A_745 = arith.constant 8 : i32
      %mul3A_746 = arith.muli %add3A_689, %mul3A_745 : i32
      %add3A_747 = arith.constant 2 : i32
      %add3A_748 = arith.addi %mul3A_746, %add3A_747 : i32
      %get3A_749 = arith.constant 3 : index
      %get3A_750 = arith.constant 2 : index
      %get3A_751 = arith.constant 0 : index
      %get3A_752 = arith.constant 0 : index
      %get3A_753 = arith.constant 0 : index
      %get3A_754 = vector.load %arg4[%get3A_749, %get3A_750, %get3A_751, %get3A_752, %get3A_753] : memref<8x8x32x16x128xf32, #tpu.memory_space<vmem>>, vector<1x1x32x16x128xf32>
      %get3A_755 = vector.shape_cast %get3A_754 : vector<1x1x32x16x128xf32> to vector<32x16x128xf32>
      %reshape3A_756 = vector.shape_cast %get3A_755 : vector<32x16x128xf32> to vector<512x128xf32>
      %get3A_757 = arith.index_cast %add3A_748 : i32 to index
      %get3A_758 = arith.constant 0 : index
      %get3A_759 = vector.load %arg6[%get3A_757, %get3A_758] : memref<1024x128xf32, #tpu.memory_space<vmem>>, vector<1x128xf32>
      %dot_general3A_760 = arith.constant dense<0.000000e+00> : vector<1x512xf32>
      %dot_general3A_761 = tpu.matmul %get3A_759, %reshape3A_756, %dot_general3A_760 {dimension_numbers = #tpu.dot_dimension_numbers<[1], [1], [0], [0], [0, 0, 1, 0], [], []>, transpose_lhs_hint = false} : vector<1x128xf32>, vector<512x128xf32>, vector<1x512xf32> -> vector<1x512xf32>
      %swap3A_762 = arith.index_cast %add3A_748 : i32 to index
      %swap3A_763 = arith.constant 0 : index
      %swap3A_764 = vector.load %arg3[%swap3A_762, %swap3A_763] : memref<1024x512xf32, #tpu.memory_space<vmem>>, vector<1x512xf32>
      tpu.vector_store %arg3[%swap3A_762, %swap3A_763], %dot_general3A_761 {strides = array<i32>} : memref<1024x512xf32, #tpu.memory_space<vmem>>, vector<1x512xf32>,
      %mul3A_765 = arith.constant 8 : i32
      %mul3A_766 = arith.muli %add3A_689, %mul3A_765 : i32
      %add3A_767 = arith.constant 3 : i32
      %add3A_768 = arith.addi %mul3A_766, %add3A_767 : i32
      %get3A_769 = arith.constant 3 : index
      %get3A_770 = arith.constant 3 : index
      %get3A_771 = arith.constant 0 : index
      %get3A_772 = arith.constant 0 : index
      %get3A_773 = arith.constant 0 : index
      %get3A_774 = vector.load %arg4[%get3A_769, %get3A_770, %get3A_771, %get3A_772, %get3A_773] : memref<8x8x32x16x128xf32, #tpu.memory_space<vmem>>, vector<1x1x32x16x128xf32>
      %get3A_775 = vector.shape_cast %get3A_774 : vector<1x1x32x16x128xf32> to vector<32x16x128xf32>
      %reshape3A_776 = vector.shape_cast %get3A_775 : vector<32x16x128xf32> to vector<512x128xf32>
      %get3A_777 = arith.index_cast %add3A_768 : i32 to index
      %get3A_778 = arith.constant 0 : index
      %get3A_779 = vector.load %arg6[%get3A_777, %get3A_778] : memref<1024x128xf32, #tpu.memory_space<vmem>>, vector<1x128xf32>
      %dot_general3A_780 = arith.constant dense<0.000000e+00> : vector<1x512xf32>
      %dot_general3A_781 = tpu.matmul %get3A_779, %reshape3A_776, %dot_general3A_780 {dimension_numbers = #tpu.dot_dimension_numbers<[1], [1], [0], [0], [0, 0, 1, 0], [], []>, transpose_lhs_hint = false} : vector<1x128xf32>, vector<512x128xf32>, vector<1x512xf32> -> vector<1x512xf32>
      %swap3A_782 = arith.index_cast %add3A_768 : i32 to index
      %swap3A_783 = arith.constant 0 : index
      %swap3A_784 = vector.load %arg3[%swap3A_782, %swap3A_783] : memref<1024x512xf32, #tpu.memory_space<vmem>>, vector<1x512xf32>
      tpu.vector_store %arg3[%swap3A_782, %swap3A_783], %dot_general3A_781 {strides = array<i32>} : memref<1024x512xf32, #tpu.memory_space<vmem>>, vector<1x512xf32>,
      %mul3A_785 = arith.constant 8 : i32
      %mul3A_786 = arith.muli %add3A_689, %mul3A_785 : i32
      %add3A_787 = arith.constant 4 : i32
      %add3A_788 = arith.addi %mul3A_786, %add3A_787 : i32
      %get3A_789 = arith.constant 3 : index
      %get3A_790 = arith.constant 4 : index
      %get3A_791 = arith.constant 0 : index
      %get3A_792 = arith.constant 0 : index
      %get3A_793 = arith.constant 0 : index
      %get3A_794 = vector.load %arg4[%get3A_789, %get3A_790, %get3A_791, %get3A_792, %get3A_793] : memref<8x8x32x16x128xf32, #tpu.memory_space<vmem>>, vector<1x1x32x16x128xf32>
      %get3A_795 = vector.shape_cast %get3A_794 : vector<1x1x32x16x128xf32> to vector<32x16x128xf32>
      %reshape3A_796 = vector.shape_cast %get3A_795 : vector<32x16x128xf32> to vector<512x128xf32>
      %get3A_797 = arith.index_cast %add3A_788 : i32 to index
      %get3A_798 = arith.constant 0 : index
      %get3A_799 = vector.load %arg6[%get3A_797, %get3A_798] : memref<1024x128xf32, #tpu.memory_space<vmem>>, vector<1x128xf32>
      %dot_general3A_800 = arith.constant dense<0.000000e+00> : vector<1x512xf32>
      %dot_general3A_801 = tpu.matmul %get3A_799, %reshape3A_796, %dot_general3A_800 {dimension_numbers = #tpu.dot_dimension_numbers<[1], [1], [0], [0], [0, 0, 1, 0], [], []>, transpose_lhs_hint = false} : vector<1x128xf32>, vector<512x128xf32>, vector<1x512xf32> -> vector<1x512xf32>
      %swap3A_802 = arith.index_cast %add3A_788 : i32 to index
      %swap3A_803 = arith.constant 0 : index
      %swap3A_804 = vector.load %arg3[%swap3A_802, %swap3A_803] : memref<1024x512xf32, #tpu.memory_space<vmem>>, vector<1x512xf32>
      tpu.vector_store %arg3[%swap3A_802, %swap3A_803], %dot_general3A_801 {strides = array<i32>} : memref<1024x512xf32, #tpu.memory_space<vmem>>, vector<1x512xf32>,
      %mul3A_805 = arith.constant 8 : i32
      %mul3A_806 = arith.muli %add3A_689, %mul3A_805 : i32
      %add3A_807 = arith.constant 5 : i32
      %add3A_808 = arith.addi %mul3A_806, %add3A_807 : i32
      %get3A_809 = arith.constant 3 : index
      %get3A_810 = arith.constant 5 : index
      %get3A_811 = arith.constant 0 : index
      %get3A_812 = arith.constant 0 : index
      %get3A_813 = arith.constant 0 : index
      %get3A_814 = vector.load %arg4[%get3A_809, %get3A_810, %get3A_811, %get3A_812, %get3A_813] : memref<8x8x32x16x128xf32, #tpu.memory_space<vmem>>, vector<1x1x32x16x128xf32>
      %get3A_815 = vector.shape_cast %get3A_814 : vector<1x1x32x16x128xf32> to vector<32x16x128xf32>
      %reshape3A_816 = vector.shape_cast %get3A_815 : vector<32x16x128xf32> to vector<512x128xf32>
      %get3A_817 = arith.index_cast %add3A_808 : i32 to index
      %get3A_818 = arith.constant 0 : index
      %get3A_819 = vector.load %arg6[%get3A_817, %get3A_818] : memref<1024x128xf32, #tpu.memory_space<vmem>>, vector<1x128xf32>
      %dot_general3A_820 = arith.constant dense<0.000000e+00> : vector<1x512xf32>
      %dot_general3A_821 = tpu.matmul %get3A_819, %reshape3A_816, %dot_general3A_820 {dimension_numbers = #tpu.dot_dimension_numbers<[1], [1], [0], [0], [0, 0, 1, 0], [], []>, transpose_lhs_hint = false} : vector<1x128xf32>, vector<512x128xf32>, vector<1x512xf32> -> vector<1x512xf32>
      %swap3A_822 = arith.index_cast %add3A_808 : i32 to index
      %swap3A_823 = arith.constant 0 : index
      %swap3A_824 = vector.load %arg3[%swap3A_822, %swap3A_823] : memref<1024x512xf32, #tpu.memory_space<vmem>>, vector<1x512xf32>
      tpu.vector_store %arg3[%swap3A_822, %swap3A_823], %dot_general3A_821 {strides = array<i32>} : memref<1024x512xf32, #tpu.memory_space<vmem>>, vector<1x512xf32>,
      %mul3A_825 = arith.constant 8 : i32
      %mul3A_826 = arith.muli %add3A_689, %mul3A_825 : i32
      %add3A_827 = arith.constant 6 : i32
      %add3A_828 = arith.addi %mul3A_826, %add3A_827 : i32
      %get3A_829 = arith.constant 3 : index
      %get3A_830 = arith.constant 6 : index
      %get3A_831 = arith.constant 0 : index
      %get3A_832 = arith.constant 0 : index
      %get3A_833 = arith.constant 0 : index
      %get3A_834 = vector.load %arg4[%get3A_829, %get3A_830, %get3A_831, %get3A_832, %get3A_833] : memref<8x8x32x16x128xf32, #tpu.memory_space<vmem>>, vector<1x1x32x16x128xf32>
      %get3A_835 = vector.shape_cast %get3A_834 : vector<1x1x32x16x128xf32> to vector<32x16x128xf32>
      %reshape3A_836 = vector.shape_cast %get3A_835 : vector<32x16x128xf32> to vector<512x128xf32>
      %get3A_837 = arith.index_cast %add3A_828 : i32 to index
      %get3A_838 = arith.constant 0 : index
      %get3A_839 = vector.load %arg6[%get3A_837, %get3A_838] : memref<1024x128xf32, #tpu.memory_space<vmem>>, vector<1x128xf32>
      %dot_general3A_840 = arith.constant dense<0.000000e+00> : vector<1x512xf32>
      %dot_general3A_841 = tpu.matmul %get3A_839, %reshape3A_836, %dot_general3A_840 {dimension_numbers = #tpu.dot_dimension_numbers<[1], [1], [0], [0], [0, 0, 1, 0], [], []>, transpose_lhs_hint = false} : vector<1x128xf32>, vector<512x128xf32>, vector<1x512xf32> -> vector<1x512xf32>
      %swap3A_842 = arith.index_cast %add3A_828 : i32 to index
      %swap3A_843 = arith.constant 0 : index
      %swap3A_844 = vector.load %arg3[%swap3A_842, %swap3A_843] : memref<1024x512xf32, #tpu.memory_space<vmem>>, vector<1x512xf32>
      tpu.vector_store %arg3[%swap3A_842, %swap3A_843], %dot_general3A_841 {strides = array<i32>} : memref<1024x512xf32, #tpu.memory_space<vmem>>, vector<1x512xf32>,
      %mul3A_845 = arith.constant 8 : i32
      %mul3A_846 = arith.muli %add3A_689, %mul3A_845 : i32
      %add3A_847 = arith.constant 7 : i32
      %add3A_848 = arith.addi %mul3A_846, %add3A_847 : i32
      %get3A_849 = arith.constant 3 : index
      %get3A_850 = arith.constant 7 : index
      %get3A_851 = arith.constant 0 : index
      %get3A_852 = arith.constant 0 : index
      %get3A_853 = arith.constant 0 : index
      %get3A_854 = vector.load %arg4[%get3A_849, %get3A_850, %get3A_851, %get3A_852, %get3A_853] : memref<8x8x32x16x128xf32, #tpu.memory_space<vmem>>, vector<1x1x32x16x128xf32>
      %get3A_855 = vector.shape_cast %get3A_854 : vector<1x1x32x16x128xf32> to vector<32x16x128xf32>
      %reshape3A_856 = vector.shape_cast %get3A_855 : vector<32x16x128xf32> to vector<512x128xf32>
      %get3A_857 = arith.index_cast %add3A_848 : i32 to index
      %get3A_858 = arith.constant 0 : index
      %get3A_859 = vector.load %arg6[%get3A_857, %get3A_858] : memref<1024x128xf32, #tpu.memory_space<vmem>>, vector<1x128xf32>
      %dot_general3A_860 = arith.constant dense<0.000000e+00> : vector<1x512xf32>
      %dot_general3A_861 = tpu.matmul %get3A_859, %reshape3A_856, %dot_general3A_860 {dimension_numbers = #tpu.dot_dimension_numbers<[1], [1], [0], [0], [0, 0, 1, 0], [], []>, transpose_lhs_hint = false} : vector<1x128xf32>, vector<512x128xf32>, vector<1x512xf32> -> vector<1x512xf32>
      %swap3A_862 = arith.index_cast %add3A_848 : i32 to index
      %swap3A_863 = arith.constant 0 : index
      %swap3A_864 = vector.load %arg3[%swap3A_862, %swap3A_863] : memref<1024x512xf32, #tpu.memory_space<vmem>>, vector<1x512xf32>
      tpu.vector_store %arg3[%swap3A_862, %swap3A_863], %dot_general3A_861 {strides = array<i32>} : memref<1024x512xf32, #tpu.memory_space<vmem>>, vector<1x512xf32>,
      %add3A_865 = arith.constant 8 : i32
      %add3A_866 = arith.addi %add3A_689, %add3A_865 : i32
      %lt3A_867 = arith.constant 128 : i32
      %lt3A_868 = arith.cmpi slt, %add3A_866, %lt3A_867 : i32
      %convert_element_type3A_869 = arith.extui %lt3A_868 : i1 to i32
      %cond3A_870 = arith.constant 0 : i32
      %cond3A_871 = arith.cmpi ne, %convert_element_type3A_869, %cond3A_870 : i32
      scf.if %cond3A_871 {
        %mul3A_1608 = arith.constant 8 : i32
        %mul3A_1609 = arith.muli %add3A_866, %mul3A_1608 : i32
        %dma_start3A_1610 = arith.constant 3 : i32
        %dma_start3A_1611 = arith.constant 3 : i32
        %dma_start3A_1612 = tpu.memref_slice %arg5[%dma_start3A_1611] : memref<8x!tpu.dma_semaphore, #tpu.memory_space<semaphore_mem>> -> memref<1x!tpu.dma_semaphore, #tpu.memory_space<semaphore_mem>>
        %dma_start3A_1613 = tpu.memref_squeeze %dma_start3A_1612 : memref<1x!tpu.dma_semaphore, #tpu.memory_space<semaphore_mem>> -> memref<!tpu.dma_semaphore, #tpu.memory_space<semaphore_mem>>
        %dma_start3A_1614 = arith.constant 0 : i32
        %dma_start3A_1615 = arith.constant 0 : i32
        %dma_start3A_1616 = arith.constant 0 : i32
        %dma_start3A_1617 = arith.constant 0 : i32
        %dma_start3A_1618 = tpu.memref_slice %arg4[%dma_start3A_1610, %dma_start3A_1614, %dma_start3A_1615, %dma_start3A_1616, %dma_start3A_1617] : memref<8x8x32x16x128xf32, #tpu.memory_space<vmem>> -> memref<1x8x32x16x128xf32, #tpu.memory_space<vmem>>
        %dma_start3A_1619 = tpu.memref_squeeze %dma_start3A_1618 : memref<1x8x32x16x128xf32, #tpu.memory_space<vmem>> -> memref<8x32x16x128xf32, #tpu.memory_space<vmem>>
        %dma_start3A_1620 = arith.constant 0 : i32
        %dma_start3A_1621 = arith.constant 0 : i32
        %dma_start3A_1622 = arith.constant 0 : i32
        %dma_start3A_1623 = tpu.memref_slice %arg0[%mul3A_1609, %dma_start3A_1620, %dma_start3A_1621, %dma_start3A_1622] : memref<1024x32x16x128xf32, #tpu.memory_space<any>> -> memref<8x32x16x128xf32, #tpu.memory_space<any>>
        tpu.enqueue_dma source(%dma_start3A_1623 : memref<8x32x16x128xf32, #tpu.memory_space<any>>) target(%dma_start3A_1619 : memref<8x32x16x128xf32, #tpu.memory_space<vmem>>) target_semaphore(%dma_start3A_1613 : memref<!tpu.dma_semaphore, #tpu.memory_space<semaphore_mem>>)
      } else {
      }
      %add3A_872 = arith.constant 4 : i32
      %add3A_873 = arith.addi %mul3A_141, %add3A_872 : i32
      %dma_wait3A_874 = arith.constant 4 : i32
      %dma_wait3A_875 = arith.constant 4 : i32
      %dma_wait3A_876 = tpu.memref_slice %arg5[%dma_wait3A_875] : memref<8x!tpu.dma_semaphore, #tpu.memory_space<semaphore_mem>> -> memref<1x!tpu.dma_semaphore, #tpu.memory_space<semaphore_mem>>
      %dma_wait3A_877 = tpu.memref_squeeze %dma_wait3A_876 : memref<1x!tpu.dma_semaphore, #tpu.memory_space<semaphore_mem>> -> memref<!tpu.dma_semaphore, #tpu.memory_space<semaphore_mem>>
      %dma_wait3A_878 = arith.constant 0 : i32
      %dma_wait3A_879 = arith.constant 0 : i32
      %dma_wait3A_880 = arith.constant 0 : i32
      %dma_wait3A_881 = arith.constant 0 : i32
      %dma_wait3A_882 = tpu.memref_slice %arg4[%dma_wait3A_874, %dma_wait3A_878, %dma_wait3A_879, %dma_wait3A_880, %dma_wait3A_881] : memref<8x8x32x16x128xf32, #tpu.memory_space<vmem>> -> memref<1x8x32x16x128xf32, #tpu.memory_space<vmem>>
      %dma_wait3A_883 = tpu.memref_squeeze %dma_wait3A_882 : memref<1x8x32x16x128xf32, #tpu.memory_space<vmem>> -> memref<8x32x16x128xf32, #tpu.memory_space<vmem>>
      %dma_wait3A_884 = arith.constant 0 : i32
      %dma_wait3A_885 = arith.constant 0 : i32
      %dma_wait3A_886 = arith.constant 0 : i32
      %dma_wait3A_887 = arith.constant 0 : i32
      %dma_wait3A_888 = tpu.memref_slice %arg0[%dma_wait3A_884, %dma_wait3A_885, %dma_wait3A_886, %dma_wait3A_887] : memref<1024x32x16x128xf32, #tpu.memory_space<any>> -> memref<8x32x16x128xf32, #tpu.memory_space<any>>
      tpu.wait_dma2 semaphore(%dma_wait3A_877 : memref<!tpu.dma_semaphore, #tpu.memory_space<semaphore_mem>>) src(%dma_wait3A_888 : memref<8x32x16x128xf32, #tpu.memory_space<any>>) dst(%dma_wait3A_883 : memref<8x32x16x128xf32, #tpu.memory_space<vmem>>)
      %mul3A_889 = arith.constant 8 : i32
      %mul3A_890 = arith.muli %add3A_873, %mul3A_889 : i32
      %add3A_891 = arith.constant 0 : i32
      %add3A_892 = arith.addi %mul3A_890, %add3A_891 : i32
      %get3A_893 = arith.constant 4 : index
      %get3A_894 = arith.constant 0 : index
      %get3A_895 = arith.constant 0 : index
      %get3A_896 = arith.constant 0 : index
      %get3A_897 = arith.constant 0 : index
      %get3A_898 = vector.load %arg4[%get3A_893, %get3A_894, %get3A_895, %get3A_896, %get3A_897] : memref<8x8x32x16x128xf32, #tpu.memory_space<vmem>>, vector<1x1x32x16x128xf32>
      %get3A_899 = vector.shape_cast %get3A_898 : vector<1x1x32x16x128xf32> to vector<32x16x128xf32>
      %reshape3A_900 = vector.shape_cast %get3A_899 : vector<32x16x128xf32> to vector<512x128xf32>
      %get3A_901 = arith.index_cast %add3A_892 : i32 to index
      %get3A_902 = arith.constant 0 : index
      %get3A_903 = vector.load %arg6[%get3A_901, %get3A_902] : memref<1024x128xf32, #tpu.memory_space<vmem>>, vector<1x128xf32>
      %dot_general3A_904 = arith.constant dense<0.000000e+00> : vector<1x512xf32>
      %dot_general3A_905 = tpu.matmul %get3A_903, %reshape3A_900, %dot_general3A_904 {dimension_numbers = #tpu.dot_dimension_numbers<[1], [1], [0], [0], [0, 0, 1, 0], [], []>, transpose_lhs_hint = false} : vector<1x128xf32>, vector<512x128xf32>, vector<1x512xf32> -> vector<1x512xf32>
      %swap3A_906 = arith.index_cast %add3A_892 : i32 to index
      %swap3A_907 = arith.constant 0 : index
      %swap3A_908 = vector.load %arg3[%swap3A_906, %swap3A_907] : memref<1024x512xf32, #tpu.memory_space<vmem>>, vector<1x512xf32>
      tpu.vector_store %arg3[%swap3A_906, %swap3A_907], %dot_general3A_905 {strides = array<i32>} : memref<1024x512xf32, #tpu.memory_space<vmem>>, vector<1x512xf32>,
      %mul3A_909 = arith.constant 8 : i32
      %mul3A_910 = arith.muli %add3A_873, %mul3A_909 : i32
      %add3A_911 = arith.constant 1 : i32
      %add3A_912 = arith.addi %mul3A_910, %add3A_911 : i32
      %get3A_913 = arith.constant 4 : index
      %get3A_914 = arith.constant 1 : index
      %get3A_915 = arith.constant 0 : index
      %get3A_916 = arith.constant 0 : index
      %get3A_917 = arith.constant 0 : index
      %get3A_918 = vector.load %arg4[%get3A_913, %get3A_914, %get3A_915, %get3A_916, %get3A_917] : memref<8x8x32x16x128xf32, #tpu.memory_space<vmem>>, vector<1x1x32x16x128xf32>
      %get3A_919 = vector.shape_cast %get3A_918 : vector<1x1x32x16x128xf32> to vector<32x16x128xf32>
      %reshape3A_920 = vector.shape_cast %get3A_919 : vector<32x16x128xf32> to vector<512x128xf32>
      %get3A_921 = arith.index_cast %add3A_912 : i32 to index
      %get3A_922 = arith.constant 0 : index
      %get3A_923 = vector.load %arg6[%get3A_921, %get3A_922] : memref<1024x128xf32, #tpu.memory_space<vmem>>, vector<1x128xf32>
      %dot_general3A_924 = arith.constant dense<0.000000e+00> : vector<1x512xf32>
      %dot_general3A_925 = tpu.matmul %get3A_923, %reshape3A_920, %dot_general3A_924 {dimension_numbers = #tpu.dot_dimension_numbers<[1], [1], [0], [0], [0, 0, 1, 0], [], []>, transpose_lhs_hint = false} : vector<1x128xf32>, vector<512x128xf32>, vector<1x512xf32> -> vector<1x512xf32>
      %swap3A_926 = arith.index_cast %add3A_912 : i32 to index
      %swap3A_927 = arith.constant 0 : index
      %swap3A_928 = vector.load %arg3[%swap3A_926, %swap3A_927] : memref<1024x512xf32, #tpu.memory_space<vmem>>, vector<1x512xf32>
      tpu.vector_store %arg3[%swap3A_926, %swap3A_927], %dot_general3A_925 {strides = array<i32>} : memref<1024x512xf32, #tpu.memory_space<vmem>>, vector<1x512xf32>,
      %mul3A_929 = arith.constant 8 : i32
      %mul3A_930 = arith.muli %add3A_873, %mul3A_929 : i32
      %add3A_931 = arith.constant 2 : i32
      %add3A_932 = arith.addi %mul3A_930, %add3A_931 : i32
      %get3A_933 = arith.constant 4 : index
      %get3A_934 = arith.constant 2 : index
      %get3A_935 = arith.constant 0 : index
      %get3A_936 = arith.constant 0 : index
      %get3A_937 = arith.constant 0 : index
      %get3A_938 = vector.load %arg4[%get3A_933, %get3A_934, %get3A_935, %get3A_936, %get3A_937] : memref<8x8x32x16x128xf32, #tpu.memory_space<vmem>>, vector<1x1x32x16x128xf32>
      %get3A_939 = vector.shape_cast %get3A_938 : vector<1x1x32x16x128xf32> to vector<32x16x128xf32>
      %reshape3A_940 = vector.shape_cast %get3A_939 : vector<32x16x128xf32> to vector<512x128xf32>
      %get3A_941 = arith.index_cast %add3A_932 : i32 to index
      %get3A_942 = arith.constant 0 : index
      %get3A_943 = vector.load %arg6[%get3A_941, %get3A_942] : memref<1024x128xf32, #tpu.memory_space<vmem>>, vector<1x128xf32>
      %dot_general3A_944 = arith.constant dense<0.000000e+00> : vector<1x512xf32>
      %dot_general3A_945 = tpu.matmul %get3A_943, %reshape3A_940, %dot_general3A_944 {dimension_numbers = #tpu.dot_dimension_numbers<[1], [1], [0], [0], [0, 0, 1, 0], [], []>, transpose_lhs_hint = false} : vector<1x128xf32>, vector<512x128xf32>, vector<1x512xf32> -> vector<1x512xf32>
      %swap3A_946 = arith.index_cast %add3A_932 : i32 to index
      %swap3A_947 = arith.constant 0 : index
      %swap3A_948 = vector.load %arg3[%swap3A_946, %swap3A_947] : memref<1024x512xf32, #tpu.memory_space<vmem>>, vector<1x512xf32>
      tpu.vector_store %arg3[%swap3A_946, %swap3A_947], %dot_general3A_945 {strides = array<i32>} : memref<1024x512xf32, #tpu.memory_space<vmem>>, vector<1x512xf32>,
      %mul3A_949 = arith.constant 8 : i32
      %mul3A_950 = arith.muli %add3A_873, %mul3A_949 : i32
      %add3A_951 = arith.constant 3 : i32
      %add3A_952 = arith.addi %mul3A_950, %add3A_951 : i32
      %get3A_953 = arith.constant 4 : index
      %get3A_954 = arith.constant 3 : index
      %get3A_955 = arith.constant 0 : index
      %get3A_956 = arith.constant 0 : index
      %get3A_957 = arith.constant 0 : index
      %get3A_958 = vector.load %arg4[%get3A_953, %get3A_954, %get3A_955, %get3A_956, %get3A_957] : memref<8x8x32x16x128xf32, #tpu.memory_space<vmem>>, vector<1x1x32x16x128xf32>
      %get3A_959 = vector.shape_cast %get3A_958 : vector<1x1x32x16x128xf32> to vector<32x16x128xf32>
      %reshape3A_960 = vector.shape_cast %get3A_959 : vector<32x16x128xf32> to vector<512x128xf32>
      %get3A_961 = arith.index_cast %add3A_952 : i32 to index
      %get3A_962 = arith.constant 0 : index
      %get3A_963 = vector.load %arg6[%get3A_961, %get3A_962] : memref<1024x128xf32, #tpu.memory_space<vmem>>, vector<1x128xf32>
      %dot_general3A_964 = arith.constant dense<0.000000e+00> : vector<1x512xf32>
      %dot_general3A_965 = tpu.matmul %get3A_963, %reshape3A_960, %dot_general3A_964 {dimension_numbers = #tpu.dot_dimension_numbers<[1], [1], [0], [0], [0, 0, 1, 0], [], []>, transpose_lhs_hint = false} : vector<1x128xf32>, vector<512x128xf32>, vector<1x512xf32> -> vector<1x512xf32>
      %swap3A_966 = arith.index_cast %add3A_952 : i32 to index
      %swap3A_967 = arith.constant 0 : index
      %swap3A_968 = vector.load %arg3[%swap3A_966, %swap3A_967] : memref<1024x512xf32, #tpu.memory_space<vmem>>, vector<1x512xf32>
      tpu.vector_store %arg3[%swap3A_966, %swap3A_967], %dot_general3A_965 {strides = array<i32>} : memref<1024x512xf32, #tpu.memory_space<vmem>>, vector<1x512xf32>,
      %mul3A_969 = arith.constant 8 : i32
      %mul3A_970 = arith.muli %add3A_873, %mul3A_969 : i32
      %add3A_971 = arith.constant 4 : i32
      %add3A_972 = arith.addi %mul3A_970, %add3A_971 : i32
      %get3A_973 = arith.constant 4 : index
      %get3A_974 = arith.constant 4 : index
      %get3A_975 = arith.constant 0 : index
      %get3A_976 = arith.constant 0 : index
      %get3A_977 = arith.constant 0 : index
      %get3A_978 = vector.load %arg4[%get3A_973, %get3A_974, %get3A_975, %get3A_976, %get3A_977] : memref<8x8x32x16x128xf32, #tpu.memory_space<vmem>>, vector<1x1x32x16x128xf32>
      %get3A_979 = vector.shape_cast %get3A_978 : vector<1x1x32x16x128xf32> to vector<32x16x128xf32>
      %reshape3A_980 = vector.shape_cast %get3A_979 : vector<32x16x128xf32> to vector<512x128xf32>
      %get3A_981 = arith.index_cast %add3A_972 : i32 to index
      %get3A_982 = arith.constant 0 : index
      %get3A_983 = vector.load %arg6[%get3A_981, %get3A_982] : memref<1024x128xf32, #tpu.memory_space<vmem>>, vector<1x128xf32>
      %dot_general3A_984 = arith.constant dense<0.000000e+00> : vector<1x512xf32>
      %dot_general3A_985 = tpu.matmul %get3A_983, %reshape3A_980, %dot_general3A_984 {dimension_numbers = #tpu.dot_dimension_numbers<[1], [1], [0], [0], [0, 0, 1, 0], [], []>, transpose_lhs_hint = false} : vector<1x128xf32>, vector<512x128xf32>, vector<1x512xf32> -> vector<1x512xf32>
      %swap3A_986 = arith.index_cast %add3A_972 : i32 to index
      %swap3A_987 = arith.constant 0 : index
      %swap3A_988 = vector.load %arg3[%swap3A_986, %swap3A_987] : memref<1024x512xf32, #tpu.memory_space<vmem>>, vector<1x512xf32>
      tpu.vector_store %arg3[%swap3A_986, %swap3A_987], %dot_general3A_985 {strides = array<i32>} : memref<1024x512xf32, #tpu.memory_space<vmem>>, vector<1x512xf32>,
      %mul3A_989 = arith.constant 8 : i32
      %mul3A_990 = arith.muli %add3A_873, %mul3A_989 : i32
      %add3A_991 = arith.constant 5 : i32
      %add3A_992 = arith.addi %mul3A_990, %add3A_991 : i32
      %get3A_993 = arith.constant 4 : index
      %get3A_994 = arith.constant 5 : index
      %get3A_995 = arith.constant 0 : index
      %get3A_996 = arith.constant 0 : index
      %get3A_997 = arith.constant 0 : index
      %get3A_998 = vector.load %arg4[%get3A_993, %get3A_994, %get3A_995, %get3A_996, %get3A_997] : memref<8x8x32x16x128xf32, #tpu.memory_space<vmem>>, vector<1x1x32x16x128xf32>
      %get3A_999 = vector.shape_cast %get3A_998 : vector<1x1x32x16x128xf32> to vector<32x16x128xf32>
      %reshape3A_1000 = vector.shape_cast %get3A_999 : vector<32x16x128xf32> to vector<512x128xf32>
      %get3A_1001 = arith.index_cast %add3A_992 : i32 to index
      %get3A_1002 = arith.constant 0 : index
      %get3A_1003 = vector.load %arg6[%get3A_1001, %get3A_1002] : memref<1024x128xf32, #tpu.memory_space<vmem>>, vector<1x128xf32>
      %dot_general3A_1004 = arith.constant dense<0.000000e+00> : vector<1x512xf32>
      %dot_general3A_1005 = tpu.matmul %get3A_1003, %reshape3A_1000, %dot_general3A_1004 {dimension_numbers = #tpu.dot_dimension_numbers<[1], [1], [0], [0], [0, 0, 1, 0], [], []>, transpose_lhs_hint = false} : vector<1x128xf32>, vector<512x128xf32>, vector<1x512xf32> -> vector<1x512xf32>
      %swap3A_1006 = arith.index_cast %add3A_992 : i32 to index
      %swap3A_1007 = arith.constant 0 : index
      %swap3A_1008 = vector.load %arg3[%swap3A_1006, %swap3A_1007] : memref<1024x512xf32, #tpu.memory_space<vmem>>, vector<1x512xf32>
      tpu.vector_store %arg3[%swap3A_1006, %swap3A_1007], %dot_general3A_1005 {strides = array<i32>} : memref<1024x512xf32, #tpu.memory_space<vmem>>, vector<1x512xf32>,
      %mul3A_1009 = arith.constant 8 : i32
      %mul3A_1010 = arith.muli %add3A_873, %mul3A_1009 : i32
      %add3A_1011 = arith.constant 6 : i32
      %add3A_1012 = arith.addi %mul3A_1010, %add3A_1011 : i32
      %get3A_1013 = arith.constant 4 : index
      %get3A_1014 = arith.constant 6 : index
      %get3A_1015 = arith.constant 0 : index
      %get3A_1016 = arith.constant 0 : index
      %get3A_1017 = arith.constant 0 : index
      %get3A_1018 = vector.load %arg4[%get3A_1013, %get3A_1014, %get3A_1015, %get3A_1016, %get3A_1017] : memref<8x8x32x16x128xf32, #tpu.memory_space<vmem>>, vector<1x1x32x16x128xf32>
      %get3A_1019 = vector.shape_cast %get3A_1018 : vector<1x1x32x16x128xf32> to vector<32x16x128xf32>
      %reshape3A_1020 = vector.shape_cast %get3A_1019 : vector<32x16x128xf32> to vector<512x128xf32>
      %get3A_1021 = arith.index_cast %add3A_1012 : i32 to index
      %get3A_1022 = arith.constant 0 : index
      %get3A_1023 = vector.load %arg6[%get3A_1021, %get3A_1022] : memref<1024x128xf32, #tpu.memory_space<vmem>>, vector<1x128xf32>
      %dot_general3A_1024 = arith.constant dense<0.000000e+00> : vector<1x512xf32>
      %dot_general3A_1025 = tpu.matmul %get3A_1023, %reshape3A_1020, %dot_general3A_1024 {dimension_numbers = #tpu.dot_dimension_numbers<[1], [1], [0], [0], [0, 0, 1, 0], [], []>, transpose_lhs_hint = false} : vector<1x128xf32>, vector<512x128xf32>, vector<1x512xf32> -> vector<1x512xf32>
      %swap3A_1026 = arith.index_cast %add3A_1012 : i32 to index
      %swap3A_1027 = arith.constant 0 : index
      %swap3A_1028 = vector.load %arg3[%swap3A_1026, %swap3A_1027] : memref<1024x512xf32, #tpu.memory_space<vmem>>, vector<1x512xf32>
      tpu.vector_store %arg3[%swap3A_1026, %swap3A_1027], %dot_general3A_1025 {strides = array<i32>} : memref<1024x512xf32, #tpu.memory_space<vmem>>, vector<1x512xf32>,
      %mul3A_1029 = arith.constant 8 : i32
      %mul3A_1030 = arith.muli %add3A_873, %mul3A_1029 : i32
      %add3A_1031 = arith.constant 7 : i32
      %add3A_1032 = arith.addi %mul3A_1030, %add3A_1031 : i32
      %get3A_1033 = arith.constant 4 : index
      %get3A_1034 = arith.constant 7 : index
      %get3A_1035 = arith.constant 0 : index
      %get3A_1036 = arith.constant 0 : index
      %get3A_1037 = arith.constant 0 : index
      %get3A_1038 = vector.load %arg4[%get3A_1033, %get3A_1034, %get3A_1035, %get3A_1036, %get3A_1037] : memref<8x8x32x16x128xf32, #tpu.memory_space<vmem>>, vector<1x1x32x16x128xf32>
      %get3A_1039 = vector.shape_cast %get3A_1038 : vector<1x1x32x16x128xf32> to vector<32x16x128xf32>
      %reshape3A_1040 = vector.shape_cast %get3A_1039 : vector<32x16x128xf32> to vector<512x128xf32>
      %get3A_1041 = arith.index_cast %add3A_1032 : i32 to index
      %get3A_1042 = arith.constant 0 : index
      %get3A_1043 = vector.load %arg6[%get3A_1041, %get3A_1042] : memref<1024x128xf32, #tpu.memory_space<vmem>>, vector<1x128xf32>
      %dot_general3A_1044 = arith.constant dense<0.000000e+00> : vector<1x512xf32>
      %dot_general3A_1045 = tpu.matmul %get3A_1043, %reshape3A_1040, %dot_general3A_1044 {dimension_numbers = #tpu.dot_dimension_numbers<[1], [1], [0], [0], [0, 0, 1, 0], [], []>, transpose_lhs_hint = false} : vector<1x128xf32>, vector<512x128xf32>, vector<1x512xf32> -> vector<1x512xf32>
      %swap3A_1046 = arith.index_cast %add3A_1032 : i32 to index
      %swap3A_1047 = arith.constant 0 : index
      %swap3A_1048 = vector.load %arg3[%swap3A_1046, %swap3A_1047] : memref<1024x512xf32, #tpu.memory_space<vmem>>, vector<1x512xf32>
      tpu.vector_store %arg3[%swap3A_1046, %swap3A_1047], %dot_general3A_1045 {strides = array<i32>} : memref<1024x512xf32, #tpu.memory_space<vmem>>, vector<1x512xf32>,
      %add3A_1049 = arith.constant 8 : i32
      %add3A_1050 = arith.addi %add3A_873, %add3A_1049 : i32
      %lt3A_1051 = arith.constant 128 : i32
      %lt3A_1052 = arith.cmpi slt, %add3A_1050, %lt3A_1051 : i32
      %convert_element_type3A_1053 = arith.extui %lt3A_1052 : i1 to i32
      %cond3A_1054 = arith.constant 0 : i32
      %cond3A_1055 = arith.cmpi ne, %convert_element_type3A_1053, %cond3A_1054 : i32
      scf.if %cond3A_1055 {
        %mul3A_1608 = arith.constant 8 : i32
        %mul3A_1609 = arith.muli %add3A_1050, %mul3A_1608 : i32
        %dma_start3A_1610 = arith.constant 4 : i32
        %dma_start3A_1611 = arith.constant 4 : i32
        %dma_start3A_1612 = tpu.memref_slice %arg5[%dma_start3A_1611] : memref<8x!tpu.dma_semaphore, #tpu.memory_space<semaphore_mem>> -> memref<1x!tpu.dma_semaphore, #tpu.memory_space<semaphore_mem>>
        %dma_start3A_1613 = tpu.memref_squeeze %dma_start3A_1612 : memref<1x!tpu.dma_semaphore, #tpu.memory_space<semaphore_mem>> -> memref<!tpu.dma_semaphore, #tpu.memory_space<semaphore_mem>>
        %dma_start3A_1614 = arith.constant 0 : i32
        %dma_start3A_1615 = arith.constant 0 : i32
        %dma_start3A_1616 = arith.constant 0 : i32
        %dma_start3A_1617 = arith.constant 0 : i32
        %dma_start3A_1618 = tpu.memref_slice %arg4[%dma_start3A_1610, %dma_start3A_1614, %dma_start3A_1615, %dma_start3A_1616, %dma_start3A_1617] : memref<8x8x32x16x128xf32, #tpu.memory_space<vmem>> -> memref<1x8x32x16x128xf32, #tpu.memory_space<vmem>>
        %dma_start3A_1619 = tpu.memref_squeeze %dma_start3A_1618 : memref<1x8x32x16x128xf32, #tpu.memory_space<vmem>> -> memref<8x32x16x128xf32, #tpu.memory_space<vmem>>
        %dma_start3A_1620 = arith.constant 0 : i32
        %dma_start3A_1621 = arith.constant 0 : i32
        %dma_start3A_1622 = arith.constant 0 : i32
        %dma_start3A_1623 = tpu.memref_slice %arg0[%mul3A_1609, %dma_start3A_1620, %dma_start3A_1621, %dma_start3A_1622] : memref<1024x32x16x128xf32, #tpu.memory_space<any>> -> memref<8x32x16x128xf32, #tpu.memory_space<any>>
        tpu.enqueue_dma source(%dma_start3A_1623 : memref<8x32x16x128xf32, #tpu.memory_space<any>>) target(%dma_start3A_1619 : memref<8x32x16x128xf32, #tpu.memory_space<vmem>>) target_semaphore(%dma_start3A_1613 : memref<!tpu.dma_semaphore, #tpu.memory_space<semaphore_mem>>)
      } else {
      }
      %add3A_1056 = arith.constant 5 : i32
      %add3A_1057 = arith.addi %mul3A_141, %add3A_1056 : i32
      %dma_wait3A_1058 = arith.constant 5 : i32
      %dma_wait3A_1059 = arith.constant 5 : i32
      %dma_wait3A_1060 = tpu.memref_slice %arg5[%dma_wait3A_1059] : memref<8x!tpu.dma_semaphore, #tpu.memory_space<semaphore_mem>> -> memref<1x!tpu.dma_semaphore, #tpu.memory_space<semaphore_mem>>
      %dma_wait3A_1061 = tpu.memref_squeeze %dma_wait3A_1060 : memref<1x!tpu.dma_semaphore, #tpu.memory_space<semaphore_mem>> -> memref<!tpu.dma_semaphore, #tpu.memory_space<semaphore_mem>>
      %dma_wait3A_1062 = arith.constant 0 : i32
      %dma_wait3A_1063 = arith.constant 0 : i32
      %dma_wait3A_1064 = arith.constant 0 : i32
      %dma_wait3A_1065 = arith.constant 0 : i32
      %dma_wait3A_1066 = tpu.memref_slice %arg4[%dma_wait3A_1058, %dma_wait3A_1062, %dma_wait3A_1063, %dma_wait3A_1064, %dma_wait3A_1065] : memref<8x8x32x16x128xf32, #tpu.memory_space<vmem>> -> memref<1x8x32x16x128xf32, #tpu.memory_space<vmem>>
      %dma_wait3A_1067 = tpu.memref_squeeze %dma_wait3A_1066 : memref<1x8x32x16x128xf32, #tpu.memory_space<vmem>> -> memref<8x32x16x128xf32, #tpu.memory_space<vmem>>
      %dma_wait3A_1068 = arith.constant 0 : i32
      %dma_wait3A_1069 = arith.constant 0 : i32
      %dma_wait3A_1070 = arith.constant 0 : i32
      %dma_wait3A_1071 = arith.constant 0 : i32
      %dma_wait3A_1072 = tpu.memref_slice %arg0[%dma_wait3A_1068, %dma_wait3A_1069, %dma_wait3A_1070, %dma_wait3A_1071] : memref<1024x32x16x128xf32, #tpu.memory_space<any>> -> memref<8x32x16x128xf32, #tpu.memory_space<any>>
      tpu.wait_dma2 semaphore(%dma_wait3A_1061 : memref<!tpu.dma_semaphore, #tpu.memory_space<semaphore_mem>>) src(%dma_wait3A_1072 : memref<8x32x16x128xf32, #tpu.memory_space<any>>) dst(%dma_wait3A_1067 : memref<8x32x16x128xf32, #tpu.memory_space<vmem>>)
      %mul3A_1073 = arith.constant 8 : i32
      %mul3A_1074 = arith.muli %add3A_1057, %mul3A_1073 : i32
      %add3A_1075 = arith.constant 0 : i32
      %add3A_1076 = arith.addi %mul3A_1074, %add3A_1075 : i32
      %get3A_1077 = arith.constant 5 : index
      %get3A_1078 = arith.constant 0 : index
      %get3A_1079 = arith.constant 0 : index
      %get3A_1080 = arith.constant 0 : index
      %get3A_1081 = arith.constant 0 : index
      %get3A_1082 = vector.load %arg4[%get3A_1077, %get3A_1078, %get3A_1079, %get3A_1080, %get3A_1081] : memref<8x8x32x16x128xf32, #tpu.memory_space<vmem>>, vector<1x1x32x16x128xf32>
      %get3A_1083 = vector.shape_cast %get3A_1082 : vector<1x1x32x16x128xf32> to vector<32x16x128xf32>
      %reshape3A_1084 = vector.shape_cast %get3A_1083 : vector<32x16x128xf32> to vector<512x128xf32>
      %get3A_1085 = arith.index_cast %add3A_1076 : i32 to index
      %get3A_1086 = arith.constant 0 : index
      %get3A_1087 = vector.load %arg6[%get3A_1085, %get3A_1086] : memref<1024x128xf32, #tpu.memory_space<vmem>>, vector<1x128xf32>
      %dot_general3A_1088 = arith.constant dense<0.000000e+00> : vector<1x512xf32>
      %dot_general3A_1089 = tpu.matmul %get3A_1087, %reshape3A_1084, %dot_general3A_1088 {dimension_numbers = #tpu.dot_dimension_numbers<[1], [1], [0], [0], [0, 0, 1, 0], [], []>, transpose_lhs_hint = false} : vector<1x128xf32>, vector<512x128xf32>, vector<1x512xf32> -> vector<1x512xf32>
      %swap3A_1090 = arith.index_cast %add3A_1076 : i32 to index
      %swap3A_1091 = arith.constant 0 : index
      %swap3A_1092 = vector.load %arg3[%swap3A_1090, %swap3A_1091] : memref<1024x512xf32, #tpu.memory_space<vmem>>, vector<1x512xf32>
      tpu.vector_store %arg3[%swap3A_1090, %swap3A_1091], %dot_general3A_1089 {strides = array<i32>} : memref<1024x512xf32, #tpu.memory_space<vmem>>, vector<1x512xf32>,
      %mul3A_1093 = arith.constant 8 : i32
      %mul3A_1094 = arith.muli %add3A_1057, %mul3A_1093 : i32
      %add3A_1095 = arith.constant 1 : i32
      %add3A_1096 = arith.addi %mul3A_1094, %add3A_1095 : i32
      %get3A_1097 = arith.constant 5 : index
      %get3A_1098 = arith.constant 1 : index
      %get3A_1099 = arith.constant 0 : index
      %get3A_1100 = arith.constant 0 : index
      %get3A_1101 = arith.constant 0 : index
      %get3A_1102 = vector.load %arg4[%get3A_1097, %get3A_1098, %get3A_1099, %get3A_1100, %get3A_1101] : memref<8x8x32x16x128xf32, #tpu.memory_space<vmem>>, vector<1x1x32x16x128xf32>
      %get3A_1103 = vector.shape_cast %get3A_1102 : vector<1x1x32x16x128xf32> to vector<32x16x128xf32>
      %reshape3A_1104 = vector.shape_cast %get3A_1103 : vector<32x16x128xf32> to vector<512x128xf32>
      %get3A_1105 = arith.index_cast %add3A_1096 : i32 to index
      %get3A_1106 = arith.constant 0 : index
      %get3A_1107 = vector.load %arg6[%get3A_1105, %get3A_1106] : memref<1024x128xf32, #tpu.memory_space<vmem>>, vector<1x128xf32>
      %dot_general3A_1108 = arith.constant dense<0.000000e+00> : vector<1x512xf32>
      %dot_general3A_1109 = tpu.matmul %get3A_1107, %reshape3A_1104, %dot_general3A_1108 {dimension_numbers = #tpu.dot_dimension_numbers<[1], [1], [0], [0], [0, 0, 1, 0], [], []>, transpose_lhs_hint = false} : vector<1x128xf32>, vector<512x128xf32>, vector<1x512xf32> -> vector<1x512xf32>
      %swap3A_1110 = arith.index_cast %add3A_1096 : i32 to index
      %swap3A_1111 = arith.constant 0 : index
      %swap3A_1112 = vector.load %arg3[%swap3A_1110, %swap3A_1111] : memref<1024x512xf32, #tpu.memory_space<vmem>>, vector<1x512xf32>
      tpu.vector_store %arg3[%swap3A_1110, %swap3A_1111], %dot_general3A_1109 {strides = array<i32>} : memref<1024x512xf32, #tpu.memory_space<vmem>>, vector<1x512xf32>,
      %mul3A_1113 = arith.constant 8 : i32
      %mul3A_1114 = arith.muli %add3A_1057, %mul3A_1113 : i32
      %add3A_1115 = arith.constant 2 : i32
      %add3A_1116 = arith.addi %mul3A_1114, %add3A_1115 : i32
      %get3A_1117 = arith.constant 5 : index
      %get3A_1118 = arith.constant 2 : index
      %get3A_1119 = arith.constant 0 : index
      %get3A_1120 = arith.constant 0 : index
      %get3A_1121 = arith.constant 0 : index
      %get3A_1122 = vector.load %arg4[%get3A_1117, %get3A_1118, %get3A_1119, %get3A_1120, %get3A_1121] : memref<8x8x32x16x128xf32, #tpu.memory_space<vmem>>, vector<1x1x32x16x128xf32>
      %get3A_1123 = vector.shape_cast %get3A_1122 : vector<1x1x32x16x128xf32> to vector<32x16x128xf32>
      %reshape3A_1124 = vector.shape_cast %get3A_1123 : vector<32x16x128xf32> to vector<512x128xf32>
      %get3A_1125 = arith.index_cast %add3A_1116 : i32 to index
      %get3A_1126 = arith.constant 0 : index
      %get3A_1127 = vector.load %arg6[%get3A_1125, %get3A_1126] : memref<1024x128xf32, #tpu.memory_space<vmem>>, vector<1x128xf32>
      %dot_general3A_1128 = arith.constant dense<0.000000e+00> : vector<1x512xf32>
      %dot_general3A_1129 = tpu.matmul %get3A_1127, %reshape3A_1124, %dot_general3A_1128 {dimension_numbers = #tpu.dot_dimension_numbers<[1], [1], [0], [0], [0, 0, 1, 0], [], []>, transpose_lhs_hint = false} : vector<1x128xf32>, vector<512x128xf32>, vector<1x512xf32> -> vector<1x512xf32>
      %swap3A_1130 = arith.index_cast %add3A_1116 : i32 to index
      %swap3A_1131 = arith.constant 0 : index
      %swap3A_1132 = vector.load %arg3[%swap3A_1130, %swap3A_1131] : memref<1024x512xf32, #tpu.memory_space<vmem>>, vector<1x512xf32>
      tpu.vector_store %arg3[%swap3A_1130, %swap3A_1131], %dot_general3A_1129 {strides = array<i32>} : memref<1024x512xf32, #tpu.memory_space<vmem>>, vector<1x512xf32>,
      %mul3A_1133 = arith.constant 8 : i32
      %mul3A_1134 = arith.muli %add3A_1057, %mul3A_1133 : i32
      %add3A_1135 = arith.constant 3 : i32
      %add3A_1136 = arith.addi %mul3A_1134, %add3A_1135 : i32
      %get3A_1137 = arith.constant 5 : index
      %get3A_1138 = arith.constant 3 : index
      %get3A_1139 = arith.constant 0 : index
      %get3A_1140 = arith.constant 0 : index
      %get3A_1141 = arith.constant 0 : index
      %get3A_1142 = vector.load %arg4[%get3A_1137, %get3A_1138, %get3A_1139, %get3A_1140, %get3A_1141] : memref<8x8x32x16x128xf32, #tpu.memory_space<vmem>>, vector<1x1x32x16x128xf32>
      %get3A_1143 = vector.shape_cast %get3A_1142 : vector<1x1x32x16x128xf32> to vector<32x16x128xf32>
      %reshape3A_1144 = vector.shape_cast %get3A_1143 : vector<32x16x128xf32> to vector<512x128xf32>
      %get3A_1145 = arith.index_cast %add3A_1136 : i32 to index
      %get3A_1146 = arith.constant 0 : index
      %get3A_1147 = vector.load %arg6[%get3A_1145, %get3A_1146] : memref<1024x128xf32, #tpu.memory_space<vmem>>, vector<1x128xf32>
      %dot_general3A_1148 = arith.constant dense<0.000000e+00> : vector<1x512xf32>
      %dot_general3A_1149 = tpu.matmul %get3A_1147, %reshape3A_1144, %dot_general3A_1148 {dimension_numbers = #tpu.dot_dimension_numbers<[1], [1], [0], [0], [0, 0, 1, 0], [], []>, transpose_lhs_hint = false} : vector<1x128xf32>, vector<512x128xf32>, vector<1x512xf32> -> vector<1x512xf32>
      %swap3A_1150 = arith.index_cast %add3A_1136 : i32 to index
      %swap3A_1151 = arith.constant 0 : index
      %swap3A_1152 = vector.load %arg3[%swap3A_1150, %swap3A_1151] : memref<1024x512xf32, #tpu.memory_space<vmem>>, vector<1x512xf32>
      tpu.vector_store %arg3[%swap3A_1150, %swap3A_1151], %dot_general3A_1149 {strides = array<i32>} : memref<1024x512xf32, #tpu.memory_space<vmem>>, vector<1x512xf32>,
      %mul3A_1153 = arith.constant 8 : i32
      %mul3A_1154 = arith.muli %add3A_1057, %mul3A_1153 : i32
      %add3A_1155 = arith.constant 4 : i32
      %add3A_1156 = arith.addi %mul3A_1154, %add3A_1155 : i32
      %get3A_1157 = arith.constant 5 : index
      %get3A_1158 = arith.constant 4 : index
      %get3A_1159 = arith.constant 0 : index
      %get3A_1160 = arith.constant 0 : index
      %get3A_1161 = arith.constant 0 : index
      %get3A_1162 = vector.load %arg4[%get3A_1157, %get3A_1158, %get3A_1159, %get3A_1160, %get3A_1161] : memref<8x8x32x16x128xf32, #tpu.memory_space<vmem>>, vector<1x1x32x16x128xf32>
      %get3A_1163 = vector.shape_cast %get3A_1162 : vector<1x1x32x16x128xf32> to vector<32x16x128xf32>
      %reshape3A_1164 = vector.shape_cast %get3A_1163 : vector<32x16x128xf32> to vector<512x128xf32>
      %get3A_1165 = arith.index_cast %add3A_1156 : i32 to index
      %get3A_1166 = arith.constant 0 : index
      %get3A_1167 = vector.load %arg6[%get3A_1165, %get3A_1166] : memref<1024x128xf32, #tpu.memory_space<vmem>>, vector<1x128xf32>
      %dot_general3A_1168 = arith.constant dense<0.000000e+00> : vector<1x512xf32>
      %dot_general3A_1169 = tpu.matmul %get3A_1167, %reshape3A_1164, %dot_general3A_1168 {dimension_numbers = #tpu.dot_dimension_numbers<[1], [1], [0], [0], [0, 0, 1, 0], [], []>, transpose_lhs_hint = false} : vector<1x128xf32>, vector<512x128xf32>, vector<1x512xf32> -> vector<1x512xf32>
      %swap3A_1170 = arith.index_cast %add3A_1156 : i32 to index
      %swap3A_1171 = arith.constant 0 : index
      %swap3A_1172 = vector.load %arg3[%swap3A_1170, %swap3A_1171] : memref<1024x512xf32, #tpu.memory_space<vmem>>, vector<1x512xf32>
      tpu.vector_store %arg3[%swap3A_1170, %swap3A_1171], %dot_general3A_1169 {strides = array<i32>} : memref<1024x512xf32, #tpu.memory_space<vmem>>, vector<1x512xf32>,
      %mul3A_1173 = arith.constant 8 : i32
      %mul3A_1174 = arith.muli %add3A_1057, %mul3A_1173 : i32
      %add3A_1175 = arith.constant 5 : i32
      %add3A_1176 = arith.addi %mul3A_1174, %add3A_1175 : i32
      %get3A_1177 = arith.constant 5 : index
      %get3A_1178 = arith.constant 5 : index
      %get3A_1179 = arith.constant 0 : index
      %get3A_1180 = arith.constant 0 : index
      %get3A_1181 = arith.constant 0 : index
      %get3A_1182 = vector.load %arg4[%get3A_1177, %get3A_1178, %get3A_1179, %get3A_1180, %get3A_1181] : memref<8x8x32x16x128xf32, #tpu.memory_space<vmem>>, vector<1x1x32x16x128xf32>
      %get3A_1183 = vector.shape_cast %get3A_1182 : vector<1x1x32x16x128xf32> to vector<32x16x128xf32>
      %reshape3A_1184 = vector.shape_cast %get3A_1183 : vector<32x16x128xf32> to vector<512x128xf32>
      %get3A_1185 = arith.index_cast %add3A_1176 : i32 to index
      %get3A_1186 = arith.constant 0 : index
      %get3A_1187 = vector.load %arg6[%get3A_1185, %get3A_1186] : memref<1024x128xf32, #tpu.memory_space<vmem>>, vector<1x128xf32>
      %dot_general3A_1188 = arith.constant dense<0.000000e+00> : vector<1x512xf32>
      %dot_general3A_1189 = tpu.matmul %get3A_1187, %reshape3A_1184, %dot_general3A_1188 {dimension_numbers = #tpu.dot_dimension_numbers<[1], [1], [0], [0], [0, 0, 1, 0], [], []>, transpose_lhs_hint = false} : vector<1x128xf32>, vector<512x128xf32>, vector<1x512xf32> -> vector<1x512xf32>
      %swap3A_1190 = arith.index_cast %add3A_1176 : i32 to index
      %swap3A_1191 = arith.constant 0 : index
      %swap3A_1192 = vector.load %arg3[%swap3A_1190, %swap3A_1191] : memref<1024x512xf32, #tpu.memory_space<vmem>>, vector<1x512xf32>
      tpu.vector_store %arg3[%swap3A_1190, %swap3A_1191], %dot_general3A_1189 {strides = array<i32>} : memref<1024x512xf32, #tpu.memory_space<vmem>>, vector<1x512xf32>,
      %mul3A_1193 = arith.constant 8 : i32
      %mul3A_1194 = arith.muli %add3A_1057, %mul3A_1193 : i32
      %add3A_1195 = arith.constant 6 : i32
      %add3A_1196 = arith.addi %mul3A_1194, %add3A_1195 : i32
      %get3A_1197 = arith.constant 5 : index
      %get3A_1198 = arith.constant 6 : index
      %get3A_1199 = arith.constant 0 : index
      %get3A_1200 = arith.constant 0 : index
      %get3A_1201 = arith.constant 0 : index
      %get3A_1202 = vector.load %arg4[%get3A_1197, %get3A_1198, %get3A_1199, %get3A_1200, %get3A_1201] : memref<8x8x32x16x128xf32, #tpu.memory_space<vmem>>, vector<1x1x32x16x128xf32>
      %get3A_1203 = vector.shape_cast %get3A_1202 : vector<1x1x32x16x128xf32> to vector<32x16x128xf32>
      %reshape3A_1204 = vector.shape_cast %get3A_1203 : vector<32x16x128xf32> to vector<512x128xf32>
      %get3A_1205 = arith.index_cast %add3A_1196 : i32 to index
      %get3A_1206 = arith.constant 0 : index
      %get3A_1207 = vector.load %arg6[%get3A_1205, %get3A_1206] : memref<1024x128xf32, #tpu.memory_space<vmem>>, vector<1x128xf32>
      %dot_general3A_1208 = arith.constant dense<0.000000e+00> : vector<1x512xf32>
      %dot_general3A_1209 = tpu.matmul %get3A_1207, %reshape3A_1204, %dot_general3A_1208 {dimension_numbers = #tpu.dot_dimension_numbers<[1], [1], [0], [0], [0, 0, 1, 0], [], []>, transpose_lhs_hint = false} : vector<1x128xf32>, vector<512x128xf32>, vector<1x512xf32> -> vector<1x512xf32>
      %swap3A_1210 = arith.index_cast %add3A_1196 : i32 to index
      %swap3A_1211 = arith.constant 0 : index
      %swap3A_1212 = vector.load %arg3[%swap3A_1210, %swap3A_1211] : memref<1024x512xf32, #tpu.memory_space<vmem>>, vector<1x512xf32>
      tpu.vector_store %arg3[%swap3A_1210, %swap3A_1211], %dot_general3A_1209 {strides = array<i32>} : memref<1024x512xf32, #tpu.memory_space<vmem>>, vector<1x512xf32>,
      %mul3A_1213 = arith.constant 8 : i32
      %mul3A_1214 = arith.muli %add3A_1057, %mul3A_1213 : i32
      %add3A_1215 = arith.constant 7 : i32
      %add3A_1216 = arith.addi %mul3A_1214, %add3A_1215 : i32
      %get3A_1217 = arith.constant 5 : index
      %get3A_1218 = arith.constant 7 : index
      %get3A_1219 = arith.constant 0 : index
      %get3A_1220 = arith.constant 0 : index
      %get3A_1221 = arith.constant 0 : index
      %get3A_1222 = vector.load %arg4[%get3A_1217, %get3A_1218, %get3A_1219, %get3A_1220, %get3A_1221] : memref<8x8x32x16x128xf32, #tpu.memory_space<vmem>>, vector<1x1x32x16x128xf32>
      %get3A_1223 = vector.shape_cast %get3A_1222 : vector<1x1x32x16x128xf32> to vector<32x16x128xf32>
      %reshape3A_1224 = vector.shape_cast %get3A_1223 : vector<32x16x128xf32> to vector<512x128xf32>
      %get3A_1225 = arith.index_cast %add3A_1216 : i32 to index
      %get3A_1226 = arith.constant 0 : index
      %get3A_1227 = vector.load %arg6[%get3A_1225, %get3A_1226] : memref<1024x128xf32, #tpu.memory_space<vmem>>, vector<1x128xf32>
      %dot_general3A_1228 = arith.constant dense<0.000000e+00> : vector<1x512xf32>
      %dot_general3A_1229 = tpu.matmul %get3A_1227, %reshape3A_1224, %dot_general3A_1228 {dimension_numbers = #tpu.dot_dimension_numbers<[1], [1], [0], [0], [0, 0, 1, 0], [], []>, transpose_lhs_hint = false} : vector<1x128xf32>, vector<512x128xf32>, vector<1x512xf32> -> vector<1x512xf32>
      %swap3A_1230 = arith.index_cast %add3A_1216 : i32 to index
      %swap3A_1231 = arith.constant 0 : index
      %swap3A_1232 = vector.load %arg3[%swap3A_1230, %swap3A_1231] : memref<1024x512xf32, #tpu.memory_space<vmem>>, vector<1x512xf32>
      tpu.vector_store %arg3[%swap3A_1230, %swap3A_1231], %dot_general3A_1229 {strides = array<i32>} : memref<1024x512xf32, #tpu.memory_space<vmem>>, vector<1x512xf32>,
      %add3A_1233 = arith.constant 8 : i32
      %add3A_1234 = arith.addi %add3A_1057, %add3A_1233 : i32
      %lt3A_1235 = arith.constant 128 : i32
      %lt3A_1236 = arith.cmpi slt, %add3A_1234, %lt3A_1235 : i32
      %convert_element_type3A_1237 = arith.extui %lt3A_1236 : i1 to i32
      %cond3A_1238 = arith.constant 0 : i32
      %cond3A_1239 = arith.cmpi ne, %convert_element_type3A_1237, %cond3A_1238 : i32
      scf.if %cond3A_1239 {
        %mul3A_1608 = arith.constant 8 : i32
        %mul3A_1609 = arith.muli %add3A_1234, %mul3A_1608 : i32
        %dma_start3A_1610 = arith.constant 5 : i32
        %dma_start3A_1611 = arith.constant 5 : i32
        %dma_start3A_1612 = tpu.memref_slice %arg5[%dma_start3A_1611] : memref<8x!tpu.dma_semaphore, #tpu.memory_space<semaphore_mem>> -> memref<1x!tpu.dma_semaphore, #tpu.memory_space<semaphore_mem>>
        %dma_start3A_1613 = tpu.memref_squeeze %dma_start3A_1612 : memref<1x!tpu.dma_semaphore, #tpu.memory_space<semaphore_mem>> -> memref<!tpu.dma_semaphore, #tpu.memory_space<semaphore_mem>>
        %dma_start3A_1614 = arith.constant 0 : i32
        %dma_start3A_1615 = arith.constant 0 : i32
        %dma_start3A_1616 = arith.constant 0 : i32
        %dma_start3A_1617 = arith.constant 0 : i32
        %dma_start3A_1618 = tpu.memref_slice %arg4[%dma_start3A_1610, %dma_start3A_1614, %dma_start3A_1615, %dma_start3A_1616, %dma_start3A_1617] : memref<8x8x32x16x128xf32, #tpu.memory_space<vmem>> -> memref<1x8x32x16x128xf32, #tpu.memory_space<vmem>>
        %dma_start3A_1619 = tpu.memref_squeeze %dma_start3A_1618 : memref<1x8x32x16x128xf32, #tpu.memory_space<vmem>> -> memref<8x32x16x128xf32, #tpu.memory_space<vmem>>
        %dma_start3A_1620 = arith.constant 0 : i32
        %dma_start3A_1621 = arith.constant 0 : i32
        %dma_start3A_1622 = arith.constant 0 : i32
        %dma_start3A_1623 = tpu.memref_slice %arg0[%mul3A_1609, %dma_start3A_1620, %dma_start3A_1621, %dma_start3A_1622] : memref<1024x32x16x128xf32, #tpu.memory_space<any>> -> memref<8x32x16x128xf32, #tpu.memory_space<any>>
        tpu.enqueue_dma source(%dma_start3A_1623 : memref<8x32x16x128xf32, #tpu.memory_space<any>>) target(%dma_start3A_1619 : memref<8x32x16x128xf32, #tpu.memory_space<vmem>>) target_semaphore(%dma_start3A_1613 : memref<!tpu.dma_semaphore, #tpu.memory_space<semaphore_mem>>)
      } else {
      }
      %add3A_1240 = arith.constant 6 : i32
      %add3A_1241 = arith.addi %mul3A_141, %add3A_1240 : i32
      %dma_wait3A_1242 = arith.constant 6 : i32
      %dma_wait3A_1243 = arith.constant 6 : i32
      %dma_wait3A_1244 = tpu.memref_slice %arg5[%dma_wait3A_1243] : memref<8x!tpu.dma_semaphore, #tpu.memory_space<semaphore_mem>> -> memref<1x!tpu.dma_semaphore, #tpu.memory_space<semaphore_mem>>
      %dma_wait3A_1245 = tpu.memref_squeeze %dma_wait3A_1244 : memref<1x!tpu.dma_semaphore, #tpu.memory_space<semaphore_mem>> -> memref<!tpu.dma_semaphore, #tpu.memory_space<semaphore_mem>>
      %dma_wait3A_1246 = arith.constant 0 : i32
      %dma_wait3A_1247 = arith.constant 0 : i32
      %dma_wait3A_1248 = arith.constant 0 : i32
      %dma_wait3A_1249 = arith.constant 0 : i32
      %dma_wait3A_1250 = tpu.memref_slice %arg4[%dma_wait3A_1242, %dma_wait3A_1246, %dma_wait3A_1247, %dma_wait3A_1248, %dma_wait3A_1249] : memref<8x8x32x16x128xf32, #tpu.memory_space<vmem>> -> memref<1x8x32x16x128xf32, #tpu.memory_space<vmem>>
      %dma_wait3A_1251 = tpu.memref_squeeze %dma_wait3A_1250 : memref<1x8x32x16x128xf32, #tpu.memory_space<vmem>> -> memref<8x32x16x128xf32, #tpu.memory_space<vmem>>
      %dma_wait3A_1252 = arith.constant 0 : i32
      %dma_wait3A_1253 = arith.constant 0 : i32
      %dma_wait3A_1254 = arith.constant 0 : i32
      %dma_wait3A_1255 = arith.constant 0 : i32
      %dma_wait3A_1256 = tpu.memref_slice %arg0[%dma_wait3A_1252, %dma_wait3A_1253, %dma_wait3A_1254, %dma_wait3A_1255] : memref<1024x32x16x128xf32, #tpu.memory_space<any>> -> memref<8x32x16x128xf32, #tpu.memory_space<any>>
      tpu.wait_dma2 semaphore(%dma_wait3A_1245 : memref<!tpu.dma_semaphore, #tpu.memory_space<semaphore_mem>>) src(%dma_wait3A_1256 : memref<8x32x16x128xf32, #tpu.memory_space<any>>) dst(%dma_wait3A_1251 : memref<8x32x16x128xf32, #tpu.memory_space<vmem>>)
      %mul3A_1257 = arith.constant 8 : i32
      %mul3A_1258 = arith.muli %add3A_1241, %mul3A_1257 : i32
      %add3A_1259 = arith.constant 0 : i32
      %add3A_1260 = arith.addi %mul3A_1258, %add3A_1259 : i32
      %get3A_1261 = arith.constant 6 : index
      %get3A_1262 = arith.constant 0 : index
      %get3A_1263 = arith.constant 0 : index
      %get3A_1264 = arith.constant 0 : index
      %get3A_1265 = arith.constant 0 : index
      %get3A_1266 = vector.load %arg4[%get3A_1261, %get3A_1262, %get3A_1263, %get3A_1264, %get3A_1265] : memref<8x8x32x16x128xf32, #tpu.memory_space<vmem>>, vector<1x1x32x16x128xf32>
      %get3A_1267 = vector.shape_cast %get3A_1266 : vector<1x1x32x16x128xf32> to vector<32x16x128xf32>
      %reshape3A_1268 = vector.shape_cast %get3A_1267 : vector<32x16x128xf32> to vector<512x128xf32>
      %get3A_1269 = arith.index_cast %add3A_1260 : i32 to index
      %get3A_1270 = arith.constant 0 : index
      %get3A_1271 = vector.load %arg6[%get3A_1269, %get3A_1270] : memref<1024x128xf32, #tpu.memory_space<vmem>>, vector<1x128xf32>
      %dot_general3A_1272 = arith.constant dense<0.000000e+00> : vector<1x512xf32>
      %dot_general3A_1273 = tpu.matmul %get3A_1271, %reshape3A_1268, %dot_general3A_1272 {dimension_numbers = #tpu.dot_dimension_numbers<[1], [1], [0], [0], [0, 0, 1, 0], [], []>, transpose_lhs_hint = false} : vector<1x128xf32>, vector<512x128xf32>, vector<1x512xf32> -> vector<1x512xf32>
      %swap3A_1274 = arith.index_cast %add3A_1260 : i32 to index
      %swap3A_1275 = arith.constant 0 : index
      %swap3A_1276 = vector.load %arg3[%swap3A_1274, %swap3A_1275] : memref<1024x512xf32, #tpu.memory_space<vmem>>, vector<1x512xf32>
      tpu.vector_store %arg3[%swap3A_1274, %swap3A_1275], %dot_general3A_1273 {strides = array<i32>} : memref<1024x512xf32, #tpu.memory_space<vmem>>, vector<1x512xf32>,
      %mul3A_1277 = arith.constant 8 : i32
      %mul3A_1278 = arith.muli %add3A_1241, %mul3A_1277 : i32
      %add3A_1279 = arith.constant 1 : i32
      %add3A_1280 = arith.addi %mul3A_1278, %add3A_1279 : i32
      %get3A_1281 = arith.constant 6 : index
      %get3A_1282 = arith.constant 1 : index
      %get3A_1283 = arith.constant 0 : index
      %get3A_1284 = arith.constant 0 : index
      %get3A_1285 = arith.constant 0 : index
      %get3A_1286 = vector.load %arg4[%get3A_1281, %get3A_1282, %get3A_1283, %get3A_1284, %get3A_1285] : memref<8x8x32x16x128xf32, #tpu.memory_space<vmem>>, vector<1x1x32x16x128xf32>
      %get3A_1287 = vector.shape_cast %get3A_1286 : vector<1x1x32x16x128xf32> to vector<32x16x128xf32>
      %reshape3A_1288 = vector.shape_cast %get3A_1287 : vector<32x16x128xf32> to vector<512x128xf32>
      %get3A_1289 = arith.index_cast %add3A_1280 : i32 to index
      %get3A_1290 = arith.constant 0 : index
      %get3A_1291 = vector.load %arg6[%get3A_1289, %get3A_1290] : memref<1024x128xf32, #tpu.memory_space<vmem>>, vector<1x128xf32>
      %dot_general3A_1292 = arith.constant dense<0.000000e+00> : vector<1x512xf32>
      %dot_general3A_1293 = tpu.matmul %get3A_1291, %reshape3A_1288, %dot_general3A_1292 {dimension_numbers = #tpu.dot_dimension_numbers<[1], [1], [0], [0], [0, 0, 1, 0], [], []>, transpose_lhs_hint = false} : vector<1x128xf32>, vector<512x128xf32>, vector<1x512xf32> -> vector<1x512xf32>
      %swap3A_1294 = arith.index_cast %add3A_1280 : i32 to index
      %swap3A_1295 = arith.constant 0 : index
      %swap3A_1296 = vector.load %arg3[%swap3A_1294, %swap3A_1295] : memref<1024x512xf32, #tpu.memory_space<vmem>>, vector<1x512xf32>
      tpu.vector_store %arg3[%swap3A_1294, %swap3A_1295], %dot_general3A_1293 {strides = array<i32>} : memref<1024x512xf32, #tpu.memory_space<vmem>>, vector<1x512xf32>,
      %mul3A_1297 = arith.constant 8 : i32
      %mul3A_1298 = arith.muli %add3A_1241, %mul3A_1297 : i32
      %add3A_1299 = arith.constant 2 : i32
      %add3A_1300 = arith.addi %mul3A_1298, %add3A_1299 : i32
      %get3A_1301 = arith.constant 6 : index
      %get3A_1302 = arith.constant 2 : index
      %get3A_1303 = arith.constant 0 : index
      %get3A_1304 = arith.constant 0 : index
      %get3A_1305 = arith.constant 0 : index
      %get3A_1306 = vector.load %arg4[%get3A_1301, %get3A_1302, %get3A_1303, %get3A_1304, %get3A_1305] : memref<8x8x32x16x128xf32, #tpu.memory_space<vmem>>, vector<1x1x32x16x128xf32>
      %get3A_1307 = vector.shape_cast %get3A_1306 : vector<1x1x32x16x128xf32> to vector<32x16x128xf32>
      %reshape3A_1308 = vector.shape_cast %get3A_1307 : vector<32x16x128xf32> to vector<512x128xf32>
      %get3A_1309 = arith.index_cast %add3A_1300 : i32 to index
      %get3A_1310 = arith.constant 0 : index
      %get3A_1311 = vector.load %arg6[%get3A_1309, %get3A_1310] : memref<1024x128xf32, #tpu.memory_space<vmem>>, vector<1x128xf32>
      %dot_general3A_1312 = arith.constant dense<0.000000e+00> : vector<1x512xf32>
      %dot_general3A_1313 = tpu.matmul %get3A_1311, %reshape3A_1308, %dot_general3A_1312 {dimension_numbers = #tpu.dot_dimension_numbers<[1], [1], [0], [0], [0, 0, 1, 0], [], []>, transpose_lhs_hint = false} : vector<1x128xf32>, vector<512x128xf32>, vector<1x512xf32> -> vector<1x512xf32>
      %swap3A_1314 = arith.index_cast %add3A_1300 : i32 to index
      %swap3A_1315 = arith.constant 0 : index
      %swap3A_1316 = vector.load %arg3[%swap3A_1314, %swap3A_1315] : memref<1024x512xf32, #tpu.memory_space<vmem>>, vector<1x512xf32>
      tpu.vector_store %arg3[%swap3A_1314, %swap3A_1315], %dot_general3A_1313 {strides = array<i32>} : memref<1024x512xf32, #tpu.memory_space<vmem>>, vector<1x512xf32>,
      %mul3A_1317 = arith.constant 8 : i32
      %mul3A_1318 = arith.muli %add3A_1241, %mul3A_1317 : i32
      %add3A_1319 = arith.constant 3 : i32
      %add3A_1320 = arith.addi %mul3A_1318, %add3A_1319 : i32
      %get3A_1321 = arith.constant 6 : index
      %get3A_1322 = arith.constant 3 : index
      %get3A_1323 = arith.constant 0 : index
      %get3A_1324 = arith.constant 0 : index
      %get3A_1325 = arith.constant 0 : index
      %get3A_1326 = vector.load %arg4[%get3A_1321, %get3A_1322, %get3A_1323, %get3A_1324, %get3A_1325] : memref<8x8x32x16x128xf32, #tpu.memory_space<vmem>>, vector<1x1x32x16x128xf32>
      %get3A_1327 = vector.shape_cast %get3A_1326 : vector<1x1x32x16x128xf32> to vector<32x16x128xf32>
      %reshape3A_1328 = vector.shape_cast %get3A_1327 : vector<32x16x128xf32> to vector<512x128xf32>
      %get3A_1329 = arith.index_cast %add3A_1320 : i32 to index
      %get3A_1330 = arith.constant 0 : index
      %get3A_1331 = vector.load %arg6[%get3A_1329, %get3A_1330] : memref<1024x128xf32, #tpu.memory_space<vmem>>, vector<1x128xf32>
      %dot_general3A_1332 = arith.constant dense<0.000000e+00> : vector<1x512xf32>
      %dot_general3A_1333 = tpu.matmul %get3A_1331, %reshape3A_1328, %dot_general3A_1332 {dimension_numbers = #tpu.dot_dimension_numbers<[1], [1], [0], [0], [0, 0, 1, 0], [], []>, transpose_lhs_hint = false} : vector<1x128xf32>, vector<512x128xf32>, vector<1x512xf32> -> vector<1x512xf32>
      %swap3A_1334 = arith.index_cast %add3A_1320 : i32 to index
      %swap3A_1335 = arith.constant 0 : index
      %swap3A_1336 = vector.load %arg3[%swap3A_1334, %swap3A_1335] : memref<1024x512xf32, #tpu.memory_space<vmem>>, vector<1x512xf32>
      tpu.vector_store %arg3[%swap3A_1334, %swap3A_1335], %dot_general3A_1333 {strides = array<i32>} : memref<1024x512xf32, #tpu.memory_space<vmem>>, vector<1x512xf32>,
      %mul3A_1337 = arith.constant 8 : i32
      %mul3A_1338 = arith.muli %add3A_1241, %mul3A_1337 : i32
      %add3A_1339 = arith.constant 4 : i32
      %add3A_1340 = arith.addi %mul3A_1338, %add3A_1339 : i32
      %get3A_1341 = arith.constant 6 : index
      %get3A_1342 = arith.constant 4 : index
      %get3A_1343 = arith.constant 0 : index
      %get3A_1344 = arith.constant 0 : index
      %get3A_1345 = arith.constant 0 : index
      %get3A_1346 = vector.load %arg4[%get3A_1341, %get3A_1342, %get3A_1343, %get3A_1344, %get3A_1345] : memref<8x8x32x16x128xf32, #tpu.memory_space<vmem>>, vector<1x1x32x16x128xf32>
      %get3A_1347 = vector.shape_cast %get3A_1346 : vector<1x1x32x16x128xf32> to vector<32x16x128xf32>
      %reshape3A_1348 = vector.shape_cast %get3A_1347 : vector<32x16x128xf32> to vector<512x128xf32>
      %get3A_1349 = arith.index_cast %add3A_1340 : i32 to index
      %get3A_1350 = arith.constant 0 : index
      %get3A_1351 = vector.load %arg6[%get3A_1349, %get3A_1350] : memref<1024x128xf32, #tpu.memory_space<vmem>>, vector<1x128xf32>
      %dot_general3A_1352 = arith.constant dense<0.000000e+00> : vector<1x512xf32>
      %dot_general3A_1353 = tpu.matmul %get3A_1351, %reshape3A_1348, %dot_general3A_1352 {dimension_numbers = #tpu.dot_dimension_numbers<[1], [1], [0], [0], [0, 0, 1, 0], [], []>, transpose_lhs_hint = false} : vector<1x128xf32>, vector<512x128xf32>, vector<1x512xf32> -> vector<1x512xf32>
      %swap3A_1354 = arith.index_cast %add3A_1340 : i32 to index
      %swap3A_1355 = arith.constant 0 : index
      %swap3A_1356 = vector.load %arg3[%swap3A_1354, %swap3A_1355] : memref<1024x512xf32, #tpu.memory_space<vmem>>, vector<1x512xf32>
      tpu.vector_store %arg3[%swap3A_1354, %swap3A_1355], %dot_general3A_1353 {strides = array<i32>} : memref<1024x512xf32, #tpu.memory_space<vmem>>, vector<1x512xf32>,
      %mul3A_1357 = arith.constant 8 : i32
      %mul3A_1358 = arith.muli %add3A_1241, %mul3A_1357 : i32
      %add3A_1359 = arith.constant 5 : i32
      %add3A_1360 = arith.addi %mul3A_1358, %add3A_1359 : i32
      %get3A_1361 = arith.constant 6 : index
      %get3A_1362 = arith.constant 5 : index
      %get3A_1363 = arith.constant 0 : index
      %get3A_1364 = arith.constant 0 : index
      %get3A_1365 = arith.constant 0 : index
      %get3A_1366 = vector.load %arg4[%get3A_1361, %get3A_1362, %get3A_1363, %get3A_1364, %get3A_1365] : memref<8x8x32x16x128xf32, #tpu.memory_space<vmem>>, vector<1x1x32x16x128xf32>
      %get3A_1367 = vector.shape_cast %get3A_1366 : vector<1x1x32x16x128xf32> to vector<32x16x128xf32>
      %reshape3A_1368 = vector.shape_cast %get3A_1367 : vector<32x16x128xf32> to vector<512x128xf32>
      %get3A_1369 = arith.index_cast %add3A_1360 : i32 to index
      %get3A_1370 = arith.constant 0 : index
      %get3A_1371 = vector.load %arg6[%get3A_1369, %get3A_1370] : memref<1024x128xf32, #tpu.memory_space<vmem>>, vector<1x128xf32>
      %dot_general3A_1372 = arith.constant dense<0.000000e+00> : vector<1x512xf32>
      %dot_general3A_1373 = tpu.matmul %get3A_1371, %reshape3A_1368, %dot_general3A_1372 {dimension_numbers = #tpu.dot_dimension_numbers<[1], [1], [0], [0], [0, 0, 1, 0], [], []>, transpose_lhs_hint = false} : vector<1x128xf32>, vector<512x128xf32>, vector<1x512xf32> -> vector<1x512xf32>
      %swap3A_1374 = arith.index_cast %add3A_1360 : i32 to index
      %swap3A_1375 = arith.constant 0 : index
      %swap3A_1376 = vector.load %arg3[%swap3A_1374, %swap3A_1375] : memref<1024x512xf32, #tpu.memory_space<vmem>>, vector<1x512xf32>
      tpu.vector_store %arg3[%swap3A_1374, %swap3A_1375], %dot_general3A_1373 {strides = array<i32>} : memref<1024x512xf32, #tpu.memory_space<vmem>>, vector<1x512xf32>,
      %mul3A_1377 = arith.constant 8 : i32
      %mul3A_1378 = arith.muli %add3A_1241, %mul3A_1377 : i32
      %add3A_1379 = arith.constant 6 : i32
      %add3A_1380 = arith.addi %mul3A_1378, %add3A_1379 : i32
      %get3A_1381 = arith.constant 6 : index
      %get3A_1382 = arith.constant 6 : index
      %get3A_1383 = arith.constant 0 : index
      %get3A_1384 = arith.constant 0 : index
      %get3A_1385 = arith.constant 0 : index
      %get3A_1386 = vector.load %arg4[%get3A_1381, %get3A_1382, %get3A_1383, %get3A_1384, %get3A_1385] : memref<8x8x32x16x128xf32, #tpu.memory_space<vmem>>, vector<1x1x32x16x128xf32>
      %get3A_1387 = vector.shape_cast %get3A_1386 : vector<1x1x32x16x128xf32> to vector<32x16x128xf32>
      %reshape3A_1388 = vector.shape_cast %get3A_1387 : vector<32x16x128xf32> to vector<512x128xf32>
      %get3A_1389 = arith.index_cast %add3A_1380 : i32 to index
      %get3A_1390 = arith.constant 0 : index
      %get3A_1391 = vector.load %arg6[%get3A_1389, %get3A_1390] : memref<1024x128xf32, #tpu.memory_space<vmem>>, vector<1x128xf32>
      %dot_general3A_1392 = arith.constant dense<0.000000e+00> : vector<1x512xf32>
      %dot_general3A_1393 = tpu.matmul %get3A_1391, %reshape3A_1388, %dot_general3A_1392 {dimension_numbers = #tpu.dot_dimension_numbers<[1], [1], [0], [0], [0, 0, 1, 0], [], []>, transpose_lhs_hint = false} : vector<1x128xf32>, vector<512x128xf32>, vector<1x512xf32> -> vector<1x512xf32>
      %swap3A_1394 = arith.index_cast %add3A_1380 : i32 to index
      %swap3A_1395 = arith.constant 0 : index
      %swap3A_1396 = vector.load %arg3[%swap3A_1394, %swap3A_1395] : memref<1024x512xf32, #tpu.memory_space<vmem>>, vector<1x512xf32>
      tpu.vector_store %arg3[%swap3A_1394, %swap3A_1395], %dot_general3A_1393 {strides = array<i32>} : memref<1024x512xf32, #tpu.memory_space<vmem>>, vector<1x512xf32>,
      %mul3A_1397 = arith.constant 8 : i32
      %mul3A_1398 = arith.muli %add3A_1241, %mul3A_1397 : i32
      %add3A_1399 = arith.constant 7 : i32
      %add3A_1400 = arith.addi %mul3A_1398, %add3A_1399 : i32
      %get3A_1401 = arith.constant 6 : index
      %get3A_1402 = arith.constant 7 : index
      %get3A_1403 = arith.constant 0 : index
      %get3A_1404 = arith.constant 0 : index
      %get3A_1405 = arith.constant 0 : index
      %get3A_1406 = vector.load %arg4[%get3A_1401, %get3A_1402, %get3A_1403, %get3A_1404, %get3A_1405] : memref<8x8x32x16x128xf32, #tpu.memory_space<vmem>>, vector<1x1x32x16x128xf32>
      %get3A_1407 = vector.shape_cast %get3A_1406 : vector<1x1x32x16x128xf32> to vector<32x16x128xf32>
      %reshape3A_1408 = vector.shape_cast %get3A_1407 : vector<32x16x128xf32> to vector<512x128xf32>
      %get3A_1409 = arith.index_cast %add3A_1400 : i32 to index
      %get3A_1410 = arith.constant 0 : index
      %get3A_1411 = vector.load %arg6[%get3A_1409, %get3A_1410] : memref<1024x128xf32, #tpu.memory_space<vmem>>, vector<1x128xf32>
      %dot_general3A_1412 = arith.constant dense<0.000000e+00> : vector<1x512xf32>
      %dot_general3A_1413 = tpu.matmul %get3A_1411, %reshape3A_1408, %dot_general3A_1412 {dimension_numbers = #tpu.dot_dimension_numbers<[1], [1], [0], [0], [0, 0, 1, 0], [], []>, transpose_lhs_hint = false} : vector<1x128xf32>, vector<512x128xf32>, vector<1x512xf32> -> vector<1x512xf32>
      %swap3A_1414 = arith.index_cast %add3A_1400 : i32 to index
      %swap3A_1415 = arith.constant 0 : index
      %swap3A_1416 = vector.load %arg3[%swap3A_1414, %swap3A_1415] : memref<1024x512xf32, #tpu.memory_space<vmem>>, vector<1x512xf32>
      tpu.vector_store %arg3[%swap3A_1414, %swap3A_1415], %dot_general3A_1413 {strides = array<i32>} : memref<1024x512xf32, #tpu.memory_space<vmem>>, vector<1x512xf32>,
      %add3A_1417 = arith.constant 8 : i32
      %add3A_1418 = arith.addi %add3A_1241, %add3A_1417 : i32
      %lt3A_1419 = arith.constant 128 : i32
      %lt3A_1420 = arith.cmpi slt, %add3A_1418, %lt3A_1419 : i32
      %convert_element_type3A_1421 = arith.extui %lt3A_1420 : i1 to i32
      %cond3A_1422 = arith.constant 0 : i32
      %cond3A_1423 = arith.cmpi ne, %convert_element_type3A_1421, %cond3A_1422 : i32
      scf.if %cond3A_1423 {
        %mul3A_1608 = arith.constant 8 : i32
        %mul3A_1609 = arith.muli %add3A_1418, %mul3A_1608 : i32
        %dma_start3A_1610 = arith.constant 6 : i32
        %dma_start3A_1611 = arith.constant 6 : i32
        %dma_start3A_1612 = tpu.memref_slice %arg5[%dma_start3A_1611] : memref<8x!tpu.dma_semaphore, #tpu.memory_space<semaphore_mem>> -> memref<1x!tpu.dma_semaphore, #tpu.memory_space<semaphore_mem>>
        %dma_start3A_1613 = tpu.memref_squeeze %dma_start3A_1612 : memref<1x!tpu.dma_semaphore, #tpu.memory_space<semaphore_mem>> -> memref<!tpu.dma_semaphore, #tpu.memory_space<semaphore_mem>>
        %dma_start3A_1614 = arith.constant 0 : i32
        %dma_start3A_1615 = arith.constant 0 : i32
        %dma_start3A_1616 = arith.constant 0 : i32
        %dma_start3A_1617 = arith.constant 0 : i32
        %dma_start3A_1618 = tpu.memref_slice %arg4[%dma_start3A_1610, %dma_start3A_1614, %dma_start3A_1615, %dma_start3A_1616, %dma_start3A_1617] : memref<8x8x32x16x128xf32, #tpu.memory_space<vmem>> -> memref<1x8x32x16x128xf32, #tpu.memory_space<vmem>>
        %dma_start3A_1619 = tpu.memref_squeeze %dma_start3A_1618 : memref<1x8x32x16x128xf32, #tpu.memory_space<vmem>> -> memref<8x32x16x128xf32, #tpu.memory_space<vmem>>
        %dma_start3A_1620 = arith.constant 0 : i32
        %dma_start3A_1621 = arith.constant 0 : i32
        %dma_start3A_1622 = arith.constant 0 : i32
        %dma_start3A_1623 = tpu.memref_slice %arg0[%mul3A_1609, %dma_start3A_1620, %dma_start3A_1621, %dma_start3A_1622] : memref<1024x32x16x128xf32, #tpu.memory_space<any>> -> memref<8x32x16x128xf32, #tpu.memory_space<any>>
        tpu.enqueue_dma source(%dma_start3A_1623 : memref<8x32x16x128xf32, #tpu.memory_space<any>>) target(%dma_start3A_1619 : memref<8x32x16x128xf32, #tpu.memory_space<vmem>>) target_semaphore(%dma_start3A_1613 : memref<!tpu.dma_semaphore, #tpu.memory_space<semaphore_mem>>)
      } else {
      }
      %add3A_1424 = arith.constant 7 : i32
      %add3A_1425 = arith.addi %mul3A_141, %add3A_1424 : i32
      %dma_wait3A_1426 = arith.constant 7 : i32
      %dma_wait3A_1427 = arith.constant 7 : i32
      %dma_wait3A_1428 = tpu.memref_slice %arg5[%dma_wait3A_1427] : memref<8x!tpu.dma_semaphore, #tpu.memory_space<semaphore_mem>> -> memref<1x!tpu.dma_semaphore, #tpu.memory_space<semaphore_mem>>
      %dma_wait3A_1429 = tpu.memref_squeeze %dma_wait3A_1428 : memref<1x!tpu.dma_semaphore, #tpu.memory_space<semaphore_mem>> -> memref<!tpu.dma_semaphore, #tpu.memory_space<semaphore_mem>>
      %dma_wait3A_1430 = arith.constant 0 : i32
      %dma_wait3A_1431 = arith.constant 0 : i32
      %dma_wait3A_1432 = arith.constant 0 : i32
      %dma_wait3A_1433 = arith.constant 0 : i32
      %dma_wait3A_1434 = tpu.memref_slice %arg4[%dma_wait3A_1426, %dma_wait3A_1430, %dma_wait3A_1431, %dma_wait3A_1432, %dma_wait3A_1433] : memref<8x8x32x16x128xf32, #tpu.memory_space<vmem>> -> memref<1x8x32x16x128xf32, #tpu.memory_space<vmem>>
      %dma_wait3A_1435 = tpu.memref_squeeze %dma_wait3A_1434 : memref<1x8x32x16x128xf32, #tpu.memory_space<vmem>> -> memref<8x32x16x128xf32, #tpu.memory_space<vmem>>
      %dma_wait3A_1436 = arith.constant 0 : i32
      %dma_wait3A_1437 = arith.constant 0 : i32
      %dma_wait3A_1438 = arith.constant 0 : i32
      %dma_wait3A_1439 = arith.constant 0 : i32
      %dma_wait3A_1440 = tpu.memref_slice %arg0[%dma_wait3A_1436, %dma_wait3A_1437, %dma_wait3A_1438, %dma_wait3A_1439] : memref<1024x32x16x128xf32, #tpu.memory_space<any>> -> memref<8x32x16x128xf32, #tpu.memory_space<any>>
      tpu.wait_dma2 semaphore(%dma_wait3A_1429 : memref<!tpu.dma_semaphore, #tpu.memory_space<semaphore_mem>>) src(%dma_wait3A_1440 : memref<8x32x16x128xf32, #tpu.memory_space<any>>) dst(%dma_wait3A_1435 : memref<8x32x16x128xf32, #tpu.memory_space<vmem>>)
      %mul3A_1441 = arith.constant 8 : i32
      %mul3A_1442 = arith.muli %add3A_1425, %mul3A_1441 : i32
      %add3A_1443 = arith.constant 0 : i32
      %add3A_1444 = arith.addi %mul3A_1442, %add3A_1443 : i32
      %get3A_1445 = arith.constant 7 : index
      %get3A_1446 = arith.constant 0 : index
      %get3A_1447 = arith.constant 0 : index
      %get3A_1448 = arith.constant 0 : index
      %get3A_1449 = arith.constant 0 : index
      %get3A_1450 = vector.load %arg4[%get3A_1445, %get3A_1446, %get3A_1447, %get3A_1448, %get3A_1449] : memref<8x8x32x16x128xf32, #tpu.memory_space<vmem>>, vector<1x1x32x16x128xf32>
      %get3A_1451 = vector.shape_cast %get3A_1450 : vector<1x1x32x16x128xf32> to vector<32x16x128xf32>
      %reshape3A_1452 = vector.shape_cast %get3A_1451 : vector<32x16x128xf32> to vector<512x128xf32>
      %get3A_1453 = arith.index_cast %add3A_1444 : i32 to index
      %get3A_1454 = arith.constant 0 : index
      %get3A_1455 = vector.load %arg6[%get3A_1453, %get3A_1454] : memref<1024x128xf32, #tpu.memory_space<vmem>>, vector<1x128xf32>
      %dot_general3A_1456 = arith.constant dense<0.000000e+00> : vector<1x512xf32>
      %dot_general3A_1457 = tpu.matmul %get3A_1455, %reshape3A_1452, %dot_general3A_1456 {dimension_numbers = #tpu.dot_dimension_numbers<[1], [1], [0], [0], [0, 0, 1, 0], [], []>, transpose_lhs_hint = false} : vector<1x128xf32>, vector<512x128xf32>, vector<1x512xf32> -> vector<1x512xf32>
      %swap3A_1458 = arith.index_cast %add3A_1444 : i32 to index
      %swap3A_1459 = arith.constant 0 : index
      %swap3A_1460 = vector.load %arg3[%swap3A_1458, %swap3A_1459] : memref<1024x512xf32, #tpu.memory_space<vmem>>, vector<1x512xf32>
      tpu.vector_store %arg3[%swap3A_1458, %swap3A_1459], %dot_general3A_1457 {strides = array<i32>} : memref<1024x512xf32, #tpu.memory_space<vmem>>, vector<1x512xf32>,
      %mul3A_1461 = arith.constant 8 : i32
      %mul3A_1462 = arith.muli %add3A_1425, %mul3A_1461 : i32
      %add3A_1463 = arith.constant 1 : i32
      %add3A_1464 = arith.addi %mul3A_1462, %add3A_1463 : i32
      %get3A_1465 = arith.constant 7 : index
      %get3A_1466 = arith.constant 1 : index
      %get3A_1467 = arith.constant 0 : index
      %get3A_1468 = arith.constant 0 : index
      %get3A_1469 = arith.constant 0 : index
      %get3A_1470 = vector.load %arg4[%get3A_1465, %get3A_1466, %get3A_1467, %get3A_1468, %get3A_1469] : memref<8x8x32x16x128xf32, #tpu.memory_space<vmem>>, vector<1x1x32x16x128xf32>
      %get3A_1471 = vector.shape_cast %get3A_1470 : vector<1x1x32x16x128xf32> to vector<32x16x128xf32>
      %reshape3A_1472 = vector.shape_cast %get3A_1471 : vector<32x16x128xf32> to vector<512x128xf32>
      %get3A_1473 = arith.index_cast %add3A_1464 : i32 to index
      %get3A_1474 = arith.constant 0 : index
      %get3A_1475 = vector.load %arg6[%get3A_1473, %get3A_1474] : memref<1024x128xf32, #tpu.memory_space<vmem>>, vector<1x128xf32>
      %dot_general3A_1476 = arith.constant dense<0.000000e+00> : vector<1x512xf32>
      %dot_general3A_1477 = tpu.matmul %get3A_1475, %reshape3A_1472, %dot_general3A_1476 {dimension_numbers = #tpu.dot_dimension_numbers<[1], [1], [0], [0], [0, 0, 1, 0], [], []>, transpose_lhs_hint = false} : vector<1x128xf32>, vector<512x128xf32>, vector<1x512xf32> -> vector<1x512xf32>
      %swap3A_1478 = arith.index_cast %add3A_1464 : i32 to index
      %swap3A_1479 = arith.constant 0 : index
      %swap3A_1480 = vector.load %arg3[%swap3A_1478, %swap3A_1479] : memref<1024x512xf32, #tpu.memory_space<vmem>>, vector<1x512xf32>
      tpu.vector_store %arg3[%swap3A_1478, %swap3A_1479], %dot_general3A_1477 {strides = array<i32>} : memref<1024x512xf32, #tpu.memory_space<vmem>>, vector<1x512xf32>,
      %mul3A_1481 = arith.constant 8 : i32
      %mul3A_1482 = arith.muli %add3A_1425, %mul3A_1481 : i32
      %add3A_1483 = arith.constant 2 : i32
      %add3A_1484 = arith.addi %mul3A_1482, %add3A_1483 : i32
      %get3A_1485 = arith.constant 7 : index
      %get3A_1486 = arith.constant 2 : index
      %get3A_1487 = arith.constant 0 : index
      %get3A_1488 = arith.constant 0 : index
      %get3A_1489 = arith.constant 0 : index
      %get3A_1490 = vector.load %arg4[%get3A_1485, %get3A_1486, %get3A_1487, %get3A_1488, %get3A_1489] : memref<8x8x32x16x128xf32, #tpu.memory_space<vmem>>, vector<1x1x32x16x128xf32>
      %get3A_1491 = vector.shape_cast %get3A_1490 : vector<1x1x32x16x128xf32> to vector<32x16x128xf32>
      %reshape3A_1492 = vector.shape_cast %get3A_1491 : vector<32x16x128xf32> to vector<512x128xf32>
      %get3A_1493 = arith.index_cast %add3A_1484 : i32 to index
      %get3A_1494 = arith.constant 0 : index
      %get3A_1495 = vector.load %arg6[%get3A_1493, %get3A_1494] : memref<1024x128xf32, #tpu.memory_space<vmem>>, vector<1x128xf32>
      %dot_general3A_1496 = arith.constant dense<0.000000e+00> : vector<1x512xf32>
      %dot_general3A_1497 = tpu.matmul %get3A_1495, %reshape3A_1492, %dot_general3A_1496 {dimension_numbers = #tpu.dot_dimension_numbers<[1], [1], [0], [0], [0, 0, 1, 0], [], []>, transpose_lhs_hint = false} : vector<1x128xf32>, vector<512x128xf32>, vector<1x512xf32> -> vector<1x512xf32>
      %swap3A_1498 = arith.index_cast %add3A_1484 : i32 to index
      %swap3A_1499 = arith.constant 0 : index
      %swap3A_1500 = vector.load %arg3[%swap3A_1498, %swap3A_1499] : memref<1024x512xf32, #tpu.memory_space<vmem>>, vector<1x512xf32>
      tpu.vector_store %arg3[%swap3A_1498, %swap3A_1499], %dot_general3A_1497 {strides = array<i32>} : memref<1024x512xf32, #tpu.memory_space<vmem>>, vector<1x512xf32>,
      %mul3A_1501 = arith.constant 8 : i32
      %mul3A_1502 = arith.muli %add3A_1425, %mul3A_1501 : i32
      %add3A_1503 = arith.constant 3 : i32
      %add3A_1504 = arith.addi %mul3A_1502, %add3A_1503 : i32
      %get3A_1505 = arith.constant 7 : index
      %get3A_1506 = arith.constant 3 : index
      %get3A_1507 = arith.constant 0 : index
      %get3A_1508 = arith.constant 0 : index
      %get3A_1509 = arith.constant 0 : index
      %get3A_1510 = vector.load %arg4[%get3A_1505, %get3A_1506, %get3A_1507, %get3A_1508, %get3A_1509] : memref<8x8x32x16x128xf32, #tpu.memory_space<vmem>>, vector<1x1x32x16x128xf32>
      %get3A_1511 = vector.shape_cast %get3A_1510 : vector<1x1x32x16x128xf32> to vector<32x16x128xf32>
      %reshape3A_1512 = vector.shape_cast %get3A_1511 : vector<32x16x128xf32> to vector<512x128xf32>
      %get3A_1513 = arith.index_cast %add3A_1504 : i32 to index
      %get3A_1514 = arith.constant 0 : index
      %get3A_1515 = vector.load %arg6[%get3A_1513, %get3A_1514] : memref<1024x128xf32, #tpu.memory_space<vmem>>, vector<1x128xf32>
      %dot_general3A_1516 = arith.constant dense<0.000000e+00> : vector<1x512xf32>
      %dot_general3A_1517 = tpu.matmul %get3A_1515, %reshape3A_1512, %dot_general3A_1516 {dimension_numbers = #tpu.dot_dimension_numbers<[1], [1], [0], [0], [0, 0, 1, 0], [], []>, transpose_lhs_hint = false} : vector<1x128xf32>, vector<512x128xf32>, vector<1x512xf32> -> vector<1x512xf32>
      %swap3A_1518 = arith.index_cast %add3A_1504 : i32 to index
      %swap3A_1519 = arith.constant 0 : index
      %swap3A_1520 = vector.load %arg3[%swap3A_1518, %swap3A_1519] : memref<1024x512xf32, #tpu.memory_space<vmem>>, vector<1x512xf32>
      tpu.vector_store %arg3[%swap3A_1518, %swap3A_1519], %dot_general3A_1517 {strides = array<i32>} : memref<1024x512xf32, #tpu.memory_space<vmem>>, vector<1x512xf32>,
      %mul3A_1521 = arith.constant 8 : i32
      %mul3A_1522 = arith.muli %add3A_1425, %mul3A_1521 : i32
      %add3A_1523 = arith.constant 4 : i32
      %add3A_1524 = arith.addi %mul3A_1522, %add3A_1523 : i32
      %get3A_1525 = arith.constant 7 : index
      %get3A_1526 = arith.constant 4 : index
      %get3A_1527 = arith.constant 0 : index
      %get3A_1528 = arith.constant 0 : index
      %get3A_1529 = arith.constant 0 : index
      %get3A_1530 = vector.load %arg4[%get3A_1525, %get3A_1526, %get3A_1527, %get3A_1528, %get3A_1529] : memref<8x8x32x16x128xf32, #tpu.memory_space<vmem>>, vector<1x1x32x16x128xf32>
      %get3A_1531 = vector.shape_cast %get3A_1530 : vector<1x1x32x16x128xf32> to vector<32x16x128xf32>
      %reshape3A_1532 = vector.shape_cast %get3A_1531 : vector<32x16x128xf32> to vector<512x128xf32>
      %get3A_1533 = arith.index_cast %add3A_1524 : i32 to index
      %get3A_1534 = arith.constant 0 : index
      %get3A_1535 = vector.load %arg6[%get3A_1533, %get3A_1534] : memref<1024x128xf32, #tpu.memory_space<vmem>>, vector<1x128xf32>
      %dot_general3A_1536 = arith.constant dense<0.000000e+00> : vector<1x512xf32>
      %dot_general3A_1537 = tpu.matmul %get3A_1535, %reshape3A_1532, %dot_general3A_1536 {dimension_numbers = #tpu.dot_dimension_numbers<[1], [1], [0], [0], [0, 0, 1, 0], [], []>, transpose_lhs_hint = false} : vector<1x128xf32>, vector<512x128xf32>, vector<1x512xf32> -> vector<1x512xf32>
      %swap3A_1538 = arith.index_cast %add3A_1524 : i32 to index
      %swap3A_1539 = arith.constant 0 : index
      %swap3A_1540 = vector.load %arg3[%swap3A_1538, %swap3A_1539] : memref<1024x512xf32, #tpu.memory_space<vmem>>, vector<1x512xf32>
      tpu.vector_store %arg3[%swap3A_1538, %swap3A_1539], %dot_general3A_1537 {strides = array<i32>} : memref<1024x512xf32, #tpu.memory_space<vmem>>, vector<1x512xf32>,
      %mul3A_1541 = arith.constant 8 : i32
      %mul3A_1542 = arith.muli %add3A_1425, %mul3A_1541 : i32
      %add3A_1543 = arith.constant 5 : i32
      %add3A_1544 = arith.addi %mul3A_1542, %add3A_1543 : i32
      %get3A_1545 = arith.constant 7 : index
      %get3A_1546 = arith.constant 5 : index
      %get3A_1547 = arith.constant 0 : index
      %get3A_1548 = arith.constant 0 : index
      %get3A_1549 = arith.constant 0 : index
      %get3A_1550 = vector.load %arg4[%get3A_1545, %get3A_1546, %get3A_1547, %get3A_1548, %get3A_1549] : memref<8x8x32x16x128xf32, #tpu.memory_space<vmem>>, vector<1x1x32x16x128xf32>
      %get3A_1551 = vector.shape_cast %get3A_1550 : vector<1x1x32x16x128xf32> to vector<32x16x128xf32>
      %reshape3A_1552 = vector.shape_cast %get3A_1551 : vector<32x16x128xf32> to vector<512x128xf32>
      %get3A_1553 = arith.index_cast %add3A_1544 : i32 to index
      %get3A_1554 = arith.constant 0 : index
      %get3A_1555 = vector.load %arg6[%get3A_1553, %get3A_1554] : memref<1024x128xf32, #tpu.memory_space<vmem>>, vector<1x128xf32>
      %dot_general3A_1556 = arith.constant dense<0.000000e+00> : vector<1x512xf32>
      %dot_general3A_1557 = tpu.matmul %get3A_1555, %reshape3A_1552, %dot_general3A_1556 {dimension_numbers = #tpu.dot_dimension_numbers<[1], [1], [0], [0], [0, 0, 1, 0], [], []>, transpose_lhs_hint = false} : vector<1x128xf32>, vector<512x128xf32>, vector<1x512xf32> -> vector<1x512xf32>
      %swap3A_1558 = arith.index_cast %add3A_1544 : i32 to index
      %swap3A_1559 = arith.constant 0 : index
      %swap3A_1560 = vector.load %arg3[%swap3A_1558, %swap3A_1559] : memref<1024x512xf32, #tpu.memory_space<vmem>>, vector<1x512xf32>
      tpu.vector_store %arg3[%swap3A_1558, %swap3A_1559], %dot_general3A_1557 {strides = array<i32>} : memref<1024x512xf32, #tpu.memory_space<vmem>>, vector<1x512xf32>,
      %mul3A_1561 = arith.constant 8 : i32
      %mul3A_1562 = arith.muli %add3A_1425, %mul3A_1561 : i32
      %add3A_1563 = arith.constant 6 : i32
      %add3A_1564 = arith.addi %mul3A_1562, %add3A_1563 : i32
      %get3A_1565 = arith.constant 7 : index
      %get3A_1566 = arith.constant 6 : index
      %get3A_1567 = arith.constant 0 : index
      %get3A_1568 = arith.constant 0 : index
      %get3A_1569 = arith.constant 0 : index
      %get3A_1570 = vector.load %arg4[%get3A_1565, %get3A_1566, %get3A_1567, %get3A_1568, %get3A_1569] : memref<8x8x32x16x128xf32, #tpu.memory_space<vmem>>, vector<1x1x32x16x128xf32>
      %get3A_1571 = vector.shape_cast %get3A_1570 : vector<1x1x32x16x128xf32> to vector<32x16x128xf32>
      %reshape3A_1572 = vector.shape_cast %get3A_1571 : vector<32x16x128xf32> to vector<512x128xf32>
      %get3A_1573 = arith.index_cast %add3A_1564 : i32 to index
      %get3A_1574 = arith.constant 0 : index
      %get3A_1575 = vector.load %arg6[%get3A_1573, %get3A_1574] : memref<1024x128xf32, #tpu.memory_space<vmem>>, vector<1x128xf32>
      %dot_general3A_1576 = arith.constant dense<0.000000e+00> : vector<1x512xf32>
      %dot_general3A_1577 = tpu.matmul %get3A_1575, %reshape3A_1572, %dot_general3A_1576 {dimension_numbers = #tpu.dot_dimension_numbers<[1], [1], [0], [0], [0, 0, 1, 0], [], []>, transpose_lhs_hint = false} : vector<1x128xf32>, vector<512x128xf32>, vector<1x512xf32> -> vector<1x512xf32>
      %swap3A_1578 = arith.index_cast %add3A_1564 : i32 to index
      %swap3A_1579 = arith.constant 0 : index
      %swap3A_1580 = vector.load %arg3[%swap3A_1578, %swap3A_1579] : memref<1024x512xf32, #tpu.memory_space<vmem>>, vector<1x512xf32>
      tpu.vector_store %arg3[%swap3A_1578, %swap3A_1579], %dot_general3A_1577 {strides = array<i32>} : memref<1024x512xf32, #tpu.memory_space<vmem>>, vector<1x512xf32>,
      %mul3A_1581 = arith.constant 8 : i32
      %mul3A_1582 = arith.muli %add3A_1425, %mul3A_1581 : i32
      %add3A_1583 = arith.constant 7 : i32
      %add3A_1584 = arith.addi %mul3A_1582, %add3A_1583 : i32
      %get3A_1585 = arith.constant 7 : index
      %get3A_1586 = arith.constant 7 : index
      %get3A_1587 = arith.constant 0 : index
      %get3A_1588 = arith.constant 0 : index
      %get3A_1589 = arith.constant 0 : index
      %get3A_1590 = vector.load %arg4[%get3A_1585, %get3A_1586, %get3A_1587, %get3A_1588, %get3A_1589] : memref<8x8x32x16x128xf32, #tpu.memory_space<vmem>>, vector<1x1x32x16x128xf32>
      %get3A_1591 = vector.shape_cast %get3A_1590 : vector<1x1x32x16x128xf32> to vector<32x16x128xf32>
      %reshape3A_1592 = vector.shape_cast %get3A_1591 : vector<32x16x128xf32> to vector<512x128xf32>
      %get3A_1593 = arith.index_cast %add3A_1584 : i32 to index
      %get3A_1594 = arith.constant 0 : index
      %get3A_1595 = vector.load %arg6[%get3A_1593, %get3A_1594] : memref<1024x128xf32, #tpu.memory_space<vmem>>, vector<1x128xf32>
      %dot_general3A_1596 = arith.constant dense<0.000000e+00> : vector<1x512xf32>
      %dot_general3A_1597 = tpu.matmul %get3A_1595, %reshape3A_1592, %dot_general3A_1596 {dimension_numbers = #tpu.dot_dimension_numbers<[1], [1], [0], [0], [0, 0, 1, 0], [], []>, transpose_lhs_hint = false} : vector<1x128xf32>, vector<512x128xf32>, vector<1x512xf32> -> vector<1x512xf32>
      %swap3A_1598 = arith.index_cast %add3A_1584 : i32 to index
      %swap3A_1599 = arith.constant 0 : index
      %swap3A_1600 = vector.load %arg3[%swap3A_1598, %swap3A_1599] : memref<1024x512xf32, #tpu.memory_space<vmem>>, vector<1x512xf32>
      tpu.vector_store %arg3[%swap3A_1598, %swap3A_1599], %dot_general3A_1597 {strides = array<i32>} : memref<1024x512xf32, #tpu.memory_space<vmem>>, vector<1x512xf32>,
      %add3A_1601 = arith.constant 8 : i32
      %add3A_1602 = arith.addi %add3A_1425, %add3A_1601 : i32
      %lt3A_1603 = arith.constant 128 : i32
      %lt3A_1604 = arith.cmpi slt, %add3A_1602, %lt3A_1603 : i32
      %convert_element_type3A_1605 = arith.extui %lt3A_1604 : i1 to i32
      %cond3A_1606 = arith.constant 0 : i32
      %cond3A_1607 = arith.cmpi ne, %convert_element_type3A_1605, %cond3A_1606 : i32
      scf.if %cond3A_1607 {
        %mul3A_1608 = arith.constant 8 : i32
        %mul3A_1609 = arith.muli %add3A_1602, %mul3A_1608 : i32
        %dma_start3A_1610 = arith.constant 7 : i32
        %dma_start3A_1611 = arith.constant 7 : i32
        %dma_start3A_1612 = tpu.memref_slice %arg5[%dma_start3A_1611] : memref<8x!tpu.dma_semaphore, #tpu.memory_space<semaphore_mem>> -> memref<1x!tpu.dma_semaphore, #tpu.memory_space<semaphore_mem>>
        %dma_start3A_1613 = tpu.memref_squeeze %dma_start3A_1612 : memref<1x!tpu.dma_semaphore, #tpu.memory_space<semaphore_mem>> -> memref<!tpu.dma_semaphore, #tpu.memory_space<semaphore_mem>>
        %dma_start3A_1614 = arith.constant 0 : i32
        %dma_start3A_1615 = arith.constant 0 : i32
        %dma_start3A_1616 = arith.constant 0 : i32
        %dma_start3A_1617 = arith.constant 0 : i32
        %dma_start3A_1618 = tpu.memref_slice %arg4[%dma_start3A_1610, %dma_start3A_1614, %dma_start3A_1615, %dma_start3A_1616, %dma_start3A_1617] : memref<8x8x32x16x128xf32, #tpu.memory_space<vmem>> -> memref<1x8x32x16x128xf32, #tpu.memory_space<vmem>>
        %dma_start3A_1619 = tpu.memref_squeeze %dma_start3A_1618 : memref<1x8x32x16x128xf32, #tpu.memory_space<vmem>> -> memref<8x32x16x128xf32, #tpu.memory_space<vmem>>
        %dma_start3A_1620 = arith.constant 0 : i32
        %dma_start3A_1621 = arith.constant 0 : i32
        %dma_start3A_1622 = arith.constant 0 : i32
        %dma_start3A_1623 = tpu.memref_slice %arg0[%mul3A_1609, %dma_start3A_1620, %dma_start3A_1621, %dma_start3A_1622] : memref<1024x32x16x128xf32, #tpu.memory_space<any>> -> memref<8x32x16x128xf32, #tpu.memory_space<any>>
        tpu.enqueue_dma source(%dma_start3A_1623 : memref<8x32x16x128xf32, #tpu.memory_space<any>>) target(%dma_start3A_1619 : memref<8x32x16x128xf32, #tpu.memory_space<vmem>>) target_semaphore(%dma_start3A_1613 : memref<!tpu.dma_semaphore, #tpu.memory_space<semaphore_mem>>)
      } else {
      }
    }
    %scan3A_139 = arith.constant 16 : i32
    return
  }
}

</mosaic_0001>

<sc_bundles>
// kernel: kernel.4.cloned.1.call-start
scs
__scs_entry_jumppad:
0x0: {  	(pc) =	sbr.rel $0x88, $3  }
0x1: {  	(tag) =	ssettag $0x0;
	lr =	simm.s32 $0x1  }
0x2: {  	[smem:$0x3F9E] =	sst lr;
	_ =	strace $0xD0000000  }
0x3: {  	_ = 	snop  }
0x4: {  	_ = 	snop  }
0x5: {  	_ = 	snop  }
0x6: {  	_ = 	snop  }
0x7: {  	_ = 	snop  }
__scs_overlays_trampoline_lowered:
0x8: {  	[smem:$0x3FAD] =	sst s0  }
0x9: {  	[smem:$0x3FAE] =	sst s1  }
0xa: {  	[smem:$0x3FAF] =	sst s2  }
0xb: {  	[smem:$0x3FB0] =	sst s3  }
0xc: {  	[smem:$0x3FB1] =	sst s4  }
0xd: {  	[smem:$0x3FB2] =	sst s5  }
0xe: {  	[smem:$0x3FB3] =	sst s6  }
0xf: {  	[smem:$0x3FB4] =	sst s7  }
0x10: {  	[smem:$0x3FB5] =	sst s8  }
0x11: {  	[smem:$0x3FB6] =	sst s9;
	s0 =	simm.s32 @!p0 $0x0  }
0x12: {  	s1 =	sld [smem:$0x3F9C];
	s0 =	simm.s32 @p0 $0x1  }
0x13: {  	[smem:$0x3FB7] =	sst s0;
	s0 =	simm.s32 @!p1 $0x0  }
0x14: {  	s2 =	sld [smem:$0x3F9B];
	s0 =	simm.s32 @p1 $0x1  }
0x15: {  	[smem:$0x3FB8] =	sst s0;
	s0 =	simm.s32 @!p2 $0x0  }
0x16: {  	s3 =	sld [smem:$0x3FDB];
	s0 =	simm.s32 @p2 $0x1  }
0x17: {  	s4 =	simm.s32 $0x1BF5;
	[smem:$0x3FBA] =	sst s0  }
0x18: {  	s0 =	sld [smem:$0x3F9D];
	_ =	swait.ge [sflag:s4], $0x0  }
0x19: {  	s7 =	sld [smem:$0x3F9E]  }
0x1a: {  	s8 =	sadd.s32 $0xFFFFE003, lr  }
0x1b: {  	s9 =	sadd.s32 $0xFFFFFEF7, lr;
	s5 =	simm.s32 $0xFFFFFFFF;
	p2 =	slt.u32 s8, $0xFFFFF086  }
0x1c: {  	p1 =	slt.u32 s9, $0xF7A;
	s5 =	simm.s32 @!p2 $0x0  }
0x1d: {  	s5 =	simm.s32 @p1 $0x1;
	p0 =	seq.s32 s7, s2  }
0x1e: {  	s7 =	smul.u32 @!p0 $0xF7A, s2;
	p2 =	seq.s32 @!p0 s5, $0x0  }
0x1f: {  	s9 =	smul.u32 $0xF7A, s1;
	s8 =	simm.s32 @!p0 $0x1BF5;
	p2 =	por !p2, p0  }
0x20: {  	[sflag:s8] =	ssyncset.s32 @!p0 $0xFFFFF086;
	s6 =	sadd.s32 @!p0 s3, s7;
	s7 =	simm.s32 @!p0 $0x108  }
0x21: {  	s3 =	sadd.s32 s3, s9;
	s6 =	sadd.s32 @!p0 $0x88, s6;
	s7 =	simm.s32 @p2 $0x1082  }
0x22: {  	[simem:s7], [sflag:s8] =	dma.local @!p0 [hbm:s6], $0xF7A  }
0x23: {  	s9 =	sor.u32 $0xD0000000, s2;
	s6 =	simm.s32 $0x108;
	_ =	swait.ge @!p0 [sflag:s8], $0x0  }
0x24: {  	s3 =	sadd.s32 $0x88, s3;
	s6 =	simm.s32 @!p1 $0x1082;
	[sflag:s4] =	ssyncset.s32 $0xFFFFF086  }
0x25: {  	[simem:s6], [sflag:s4] =	dma.local [hbm:s3], $0xF7A  }
0x26: {  	[smem:$0x3F9E] =	sst s1;
	(tag) =	ssettag s2;
	_ =	strace s9  }
0x27: {  	s1 =	sld [smem:$0x3FAE]  }
0x28: {  	s2 =	sld [smem:$0x3FAF]  }
0x29: {  	s4 =	sld [smem:$0x3FB1]  }
0x2a: {  	p0 =	seq.s32 s5, $0x0;
	s5 =	sld [smem:$0x3FB2]  }
0x2b: {  	s6 =	sld [smem:$0x3FB3]  }
0x2c: {  	s7 =	sld [smem:$0x3FB4]  }
0x2d: {  	s3 =	simm.s32 $0x108;
	s8 =	sld [smem:$0x3FB5]  }
0x2e: {  	s3 =	simm.s32 @!p0 $0x1082;
	s9 =	sld [smem:$0x3FB6]  }
0x2f: {  	lr =	sadd.s32 s0, s3;
	s0 =	sld [smem:$0x3FAD]  }
0x30: {  	s3 =	sld [smem:$0x3FB0]  }
0x31: {  	[smem:$0x3FB9] =	sst s10  }
0x32: {  	s10 =	sld [smem:$0x3FB7];
	_ =	sdelay $0x3  }
0x33: {  	p0 =	seq.s32 s10, $0x1;
	s10 =	sld [smem:$0x3FB9];
	_ =	sdelay $0x3  }
0x34: {  	[smem:$0x3FB9] =	sst s10  }
0x35: {  	s10 =	sld [smem:$0x3FB8];
	_ =	sdelay $0x3  }
0x36: {  	p1 =	seq.s32 s10, $0x1;
	s10 =	sld [smem:$0x3FB9];
	_ =	sdelay $0x3  }
0x37: {  	[smem:$0x3FB9] =	sst s10  }
0x38: {  	s10 =	sld [smem:$0x3FBA]  }
0x39: {  	_ = 	snop;
	(pc) =	sbr.ind lr, $3  }
0x3a: {  	_ = 	snop  }
0x3b: {  	_ = 	snop  }
0x3c: {  	p2 =	seq.s32 s10, $0x1;
	s10 =	sld [smem:$0x3FB9]  }
0x3d: {  	_ =	shalt  }
0x3e: {  	_ =	shalt  }
0x3f: {  	_ =	shalt  }
0x40: {  	_ =	shalt  }
0x41: {  	_ =	shalt  }
0x42: {  	_ =	shalt  }
0x43: {  	_ =	shalt  }
0x44: {  	_ =	shalt  }
0x45: {  	_ =	shalt  }
0x46: {  	_ =	shalt  }
0x47: {  	_ =	shalt  }
0x48: {  	_ =	shalt  }
0x49: {  	_ =	shalt  }
0x4a: {  	_ =	shalt  }
0x4b: {  	_ =	shalt  }
0x4c: {  	_ =	shalt  }
0x4d: {  	_ =	shalt  }
0x4e: {  	_ =	shalt  }
0x4f: {  	_ =	shalt  }
0x50: {  	_ =	shalt  }
0x51: {  	_ =	shalt  }
0x52: {  	_ =	shalt  }
0x53: {  	_ =	shalt  }
0x54: {  	_ =	shalt  }
0x55: {  	_ =	shalt  }
0x56: {  	_ =	shalt  }
0x57: {  	_ =	shalt  }
0x58: {  	_ =	shalt  }
0x59: {  	_ =	shalt  }
0x5a: {  	_ =	shalt  }
0x5b: {  	_ =	shalt  }
0x5c: {  	_ =	shalt  }
0x5d: {  	_ =	shalt  }
0x5e: {  	_ =	shalt  }
0x5f: {  	_ =	shalt  }
0x60: {  	_ =	shalt  }
0x61: {  	_ =	shalt  }
0x62: {  	_ =	shalt  }
0x63: {  	_ =	shalt  }
0x64: {  	_ =	shalt  }
0x65: {  	_ =	shalt  }
0x66: {  	_ =	shalt  }
0x67: {  	_ =	shalt  }
0x68: {  	_ =	shalt  }
0x69: {  	_ =	shalt  }
0x6a: {  	_ =	shalt  }
0x6b: {  	_ =	shalt  }
0x6c: {  	_ =	shalt  }
0x6d: {  	_ =	shalt  }
0x6e: {  	_ =	shalt  }
0x6f: {  	_ =	shalt  }
0x70: {  	_ =	shalt  }
0x71: {  	_ =	shalt  }
0x72: {  	_ =	shalt  }
0x73: {  	_ =	shalt  }
0x74: {  	_ =	shalt  }
0x75: {  	_ =	shalt  }
0x76: {  	_ =	shalt  }
0x77: {  	_ =	shalt  }
0x78: {  	_ =	shalt  }
0x79: {  	_ =	shalt  }
0x7a: {  	_ =	shalt  }
0x7b: {  	_ =	shalt  }
0x7c: {  	_ =	shalt  }
0x7d: {  	_ =	shalt  }
0x7e: {  	_ =	shalt  }
0x7f: {  	_ =	shalt  }
0x80: {  	_ =	shalt  }
0x81: {  	_ =	shalt  }
0x82: {  	_ =	shalt  }
0x83: {  	_ =	shalt  }
0x84: {  	_ =	shalt  }
0x85: {  	_ =	shalt  }
0x86: {  	_ =	shalt  }
0x87: {  	_ =	shalt  }
.Lfunc_end0:
.L_simem_size_0:
called_computation_lowered:
.L_overlay_start_0:
0x88: {  	s2 =	sld [smem:$0x3FD9]  }
0x89: {  	s3 =	sld [smem:$0x3FFE];
	_ =	sdelay $0x1  }
0x8a: {  	s1 =	srdreg.scid  }
0x8b: {  	s0 =	sand.u32 $0x1, s1  }
0x8c: {  	s15 =	sshll.u32 s0, $0xA;
	s2 =	sadd.s32 s3, s2  }
0x8d: {  	s2 =	sadd.s32 s2, s15  }
0x8e: {  	[smem:$0x3FC5] =	sst s2  }
0x8f: {  	_ = 	snop  }
0x90: {  	s2 =	sld [smem:$0x3FD0];
	_ =	sdelay $0x1  }
0x91: {  	s16 =	sld [smem:$0x3FC8]  }
0x92: {  	s5 =	simm.s32 $0xA;
	s6 =	simm.s32 $0x10;
	s4 =	sld [smem:$0x3FC7]  }
0x93: {  	[smem:s6], [sflag:s5] =	dma.local [hbm:s2], $0x1  }
0x94: {  	_ =	swait.eq [sflag:s5], $0x1  }
0x95: {  	[sflag:s5] =	ssyncset.done $0x0  }
0x96: {  	[sflag:s5] =	ssyncadd.s32 $0xFFFFFFFF  }
0x97: {  	s17 =	sld [smem:$0x11];
	(tm) =	ssettm $0x1  }
0x98: {  	s18 =	sld [smem:$0x3FFB];
	_ =	sdelay $0x3  }
0x99: {  	_ =	strace s18  }
0x9a: {  	s5 =	sld [smem:$0x3FFC];
	_ =	sdelay $0x3  }
0x9b: {  	_ =	strace s5  }
0x9c: {  	s5 =	sld [smem:$0x3FFD];
	_ =	sdelay $0x3  }
0x9d: {  	_ =	strace s5  }
0x9e: {  	_ =	strace $0x8FFFFFFF  }
0x9f: {  	s19 =	sld [smem:$0x3FDB];
	_ =	sdelay $0x1  }
0xa0: {  	s20 =	simm.s32 $_scs_section_size  }
0xa1: {  	s7 =	simm.s32 $_size__tile_overlayer_lowered;
	s8 =	simm.s32 $_tile_overlayer_lowered  }
0xa2: {  	s23 =	simm.s32 $0x1BFF;
	s22 =	sshll.u32 s8, $0x1;
	s5 =	sadd.s32 s20, s19  }
0xa3: {  	s9 =	simm.s32 $0x0;
	s21 =	sshll.u32 s7, $0x1;
	s7 =	sadd.s32 s22, s5  }
0xa4: {  	[timem:s9], [sflag:s23] =	dma.local [hbm:s7], s21  }
0xa5: {  	_ =	swait.ge [sflag:s23], s21  }
0xa6: {  	s6 =	ssub.s32 $0x0, s21;
	[sflag:s23] =	ssyncset.done $0x0  }
0xa7: {  	[sflag:s23] =	ssyncadd.s32 s6;
	_ =	sdelay $0x1  }
0xa8: {  	s24 =	simm.s32 $0x1B8B  }
0xa9: {  	_ =	swait.ge [sflag:s24], $0x1  }
0xaa: {  	[sflag:s24] =	ssyncset.done $0x0  }
0xab: {  	s25 =	simm.s32 $0x1B8E;
	[sflag:s24] =	ssyncadd.s32 $0xFFFFFFFF  }
0xac: {  	s26 =	simm.s32 $execute0_lowered;
	[smem:$0x3FD2] =	sst s25  }
0xad: {  	s6 =	sshll.u32 s26, $0x1;
	_ =	strace $0x80000046;
	[dreg:$0x1] =	wrdreg $0xFFFFFFFF  }
0xae: {  	s28 =	simm.s32 $_size_execute0_lowered;
	s5 =	sadd.s32 s5, s6;
	[dreg:$0x0] =	wrdreg $0x0  }
0xaf: {  	s6 =	sshll.u32 s28, $0x1;
	[dreg:$0x2] =	wrdreg s5  }
0xb0: {  	[dreg:$0x3] =	wrdreg s6  }
0xb1: {  	[dreg:$0x4] =	wrdreg $0xC0  }
0xb2: {  	_ =	task [dreg:s9], $0x5FFFF  }
0xb3: {  	[dreg:$0x1] =	wrdreg $0xFFFFFFFF  }
0xb4: {  	[dreg:$0x0] =	wrdreg $0x60  }
0xb5: {  	[dreg:$0x2] =	wrdreg s4  }
0xb6: {  	[dreg:$0x3] =	wrdreg s16  }
0xb7: {  	[dreg:$0x4] =	wrdreg s17  }
0xb8: {  	[dreg:$0x5] =	wrdreg $0x9  }
0xb9: {  	_ =	task.clear_ibuf [dreg:s9], $0x6FFFF;
	_ =	strace $0x90000046  }
0xba: {  	s29 =	simm.s32 $0x9;
	_ =	strace $0x80000048  }
0xbb: {  	_ =	swait.ge [sflag:s29], $0x1  }
0xbc: {  	[sflag:s29] =	ssyncadd.s32 $0xFFFFFFFF  }
0xbd: {  	_ =	strace $0x90000048  }
0xbe: {  	_ =	sfence  }
0xbf: {  	s30 =	sld [smem:$0x0];
	_ =	sdelay $0x2  }
0xc0: {  	s31 =	sshll.u32 s1, $0xD;
	s1 =	sshrl.u32 s1, $0x2  }
0xc1: {  	s3 =	sand.u32 $0x4000, s31;
	s1 =	sadd.s32 s1, s30  }
0xc2: {  	s0 =	sor.u32 s3, s0;
	s1 =	sshll.u32 s1, $0x11  }
0xc3: {  	s0 =	sor.u32 s1, s0  }
0xc4: {  	s0 =	sadd.s32 $0x8F2B, s0  }
0xc5: {  	[sflag:s0] =	ssyncadd.remote.s32 $0x1  }
0xc6: {  	_ =	sfence.sel $0xFFFF  }
0xc7: {  	[dreg:$0x0] =	wrdreg $0xFFFFFFFF;
	(pc) =	sbr.abs _section_cstart, $3  }
0xc8: {  	[dreg:$0x1] =	wrdreg $0xFFFFFFFF  }
0xc9: {  	_ =	task.clear_ibuf [dreg:s9], $0x2FFFF;
	_ =	strace $0x9FFFFFFF  }
0xca: {  	(tm) =	ssettm $0x7FFFFFFF  }
0xcb: {  	_ =	shalt  }
tec
execute0_lowered:
.L_overlay_start_1:
0x0: {  	(tag) =	ssettag $0x1  }
0x1: {  	v0 =	vimm.s32 $0xFEDCBA98;
	v1 =	vimm.s32 $0x76543210  }
0x2: {  	s0 =	rddreg [dreg:$0x0];
	v2 =	vimm.s32 $0xBA98FEDC;
	v3 =	vimm.s32 $0x32107654;
	v4 =	vimm.s32 $0xDCFE98BA  }
0x3: {  	s4 =	rddreg [dreg:$0x1];
	v5 =	vimm.s32 $0x54761032;
	v6 =	vimm.s32 $0xEFCDAB89;
	v7 =	vimm.s32 $0x67452301  }
0x4: {  	s5 =	rddreg [dreg:$0x2];
	v0 =	vunpack.c.l.s4.s8 v0;
	v1 =	vunpack.c.l.s4.s8 v1;
	v2 =	vunpack.c.l.s4.s8 v2  }
0x5: {  	s1 =	rddreg [dreg:$0x3];
	s6 =	srdreg.scid;
	v3 =	vunpack.c.l.s4.s8 v3;
	v4 =	vunpack.c.l.s4.s8 v4;
	v5 =	vunpack.c.l.s4.s8 v5  }
0x6: {  	s3 =	simm.s32 $0x0;
	s2 =	stileid.u32;
	s10 =	simm.s32 $0x1;
	v6 =	vunpack.c.l.s4.s8 v6;
	v7 =	vunpack.c.l.s4.s8 v7;
	v0 =	vunpack.c.0.s8.s32 v0  }
0x7: {  	s11 =	simm.s32 $0x0;
	s6 =	sand.u32 $0x1, s6;
	[smem:$0x7FF] =	sst s3;
	v2 =	vunpack.c.0.s8.s32 v2;
	v3 =	vunpack.c.0.s8.s32 v3;
	v4 =	vunpack.c.0.s8.s32 v4  }
0x8: {  	s7 =	sshll.u32 s2, $0x6;
	s8 =	sshll.u32 s6, $0x5;
	s6 =	ssub.s32 $0x2, s6;
	v5 =	vunpack.c.0.s8.s32 v5;
	v6 =	vunpack.c.0.s8.s32 v6;
	v7 =	vunpack.c.0.s8.s32 v7  }
0x9: {  	_ =	strace $0x80000047;
	s7 =	sor.u32 s8, s7;
	s31 =	sshrl.u32 s6, $0x1;
	v1 =	vunpack.c.0.s8.s32 v1;
	v2 =	vcombine.low v3, v2  }
0xa: {  	s8 =	simm.s32 $0x20;
	s9 =	sshrl.u32 s7, $0x3;
	s7 =	sshll.u32 s7, $0x4;
	v3 =	vcombine.low v5, v4;
	v4 =	vcombine.low v7, v6;
	v0 =	vand.u32 $0xF, v0  }
0xb: {  	s6 =	ssub.s32 s6, s31;
	s4 =	sadd.s32 s4, s9;
	s5 =	sadd.s32 s5, s7;
	v0 =	vcombine.low v0, v1  }
0xc: {  	s6 =	smax.u32 s6, $0x1;
	s7 =	simm.s32 $0x2;
	s9 =	simm.s32 $0x80;
	v1 =	vand.u32 $0xF, v2;
	v2 =	vand.u32 $0xF, v3;
	v3 =	vand.u32 $0xF, v4  }
.LBB2_1:
0xd: {  	[tilespmem:s3], [sflag:$0x2] =	stream.linear.gather [hbm4b:s4+s3], $0x20, $0x38;
	[tilespmem:$0x1080] =	vst v63  }
0xe: {  	_ =	swait.ge [sflag:s7], $0x20  }
0xf: {  	[sflag:s7] =	ssyncset.done $0x0  }
0x10: {  	[sflag:s7] =	ssyncadd.s32 $0xFFFFFFE0  }
0x11: {  	[tilespmem:s9], [sflag:$0x1] =	stream.indirect.gather [hbm4b:s0+s8], $0x80, s3, s8, $0xb8;
	[tilespmem:$0x1080] =	vst v63  }
0x12: {  	_ =	swait.ge [sflag:s10], $0x1000  }
0x13: {  	[sflag:s10] =	ssyncset.done $0x0  }
0x14: {  	s12 =	simm.s32 $0x0;
	[sflag:s10] =	ssyncadd.s32 $0xFFFFF000  }
0x15: {  	v4 =	vld [tilespmem:s12+$0x90]  }
0x16: {  	v5 =	vld [tilespmem:s12+$0x80]  }
0x17: {  	v6 =	vld [tilespmem:s12+$0xA0]  }
0x18: {  	v7 =	vld [tilespmem:s12+$0xB0]  }
0x19: {  	v8 =	vld [tilespmem:s12+$0xC0]  }
0x1a: {  	v9 =	vld [tilespmem:s12+$0xD0]  }
0x1b: {  	v10 =	vld [tilespmem:s12+$0xE0];
	v11 =	vmax.f32 v5, v4  }
0x1c: {  	v12 =	vld [tilespmem:s12+$0xF0];
	v11 =	vmax.f32 v11, v6  }
0x1d: {  	v11 =	vmax.f32 v11, v7  }
0x1e: {  	v11 =	vmax.f32 v11, v8  }
0x1f: {  	v11 =	vmax.f32 v11, v9  }
0x20: {  	v11 =	vmax.f32 v11, v10  }
0x21: {  	v11 =	vmax.f32 v11, v12  }
0x22: {  	v13 =	vperm.xlane v11, v0;
	_ =	sdelay $0x1  }
0x23: {  	v11 =	vmax.f32 v11, v13  }
0x24: {  	v13 =	vperm.xlane v11, v1;
	_ =	sdelay $0x1  }
0x25: {  	v11 =	vmax.f32 v11, v13  }
0x26: {  	v13 =	vperm.xlane v11, v2;
	_ =	sdelay $0x1  }
0x27: {  	v11 =	vmax.f32 v11, v13  }
0x28: {  	v13 =	vperm.xlane v11, v3;
	_ =	sdelay $0x1  }
0x29: {  	v11 =	vmax.f32 v11, v13  }
0x2a: {  	v5 =	vsub.f32 v5, v11  }
0x2b: {  	v4 =	vsub.f32 v4, v11  }
0x2c: {  	v6 =	vsub.f32 v6, v11;
	v5 =	vmul.f32 $1.442695020e+00, v5  }
0x2d: {  	v4 =	vmul.f32 $1.442695020e+00, v4  }
0x2e: {  	(erf) = vpow2.f32 v5;
	v5 =	vmul.f32 $1.442695020e+00, v6;
	v6 =	vsub.f32 v7, v11  }
0x2f: {  	(erf) = vpow2.f32 v4  }
0x30: {  	v4 =	vmul.f32 $1.442695020e+00, v6;
	v6 =	vsub.f32 v8, v11  }
0x31: {  	(erf) = vpow2.f32 v5  }
0x32: {  	v5 =	vmul.f32 $1.442695020e+00, v6;
	v6 =	vsub.f32 v9, v11  }
0x33: {  	(erf) = vpow2.f32 v4  }
0x34: {  	v4 =	vmul.f32 $1.442695020e+00, v6;
	v6 =	vsub.f32 v10, v11  }
0x35: {  	(erf) = vpow2.f32 v5  }
0x36: {  	v5 =	vmul.f32 $1.442695020e+00, v6;
	v6 =	vsub.f32 v12, v11  }
0x37: {  	v7 =	vpop (erf);
	(erf) = vpow2.f32 v4  }
0x38: {  	v4 =	vpop (erf);
	v6 =	vmul.f32 $1.442695020e+00, v6  }
0x39: {  	(erf) = vpow2.f32 v5;
	v8 =	vadd.f32 v4, v7  }
0x3a: {  	v5 =	vpop (erf)  }
0x3b: {  	(erf) = vpow2.f32 v6;
	v8 =	vadd.f32 v8, v5  }
0x3c: {  	v6 =	vpop (erf)  }
0x3d: {  	v8 =	vadd.f32 v8, v6  }
0x3e: {  	v9 =	vpop (erf)  }
0x3f: {  	v8 =	vadd.f32 v8, v9  }
0x40: {  	v10 =	vpop (erf)  }
0x41: {  	v8 =	vadd.f32 v8, v10  }
0x42: {  	v11 =	vpop (erf)  }
0x43: {  	v8 =	vadd.f32 v8, v11  }
0x44: {  	v61 =	vpop (erf)  }
0x45: {  	v8 =	vadd.f32 v8, v61;
	_ =	sdelay $0x1  }
0x46: {  	v62 =	vperm.xlane v8, v0;
	_ =	sdelay $0x1  }
0x47: {  	v8 =	vadd.f32 v8, v62;
	_ =	sdelay $0x1  }
0x48: {  	v13 =	vperm.xlane v8, v1;
	_ =	sdelay $0x1  }
0x49: {  	v8 =	vadd.f32 v8, v13;
	_ =	sdelay $0x1  }
0x4a: {  	v13 =	vperm.xlane v8, v2;
	_ =	sdelay $0x1  }
0x4b: {  	v8 =	vadd.f32 v8, v13;
	_ =	sdelay $0x1  }
0x4c: {  	v13 =	vperm.xlane v8, v3;
	_ =	sdelay $0x1  }
0x4d: {  	v8 =	vadd.f32 v8, v13;
	_ =	sdelay $0x1  }
0x4e: {  	(erf) = vrcp.f32 v8;
	_ =	sdelay $0x8  }
0x4f: {  	v63 =	vpop (erf)  }
0x50: {  	v7 =	vmul.f32 v63, v7  }
0x51: {  	v4 =	vmul.f32 v63, v4  }
0x52: {  	v5 =	vmul.f32 v63, v5;
	[tilespmem:s12+$0x80] =	vst v7  }
0x53: {  	s14 =	simm.s32 $0x80;
	v14 =	vmul.f32 v63, v6;
	[tilespmem:s12+$0x90] =	vst v4  }
0x54: {  	v9 =	vmul.f32 v63, v9;
	v8 =	vmul.f32 v63, v11;
	v4 =	vld [tilespmem:s14+$0x90];
	[tilespmem:s12+$0xA0] =	vst v5  }
0x55: {  	s13 =	simm.s32 $0x400;
	v6 =	vmul.f32 v63, v61;
	v7 =	vmul.f32 v63, v10;
	v5 =	vld [tilespmem:s14+$0x80];
	[tilespmem:s12+$0xB0] =	vst v14  }
.LBB2_2:
0x56: {  	p0 =	sne.s32 s13, $0x3E00;
	v10 =	vld [tilespmem:s14+$0xA0];
	[tilespmem:s12+$0xC0] =	vst v9  }
0x57: {  	v9 =	vld [tilespmem:s14+$0xB0];
	[tilespmem:s12+$0xD0] =	vst v7  }
0x58: {  	v7 =	vld [tilespmem:s14+$0xC0];
	[tilespmem:s12+$0xE0] =	vst v8  }
0x59: {  	v8 =	vld [tilespmem:s14+$0xD0];
	[tilespmem:s12+$0xF0] =	vst v6;
	s12 =	smov.u32 s14  }
0x5a: {  	v6 =	vld [tilespmem:s12+$0xE0];
	v11 =	vmax.f32 v5, v4  }
0x5b: {  	v12 =	vld [tilespmem:s12+$0xF0];
	v11 =	vmax.f32 v11, v10  }
0x5c: {  	v11 =	vmax.f32 v11, v9  }
0x5d: {  	v11 =	vmax.f32 v11, v7  }
0x5e: {  	v11 =	vmax.f32 v11, v8  }
0x5f: {  	v11 =	vmax.f32 v11, v6  }
0x60: {  	v11 =	vmax.f32 v11, v12  }
0x61: {  	v13 =	vperm.xlane v11, v0;
	_ =	sdelay $0x1  }
0x62: {  	v11 =	vmax.f32 v11, v13  }
0x63: {  	v13 =	vperm.xlane v11, v1;
	_ =	sdelay $0x1  }
0x64: {  	v11 =	vmax.f32 v11, v13  }
0x65: {  	v13 =	vperm.xlane v11, v2;
	_ =	sdelay $0x1  }
0x66: {  	v11 =	vmax.f32 v11, v13  }
0x67: {  	v13 =	vperm.xlane v11, v3;
	_ =	sdelay $0x1  }
0x68: {  	v11 =	vmax.f32 v11, v13  }
0x69: {  	v5 =	vsub.f32 v5, v11  }
0x6a: {  	v4 =	vsub.f32 v4, v11  }
0x6b: {  	v5 =	vmul.f32 $1.442695020e+00, v5  }
0x6c: {  	v10 =	vsub.f32 v10, v11;
	v4 =	vmul.f32 $1.442695020e+00, v4  }
0x6d: {  	(erf) = vpow2.f32 v5  }
0x6e: {  	v9 =	vsub.f32 v9, v11;
	v5 =	vmul.f32 $1.442695020e+00, v10;
	(erf) = vpow2.f32 v4;
	_ =	sdelay $0x1  }
0x6f: {  	v7 =	vsub.f32 v7, v11;
	v4 =	vmul.f32 $1.442695020e+00, v9;
	(erf) = vpow2.f32 v5;
	_ =	sdelay $0x1  }
0x70: {  	v5 =	vmul.f32 $1.442695020e+00, v7;
	v7 =	vsub.f32 v8, v11;
	(erf) = vpow2.f32 v4;
	_ =	sdelay $0x1  }
0x71: {  	v6 =	vsub.f32 v6, v11;
	v8 =	vmul.f32 $1.442695020e+00, v7;
	(erf) = vpow2.f32 v5;
	_ =	sdelay $0x1  }
0x72: {  	v9 =	vmul.f32 $1.442695020e+00, v6;
	v6 =	vsub.f32 v12, v11;
	v7 =	vpop (erf);
	(erf) = vpow2.f32 v8  }
0x73: {  	v4 =	vpop (erf)  }
0x74: {  	v10 =	vmul.f32 $1.442695020e+00, v6;
	v8 =	vadd.f32 v4, v7;
	(erf) = vpow2.f32 v9  }
0x75: {  	v5 =	vpop (erf)  }
0x76: {  	v8 =	vadd.f32 v8, v5;
	(erf) = vpow2.f32 v10  }
0x77: {  	v6 =	vpop (erf)  }
0x78: {  	v8 =	vadd.f32 v8, v6  }
0x79: {  	v9 =	vpop (erf)  }
0x7a: {  	v8 =	vadd.f32 v8, v9  }
0x7b: {  	v10 =	vpop (erf)  }
0x7c: {  	v8 =	vadd.f32 v8, v10  }
0x7d: {  	v11 =	vpop (erf)  }
0x7e: {  	v8 =	vadd.f32 v8, v11  }
0x7f: {  	v12 =	vpop (erf)  }
0x80: {  	v8 =	vadd.f32 v8, v12;
	_ =	sdelay $0x1  }
0x81: {  	v13 =	vperm.xlane v8, v0;
	_ =	sdelay $0x1  }
0x82: {  	v8 =	vadd.f32 v8, v13;
	_ =	sdelay $0x1  }
0x83: {  	v13 =	vperm.xlane v8, v1;
	_ =	sdelay $0x1  }
0x84: {  	v8 =	vadd.f32 v8, v13;
	_ =	sdelay $0x1  }
0x85: {  	v13 =	vperm.xlane v8, v2;
	_ =	sdelay $0x1  }
0x86: {  	v8 =	vadd.f32 v8, v13;
	_ =	sdelay $0x1  }
0x87: {  	v13 =	vperm.xlane v8, v3;
	_ =	sdelay $0x1  }
0x88: {  	v8 =	vadd.f32 v8, v13;
	_ =	sdelay $0x1  }
0x89: {  	(erf) = vrcp.f32 v8;
	_ =	sdelay $0x8  }
0x8a: {  	v13 =	vpop (erf)  }
0x8b: {  	v7 =	vmul.f32 v13, v7;
	v4 =	vmul.f32 v13, v4  }
.Ltmp0:
0x8c: {  	v5 =	vmul.f32 v13, v5;
	v14 =	vmul.f32 v13, v6;
	(pc) =	sbr.rel @p0 .LBB2_2-.Ltmp0, $4  }
0x8d: {  	v9 =	vmul.f32 v13, v9;
	[tilespmem:s12+$0x80] =	vst v7;
	v7 =	vmul.f32 v13, v10  }
0x8e: {  	s14 =	sshra.s32 s13, $0x2;
	v8 =	vmul.f32 v13, v11;
	v6 =	vmul.f32 v13, v12;
	[tilespmem:s12+$0x90] =	vst v4  }
0x8f: {  	v4 =	vld [tilespmem:s14+$0x90];
	[tilespmem:s12+$0xA0] =	vst v5  }
0x90: {  	s13 =	sadd.s32 $0x200, s13;
	v5 =	vld [tilespmem:s14+$0x80];
	[tilespmem:s12+$0xB0] =	vst v14  }
0x91: {  	v10 =	vld [tilespmem:s14+$0xA0];
	[tilespmem:s12+$0xC0] =	vst v9  }
0x92: {  	v9 =	vld [tilespmem:s14+$0xB0];
	[tilespmem:s12+$0xD0] =	vst v7  }
0x93: {  	v7 =	vld [tilespmem:s14+$0xC0];
	[tilespmem:s12+$0xE0] =	vst v8  }
0x94: {  	v8 =	vld [tilespmem:s14+$0xD0];
	[tilespmem:s12+$0xF0] =	vst v6  }
0x95: {  	v6 =	vld [tilespmem:s14+$0xE0];
	v11 =	vmax.f32 v5, v4  }
0x96: {  	v12 =	vld [tilespmem:s14+$0xF0];
	v11 =	vmax.f32 v11, v10  }
0x97: {  	v11 =	vmax.f32 v11, v9  }
0x98: {  	v11 =	vmax.f32 v11, v7  }
0x99: {  	v11 =	vmax.f32 v11, v8  }
0x9a: {  	v11 =	vmax.f32 v11, v6  }
0x9b: {  	v11 =	vmax.f32 v11, v12  }
0x9c: {  	v13 =	vperm.xlane v11, v0;
	_ =	sdelay $0x1  }
0x9d: {  	v11 =	vmax.f32 v11, v13  }
0x9e: {  	v13 =	vperm.xlane v11, v1;
	_ =	sdelay $0x1  }
0x9f: {  	v11 =	vmax.f32 v11, v13  }
0xa0: {  	v13 =	vperm.xlane v11, v2;
	_ =	sdelay $0x1  }
0xa1: {  	v11 =	vmax.f32 v11, v13  }
0xa2: {  	v13 =	vperm.xlane v11, v3;
	_ =	sdelay $0x1  }
0xa3: {  	v11 =	vmax.f32 v11, v13  }
0xa4: {  	v5 =	vsub.f32 v5, v11  }
0xa5: {  	v4 =	vsub.f32 v4, v11  }
0xa6: {  	v5 =	vmul.f32 $1.442695020e+00, v5  }
0xa7: {  	v10 =	vsub.f32 v10, v11;
	v4 =	vmul.f32 $1.442695020e+00, v4  }
0xa8: {  	(erf) = vpow2.f32 v5  }
0xa9: {  	v9 =	vsub.f32 v9, v11;
	v5 =	vmul.f32 $1.442695020e+00, v10;
	(erf) = vpow2.f32 v4;
	_ =	sdelay $0x1  }
0xaa: {  	v7 =	vsub.f32 v7, v11;
	v4 =	vmul.f32 $1.442695020e+00, v9;
	(erf) = vpow2.f32 v5  }
0xab: {  	v53 =	vsub.f32 v8, v11  }
0xac: {  	v5 =	vmul.f32 $1.442695020e+00, v7;
	(erf) = vpow2.f32 v4  }
0xad: {  	v6 =	vsub.f32 v6, v11;
	v4 =	vmul.f32 $1.442695020e+00, v53  }
0xae: {  	(erf) = vpow2.f32 v5  }
0xaf: {  	v5 =	vmul.f32 $1.442695020e+00, v6  }
0xb0: {  	v54 =	vsub.f32 v12, v11;
	v55 =	vpop (erf);
	(erf) = vpow2.f32 v4  }
0xb1: {  	v4 =	vpop (erf)  }
0xb2: {  	v6 =	vmul.f32 $1.442695020e+00, v54;
	(erf) = vpow2.f32 v5;
	v56 =	vadd.f32 v4, v55  }
0xb3: {  	v5 =	vpop (erf)  }
0xb4: {  	(erf) = vpow2.f32 v6;
	v8 =	vadd.f32 v56, v5  }
0xb5: {  	v57 =	vpop (erf)  }
0xb6: {  	v8 =	vadd.f32 v8, v57  }
0xb7: {  	v58 =	vpop (erf)  }
0xb8: {  	v8 =	vadd.f32 v8, v58  }
0xb9: {  	v59 =	vpop (erf)  }
0xba: {  	v8 =	vadd.f32 v8, v59  }
0xbb: {  	v60 =	vpop (erf)  }
0xbc: {  	v8 =	vadd.f32 v8, v60  }
0xbd: {  	v61 =	vpop (erf)  }
0xbe: {  	v8 =	vadd.f32 v8, v61;
	_ =	sdelay $0x1  }
0xbf: {  	v62 =	vperm.xlane v8, v0;
	_ =	sdelay $0x1  }
0xc0: {  	v8 =	vadd.f32 v8, v62;
	_ =	sdelay $0x1  }
0xc1: {  	v13 =	vperm.xlane v8, v1;
	_ =	sdelay $0x1  }
0xc2: {  	v8 =	vadd.f32 v8, v13;
	_ =	sdelay $0x1  }
0xc3: {  	v13 =	vperm.xlane v8, v2;
	_ =	sdelay $0x1  }
0xc4: {  	v8 =	vadd.f32 v8, v13;
	_ =	sdelay $0x1  }
0xc5: {  	v13 =	vperm.xlane v8, v3;
	_ =	sdelay $0x1  }
0xc6: {  	v8 =	vadd.f32 v8, v13;
	_ =	sdelay $0x1  }
0xc7: {  	(erf) = vrcp.f32 v8;
	_ =	sdelay $0x8  }
0xc8: {  	v8 =	vpop (erf)  }
0xc9: {  	v7 =	vmul.f32 v8, v55  }
0xca: {  	v4 =	vmul.f32 v8, v4  }
0xcb: {  	v5 =	vmul.f32 v8, v5;
	[tilespmem:s14+$0x80] =	vst v7  }
0xcc: {  	v6 =	vmul.f32 v8, v57;
	[tilespmem:s14+$0x90] =	vst v4  }
0xcd: {  	v63 =	vmul.f32 v8, v60;
	[tilespmem:s14+$0xA0] =	vst v5  }
0xce: {  	v4 =	vmul.f32 v8, v58;
	[tilespmem:s14+$0xB0] =	vst v6  }
0xcf: {  	v5 =	vmul.f32 v8, v59;
	[tilespmem:s14+$0xE0] =	vst v63  }
0xd0: {  	s11 =	sadd.s32 $0x1, s11;
	[tilespmem:s14+$0xC0] =	vst v4;
	v4 =	vmul.f32 v8, v61  }
0xd1: {  	p0 =	sne.s32 s11, s6;
	[tilespmem:s14+$0xD0] =	vst v5  }
.Ltmp1:
0xd2: {  	[tilespmem:s14+$0xF0] =	vst v4;
	(pc) =	sbr.rel @p0 .LBB2_1-.Ltmp1, $4  }
0xd3: {  	[hbm4b:s5+s3] =	stream.linear.scatter [tilespmem:s9], [sflag:$0x2], $0x1000, $0x38;
	[tilespmem:$0x1080] =	vst v63  }
0xd4: {  	_ =	swait.ge [sflag:s7], $0x1000  }
0xd5: {  	[sflag:s7] =	ssyncset.done $0x0  }
0xd6: {  	[sflag:s7] =	ssyncadd.s32 $0xFFFFF000  }
0xd7: {  	_ =	sfence.sel $0x180000  }
0xd8: {  	[bflag:$0x0] =	sbarrier.arrive $0xFFFF  }
0xd9: {  	p0 =	sne.s32 s2, $0x0;
	_ =	strace $0x90000047  }
0xda: {  	s0 =	sadd.s32 @!p0 $0x100000, s1;
	[bflag:$0x2] =	sbarrier.arrive $0xFFFF  }
0xdb: {  	[sflag:s0] =	ssyncadd.tile.s32 @!p0 $0x1;
	_ =	shalt  }
.Lfunc_end2:
_tile_overlayer_lowered:
.L_overlay_start_2:
0xdc: {  	(tag) =	ssettag $0x2  }
0xdd: {  	s0 =	rddreg [dreg:$0x0];
	s2 =	stileid.u32  }
0xde: {  	s1 =	rddreg [dreg:$0x1];
	p0 =	sne.s32 s2, $0x0  }
0xdf: {  	s3 =	rddreg [dreg:$0x2];
	[bflag:$0x3] =	sbarrier.arrive $0xFFFF;
	s2 =	simm.s32 @!p0 $0x1C02  }
0xe0: {  	[timem:s3], [sflag:s2] =	dma.local @!p0 [hbm:s0], s1  }
0xe1: {  	s0 =	simm.s32 @!p0 $0x2  }
0xe2: {  	_ =	swait.ge @!p0 [sflag:s0], s1  }
0xe3: {  	s1 =	ssub.s32 @!p0 $0x0, s1;
	[sflag:s0] =	ssyncset.done @!p0 $0x0  }
0xe4: {  	[sflag:s0] =	ssyncadd.s32 @!p0 s1  }
0xe5: {  	[bflag:$0x3] =	sbarrier.arrive $0xFFFF  }
0xe6: {  	_ =	shalt  }

</sc_bundles>
